<compile_context>
chip_gen: v7x
topology: tpu7x:2x2x1
jax: 0.10.2.dev20260603
libtpu: 0.0.44.dev20260713+nightly
codegen_flags: <defaults>
</compile_context>

<pallas_src>
import functools

import jax
import jax.numpy as jnp
from jax import lax
from jax.experimental import pallas as pl
from jax.experimental.pallas import tpu as pltpu
from jax.experimental.pallas import tpu_sc as plsc

N_NODES = 100000
C_DIM = 128
KVOL = 27
E_PER = 20000
E = KVOL * E_PER
KV_A = 14
E_A = KV_A * E_PER
E_B = E - E_A
EA_PAD = 280064
EB_PAD = 260096
OM_PAD = 557056
EPW = OM_PAD // 16

N_CHUNK = 8
CH = 12544
ACC_ROWS = 12608
DUMMY_ROW = 12544
ZROWS = CH // 16
LAST_REAL = N_NODES - (N_CHUNK - 1) * CH
SENTINEL = 1 << 28

_mesh = lambda: plsc.VectorSubcoreMesh(core_axis_name="c", subcore_axis_name="s")
_sc_params = lambda: pltpu.CompilerParams(needs_layout_passes=False)


def _sc_gather(x, im, n_pad):
    nb_tot = n_pad // 128

    @functools.partial(
        pl.kernel,
        out_type=jax.ShapeDtypeStruct((n_pad, C_DIM), jnp.float32),
        mesh=_mesh(),
        scratch_types=[
            pltpu.VMEM((2, 128), jnp.int32),
            pltpu.VMEM((2, 128, C_DIM), jnp.float32),
            pltpu.SemaphoreType.DMA((2,)),
            pltpu.SemaphoreType.DMA((2,)),
            pltpu.SemaphoreType.DMA((2,)),
        ],
        compiler_params=_sc_params(),
    )
    def k(x_hbm, im_hbm, g_hbm, idxs, rows, isem, gsem, wsem):
        w = lax.axis_index("s") * 2 + lax.axis_index("c")
        nb = jnp.where(w < nb_tot - 32 * (nb_tot // 32), nb_tot // 32 + 1,
                       nb_tot // 32)

        def boff(t):
            return (w + 32 * t) * 128

        def start_idx(t):
            s = lax.rem(t, 2)
            pltpu.async_copy(im_hbm.at[pl.ds(boff(t), 128)], idxs.at[s],
                             isem.at[s])

        def wait_idx(t):
            s = lax.rem(t, 2)
            pltpu.make_async_copy(im_hbm.at[pl.ds(boff(t), 128)],
                                  idxs.at[s], isem.at[s]).wait()

        def start_gather(t):
            s = lax.rem(t, 2)
            pltpu.async_copy(x_hbm.at[idxs.at[s]], rows.at[s], gsem.at[s])

        def wait_gather(t):
            s = lax.rem(t, 2)
            pltpu.make_async_copy(x_hbm.at[idxs.at[s]], rows.at[s],
                                  gsem.at[s]).wait()

        def start_wb(t):
            s = lax.rem(t, 2)
            pltpu.async_copy(rows.at[s], g_hbm.at[pl.ds(boff(t), 128)],
                             wsem.at[s])

        def wait_wb(t):
            s = lax.rem(t, 2)
            pltpu.make_async_copy(rows.at[s], g_hbm.at[pl.ds(boff(t), 128)],
                                  wsem.at[s]).wait()

        start_idx(0)

        def it(t, carry):
            @pl.when(t >= 2)
            def _():
                wait_wb(t - 2)

            @pl.when(t >= 1)
            def _():
                wait_gather(t - 1)

            @pl.when(t + 1 < nb)
            def _():
                start_idx(t + 1)

            @pl.when(t >= 1)
            def _():
                start_wb(t - 1)

            wait_idx(t)
            start_gather(t)
            return carry

        lax.fori_loop(0, nb, it, 0)
        wait_gather(nb - 1)
        start_wb(nb - 1)
        wait_wb(nb - 2)
        wait_wb(nb - 1)

    return k(x, im)


_BLK = 2000
_EB = E_PER // _BLK


def _tc_matmul_a(g, wts):
    def mm(g_ref, w_ref, o_ref):
        o_ref[...] = jnp.dot(g_ref[...], w_ref[0], preferred_element_type=jnp.float32)

    return pl.pallas_call(
        mm,
        grid=(KV_A, _EB),
        in_specs=[
            pl.BlockSpec((_BLK, C_DIM), lambda k, e: (k * _EB + e, 0)),
            pl.BlockSpec((1, C_DIM, C_DIM), lambda k, e: (k, 0, 0)),
        ],
        out_specs=pl.BlockSpec((_BLK, C_DIM), lambda k, e: (k * _EB + e, 0)),
        out_shape=jax.ShapeDtypeStruct((E, C_DIM), jnp.float32),
    )(g, wts)


def _tc_matmul_b(g, wts, acc):
    def mm(g_ref, w_ref, a_ref, o_ref):
        o_ref[...] = jnp.dot(g_ref[...], w_ref[0], preferred_element_type=jnp.float32)

    base = E_A // _BLK
    return pl.pallas_call(
        mm,
        grid=(KVOL - KV_A, _EB),
        in_specs=[
            pl.BlockSpec((_BLK, C_DIM), lambda k, e: (k * _EB + e, 0)),
            pl.BlockSpec((1, C_DIM, C_DIM), lambda k, e: (k + KV_A, 0, 0)),
            pl.BlockSpec(memory_space=pl.ANY),
        ],
        out_specs=pl.BlockSpec((_BLK, C_DIM), lambda k, e: (base + k * _EB + e, 0)),
        out_shape=jax.ShapeDtypeStruct((E, C_DIM), jnp.float32),
        input_output_aliases={2: 0},
    )(g, wts, acc)


def _sc_scatter(contrib, om, zrows):
    @functools.partial(
        pl.kernel,
        out_type=jax.ShapeDtypeStruct((N_NODES, C_DIM), jnp.float32),
        mesh=_mesh(),
        scratch_types=[
            pltpu.VMEM((2, 1024), jnp.int32),
            pltpu.VMEM((512,), jnp.int32),
            pltpu.VMEM((512,), jnp.int32),
            pltpu.VMEM((3, 64), jnp.int32),
            pltpu.VMEM((3, 64), jnp.int32),
            pltpu.VMEM((3, 64, C_DIM), jnp.float32),
            pltpu.VMEM_SHARED((ACC_ROWS, C_DIM), jnp.float32),
            pltpu.SemaphoreType.DMA((2,)),
            pltpu.SemaphoreType.DMA((3,)),
            pltpu.SemaphoreType.DMA((3,)),
            pltpu.SemaphoreType.DMA,
        ],
        compiler_params=_sc_params(),
    )
    def k(ct_hbm, om_hbm, z_hbm, out_hbm, om2, idbuf, locbuf, idst, locst,
          rows, acc, osem, gsem, ssem, zsem):
        cid = lax.axis_index("c")
        sid = lax.axis_index("s")
        iota16 = lax.iota(jnp.int32, 16)

        wbase = sid * EPW
        zbase = sid * ZROWS

        def do_pass(p, carry):
            c = cid + 2 * p
            lo = c * CH

            pltpu.async_copy(z_hbm, acc.at[pl.ds(zbase, ZROWS)], zsem)
            pltpu.make_async_copy(z_hbm, acc.at[pl.ds(zbase, ZROWS)],
                                  zsem).wait()
            plsc.subcore_barrier()

            def stage(slot, q):
                base = 64 * lax.rem(q, 8)
                for j in range(4):
                    idst[slot, pl.ds(16 * j, 16)] = idbuf[pl.ds(base + 16 * j, 16)]
                    locst[slot, pl.ds(16 * j, 16)] = locbuf[pl.ds(base + 16 * j, 16)]

            def start_gather(slot):
                pltpu.async_copy(ct_hbm.at[idst.at[slot]], rows.at[slot],
                                 gsem.at[slot])

            def wait_gather(slot):
                pltpu.make_async_copy(ct_hbm.at[idst.at[slot]], rows.at[slot],
                                      gsem.at[slot]).wait()

            def start_scat(slot):
                pltpu.async_copy(rows.at[slot], acc.at[locst.at[slot]],
                                 ssem.at[slot], add=True)

            def wait_scat(slot):
                pltpu.make_async_copy(rows.at[slot], acc.at[locst.at[slot]],
                                      ssem.at[slot]).wait()

            def fire(q):
                s = lax.rem(q, 3)

                @pl.when(q >= 3)
                def _():
                    wait_scat(s)

                stage(s, q)
                start_gather(s)

                @pl.when(q >= 1)
                def _():
                    sp = lax.rem(q - 1, 3)
                    wait_gather(sp)
                    start_scat(sp)

            def scan_body(i, carry2, slot, off):
                cnt, q = carry2
                v = om2[slot, pl.ds(16 * i, 16)]
                m = (v >= lo) & (v < lo + CH)
                pc = plsc.all_reduce_population_count(m)[0]

                @pl.when(pc > 0)
                def _():
                    ids = (off + 16 * i) + iota16
                    mi = m.astype(jnp.int32)
                    pos = (cnt + plsc.cumsum(mi) - 1) & 511
                    plsc.store_scatter(idbuf, [pos], ids, mask=m)
                    plsc.store_scatter(locbuf, [pos], v - lo, mask=m)

                cnt = cnt + pc
                full = cnt - 64 * q >= 64

                @pl.when(full)
                def _():
                    fire(q)

                return cnt, jnp.where(full, q + 1, q)

            def start_om(b):
                s = lax.rem(b, 2)
                pltpu.async_copy(om_hbm.at[pl.ds(wbase + b * 1024, 1024)],
                                 om2.at[s], osem.at[s])

            def wait_om(b):
                s = lax.rem(b, 2)
                pltpu.make_async_copy(
                    om_hbm.at[pl.ds(wbase + b * 1024, 1024)], om2.at[s],
                    osem.at[s]).wait()

            start_om(0)

            def blk(b, carry2):
                @pl.when(b + 1 < 34)
                def _():
                    start_om(b + 1)

                wait_om(b)
                s = lax.rem(b, 2)
                return lax.fori_loop(
                    0, 64,
                    lambda i, a: scan_body(i, a, s, wbase + b * 1024), carry2)

            cnt, q = lax.fori_loop(0, 34, blk, (jnp.int32(0), jnp.int32(0)))

            rem = cnt - 64 * q

            @pl.when(rem > 0)
            def _():
                for j in range(4):
                    ppos = (cnt + 16 * j + iota16) & 511
                    plsc.store_scatter(idbuf, [ppos], jnp.zeros((16,), jnp.int32))
                    plsc.store_scatter(locbuf, [ppos],
                                       jnp.full((16,), DUMMY_ROW, jnp.int32))
                fire(q)

            nq = jnp.where(rem > 0, q + 1, q)

            @pl.when(nq >= 1)
            def _():
                sl = lax.rem(nq - 1, 3)
                wait_gather(sl)
                start_scat(sl)

            for j in range(3):
                @pl.when(nq - 1 - j >= 0)
                def _(j=j):
                    wait_scat(lax.rem(nq - 1 - j, 3))

            plsc.subcore_barrier()

            is_last = c == N_CHUNK - 1

            @pl.when(sid < 15)
            def _():
                pltpu.sync_copy(acc.at[pl.ds(sid * ZROWS, ZROWS)],
                                out_hbm.at[pl.ds(lo + sid * ZROWS, ZROWS)])

            @pl.when((sid == 15) & jnp.logical_not(is_last))
            def _():
                pltpu.sync_copy(acc.at[pl.ds(15 * ZROWS, ZROWS)],
                                out_hbm.at[pl.ds(lo + 15 * ZROWS, ZROWS)])

            @pl.when((sid == 15) & is_last)
            def _():
                pltpu.sync_copy(
                    acc.at[pl.ds(15 * ZROWS, LAST_REAL - 15 * ZROWS)],
                    out_hbm.at[pl.ds(lo + 15 * ZROWS, LAST_REAL - 15 * ZROWS)])

            plsc.subcore_barrier()
            return carry

        lax.fori_loop(0, 4, do_pass, 0)

    return k(contrib, om, zrows)


def kernel(x, kernel, in_map, out_map):
    wts = kernel
    im = in_map.reshape(-1).astype(jnp.int32)
    im_a = jnp.concatenate([im[:E_A], jnp.zeros((EA_PAD - E_A,), jnp.int32)])
    im_b = jnp.concatenate([im[E_A:], jnp.zeros((EB_PAD - E_B,), jnp.int32)])
    om = jnp.concatenate(
        [out_map.reshape(-1).astype(jnp.int32),
         jnp.full((OM_PAD - E,), SENTINEL, jnp.int32)])
    z = jnp.zeros((ZROWS, C_DIM), jnp.float32)
    g_a = _sc_gather(x, im_a, EA_PAD)
    c_a = _tc_matmul_a(g_a, wts)
    g_b = _sc_gather(x, im_b, EB_PAD)
    contrib = _tc_matmul_b(g_b, wts, c_a)
    return _sc_scatter(contrib, om, z)

# --- scband reference (transcript-rebuilt; emitter-appended) ---
"""Pipeline reference for scband-sparse-convolution-base-86595130622318 (READ-ONLY COPY).

The authoritative reference and input builder live on the scoring server;
editing this copy changes nothing except your own understanding.
"""

import jax, jax.numpy as jnp
import numpy as np

N_NODES = 100000
IN_C = 128
OUT_C = 128
KVOL = 27  # 3^3 hypercube kernel, dimension=3
E_PER = 20000  # active neighbor pairs per kernel offset


def setup_inputs(seed: int = 0) -> dict:
    key = jax.random.key(seed)
    k1, k2, k3, k4 = jax.random.split(key, 4)
    x = jax.random.normal(k1, (N_NODES, IN_C), dtype=jnp.float32)
    in_map = jax.random.randint(k2, (KVOL, E_PER), 0, N_NODES)
    out_map = jax.random.randint(k3, (KVOL, E_PER), 0, N_NODES)
    # kernel Parameter, initialized as in reset_parameters: uniform(-stdv, stdv), stdv = 1/sqrt(in_channels * kernel_volume)
    stdv = 1.0 / np.sqrt(IN_C * KVOL)
    kernel = jax.random.uniform(k4, (KVOL, IN_C, OUT_C), dtype=jnp.float32, minval=-stdv, maxval=stdv)
    return {"x": x, "kernel": kernel, "in_map": in_map, "out_map": out_map}


def reference(x, kernel, in_map, out_map):
    # Sparse convolution (non use_mm path, stride=1 so out coords == in coords):
    # for each kernel offset k: out[out_map[k]] += x[in_map[k]] @ kernel[k]
    gathered = jnp.take(x, in_map, axis=0)              # [KVOL, E_PER, IN_C]  (gather)
    contrib = jnp.einsum('kec,kcd->ked', gathered, kernel)  # per-offset matmul
    out = jnp.zeros((x.shape[0], kernel.shape[2]), dtype=x.dtype)
    out = out.at[out_map.reshape(-1)].add(contrib.reshape(-1, kernel.shape[2]))  # scatter-add
    return out

if __name__ == "__main__":
    import jax
    _d = setup_inputs()
    print(jax.jit(kernel)(*tuple(_d.values())))

</pallas_src>

<mosaic_0001>
#map = affine_map<(d0, d1) -> (0, 0)>
#map1 = affine_map<(d0, d1) -> (0)>
module attributes {stable_mosaic.version = 14 : i64} {
  func.func @k(%arg0: i32, %arg1: i32, %arg2: memref<540000x128xf32, #tpu.memory_space<hbm>>, %arg3: memref<557056xi32, #tpu.memory_space<hbm>>, %arg4: memref<784x128xf32, #tpu.memory_space<hbm>>, %arg5: memref<100000x128xf32, #tpu.memory_space<hbm>>, %arg6: memref<2x1024xi32, #tpu.memory_space<vmem>>, %arg7: memref<512xi32, #tpu.memory_space<vmem>>, %arg8: memref<512xi32, #tpu.memory_space<vmem>>, %arg9: memref<3x64xi32, #tpu.memory_space<vmem>>, %arg10: memref<3x64xi32, #tpu.memory_space<vmem>>, %arg11: memref<3x64x128xf32, #tpu.memory_space<vmem>>, %arg12: memref<12608x128xf32, #tpu.memory_space<vmem_shared>>, %arg13: memref<2x!tpu.dma_semaphore, #tpu.memory_space<semaphore_mem>>, %arg14: memref<3x!tpu.dma_semaphore, #tpu.memory_space<semaphore_mem>>, %arg15: memref<3x!tpu.dma_semaphore, #tpu.memory_space<semaphore_mem>>, %arg16: memref<!tpu.dma_semaphore, #tpu.memory_space<semaphore_mem>>) attributes {dimension_semantics = [#tpu.dimension_semantics<core_parallel>, #tpu.dimension_semantics<subcore_parallel>], iteration_bounds = array<i64: 2, 16>, scalar_prefetch = 0 : i64, scratch_operands = 11 : i64, tpu.core_type = #tpu.core_type<sc_vector_subcore>, window_params = [{transform_indices = #map}, {transform_indices = #map1}, {transform_indices = #map}, {transform_indices = #map}]} {
    %iota3A = tpu.iota {dimensions = array<i32: 0>} : vector<16xi32>
    %mul3A = arith.constant 34816 : i32
    %mul3A_0 = arith.muli %arg1, %mul3A : i32
    %mul3A_1 = arith.constant 784 : i32
    %mul3A_2 = arith.muli %arg1, %mul3A_1 : i32
    %scan3A = arith.constant 0 : i32
    %scan3A_3 = arith.constant 0 : i32
    %scan3A_4 = arith.constant 4 : i32
    %scan3A_5 = arith.addi %scan3A_3, %scan3A_4 : i32
    %scan3A_6 = arith.constant 1 : i32
    scf.for %scan3A_8 = %scan3A_3 to %scan3A_5 step %scan3A_6  : i32 {
      %mul3A_9 = arith.constant 2 : i32
      %mul3A_10 = arith.muli %mul3A_9, %scan3A_8 : i32
      %add3A = arith.addi %arg0, %mul3A_10 : i32
      %mul3A_11 = arith.constant 12544 : i32
      %mul3A_12 = arith.muli %add3A, %mul3A_11 : i32
      %dma_start3A = arith.constant 0 : i32
      %dma_start3A_13 = tpu.memref_slice %arg12[%mul3A_2, %dma_start3A] : memref<12608x128xf32, #tpu.memory_space<vmem_shared>> -> memref<784x128xf32, #tpu.memory_space<vmem_shared>>
      tpu.enqueue_dma source(%arg4 : memref<784x128xf32, #tpu.memory_space<hbm>>) target(%dma_start3A_13 : memref<784x128xf32, #tpu.memory_space<vmem_shared>>) target_semaphore(%arg16 : memref<!tpu.dma_semaphore, #tpu.memory_space<semaphore_mem>>)
      %dma_wait3A = arith.constant 0 : i32
      %dma_wait3A_14 = tpu.memref_slice %arg12[%mul3A_2, %dma_wait3A] : memref<12608x128xf32, #tpu.memory_space<vmem_shared>> -> memref<784x128xf32, #tpu.memory_space<vmem_shared>>
      tpu.wait_dma2 semaphore(%arg16 : memref<!tpu.dma_semaphore, #tpu.memory_space<semaphore_mem>>) src(%arg4 : memref<784x128xf32, #tpu.memory_space<hbm>>) dst(%dma_wait3A_14 : memref<784x128xf32, #tpu.memory_space<vmem_shared>>)
      %barrier3A = arith.constant 0 : index
      tpu.barrier barrier_id(%barrier3A)
      %rem3A = arith.constant 0 : i32
      %rem3A_15 = arith.constant 2 : i32
      %rem3A_16 = arith.remsi %rem3A, %rem3A_15 : i32
      %add3A_17 = arith.constant 0 : i32
      %add3A_18 = arith.addi %mul3A_0, %add3A_17 : i32
      %dma_start3A_19 = arith.constant 0 : i32
      %dma_start3A_20 = tpu.memref_slice %arg6[%rem3A_16, %dma_start3A_19] : memref<2x1024xi32, #tpu.memory_space<vmem>> -> memref<1x1024xi32, #tpu.memory_space<vmem>>
      %dma_start3A_21 = tpu.memref_squeeze %dma_start3A_20 : memref<1x1024xi32, #tpu.memory_space<vmem>> -> memref<1024xi32, #tpu.memory_space<vmem>>
      %dma_start3A_22 = tpu.memref_slice %arg3[%add3A_18] : memref<557056xi32, #tpu.memory_space<hbm>> -> memref<1024xi32, #tpu.memory_space<hbm>>
      %dma_start3A_23 = tpu.memref_slice %arg13[%rem3A_16] : memref<2x!tpu.dma_semaphore, #tpu.memory_space<semaphore_mem>> -> memref<1x!tpu.dma_semaphore, #tpu.memory_space<semaphore_mem>>
      %dma_start3A_24 = tpu.memref_squeeze %dma_start3A_23 : memref<1x!tpu.dma_semaphore, #tpu.memory_space<semaphore_mem>> -> memref<!tpu.dma_semaphore, #tpu.memory_space<semaphore_mem>>
      %dma_start3A_25 = arith.constant 0 : i32
      %dma_start3A_26 = tpu.memref_slice %arg6[%rem3A_16, %dma_start3A_25] : memref<2x1024xi32, #tpu.memory_space<vmem>> -> memref<1x1024xi32, #tpu.memory_space<vmem>>
      %dma_start3A_27 = tpu.memref_squeeze %dma_start3A_26 : memref<1x1024xi32, #tpu.memory_space<vmem>> -> memref<1024xi32, #tpu.memory_space<vmem>>
      %dma_start3A_28 = tpu.memref_slice %arg3[%add3A_18] : memref<557056xi32, #tpu.memory_space<hbm>> -> memref<1024xi32, #tpu.memory_space<hbm>>
      tpu.enqueue_dma source(%dma_start3A_28 : memref<1024xi32, #tpu.memory_space<hbm>>) target(%dma_start3A_27 : memref<1024xi32, #tpu.memory_space<vmem>>) target_semaphore(%dma_start3A_24 : memref<!tpu.dma_semaphore, #tpu.memory_space<semaphore_mem>>)
      %scan3A_29 = arith.constant 0 : i32
      %scan3A_30 = arith.constant 0 : i32
      %scan3A_31 = arith.constant 0 : i32
      %scan3A_32 = arith.constant 34 : i32
      %scan3A_33 = arith.addi %scan3A_31, %scan3A_32 : i32
      %scan3A_34 = arith.constant 1 : i32
      %scan3A_35:2 = scf.for %scan3A_95 = %scan3A_31 to %scan3A_33 step %scan3A_34 iter_args(%scan3A_96 = %scan3A_29, %scan3A_97 = %scan3A_30) -> (i32, i32)  : i32 {
        %add3A_98 = arith.constant 1 : i32
        %add3A_99 = arith.addi %scan3A_95, %add3A_98 : i32
        %lt3A_100 = arith.constant 34 : i32
        %lt3A_101 = arith.cmpi slt, %add3A_99, %lt3A_100 : i32
        %convert_element_type3A_102 = arith.extui %lt3A_101 : i1 to i32
        %cond3A_103 = arith.constant 0 : i32
        %cond3A_104 = arith.cmpi ne, %convert_element_type3A_102, %cond3A_103 : i32
        scf.if %cond3A_104 {
          %add3A_128 = arith.constant 1 : i32
          %add3A_129 = arith.addi %scan3A_95, %add3A_128 : i32
          %rem3A_130 = arith.constant 2 : i32
          %rem3A_131 = arith.remsi %add3A_129, %rem3A_130 : i32
          %mul3A_132 = arith.constant 1024 : i32
          %mul3A_133 = arith.muli %add3A_129, %mul3A_132 : i32
          %add3A_134 = arith.addi %mul3A_0, %mul3A_133 : i32
          %dma_start3A_135 = arith.constant 0 : i32
          %dma_start3A_136 = tpu.memref_slice %arg6[%rem3A_131, %dma_start3A_135] : memref<2x1024xi32, #tpu.memory_space<vmem>> -> memref<1x1024xi32, #tpu.memory_space<vmem>>
          %dma_start3A_137 = tpu.memref_squeeze %dma_start3A_136 : memref<1x1024xi32, #tpu.memory_space<vmem>> -> memref<1024xi32, #tpu.memory_space<vmem>>
          %dma_start3A_138 = tpu.memref_slice %arg3[%add3A_134] : memref<557056xi32, #tpu.memory_space<hbm>> -> memref<1024xi32, #tpu.memory_space<hbm>>
          %dma_start3A_139 = tpu.memref_slice %arg13[%rem3A_131] : memref<2x!tpu.dma_semaphore, #tpu.memory_space<semaphore_mem>> -> memref<1x!tpu.dma_semaphore, #tpu.memory_space<semaphore_mem>>
          %dma_start3A_140 = tpu.memref_squeeze %dma_start3A_139 : memref<1x!tpu.dma_semaphore, #tpu.memory_space<semaphore_mem>> -> memref<!tpu.dma_semaphore, #tpu.memory_space<semaphore_mem>>
          %dma_start3A_141 = arith.constant 0 : i32
          %dma_start3A_142 = tpu.memref_slice %arg6[%rem3A_131, %dma_start3A_141] : memref<2x1024xi32, #tpu.memory_space<vmem>> -> memref<1x1024xi32, #tpu.memory_space<vmem>>
          %dma_start3A_143 = tpu.memref_squeeze %dma_start3A_142 : memref<1x1024xi32, #tpu.memory_space<vmem>> -> memref<1024xi32, #tpu.memory_space<vmem>>
          %dma_start3A_144 = tpu.memref_slice %arg3[%add3A_134] : memref<557056xi32, #tpu.memory_space<hbm>> -> memref<1024xi32, #tpu.memory_space<hbm>>
          tpu.enqueue_dma source(%dma_start3A_144 : memref<1024xi32, #tpu.memory_space<hbm>>) target(%dma_start3A_143 : memref<1024xi32, #tpu.memory_space<vmem>>) target_semaphore(%dma_start3A_140 : memref<!tpu.dma_semaphore, #tpu.memory_space<semaphore_mem>>)
        } else {
        }
        %rem3A_105 = arith.constant 2 : i32
        %rem3A_106 = arith.remsi %scan3A_95, %rem3A_105 : i32
        %mul3A_107 = arith.constant 1024 : i32
        %mul3A_108 = arith.muli %scan3A_95, %mul3A_107 : i32
        %add3A_109 = arith.addi %mul3A_0, %mul3A_108 : i32
        %dma_wait3A_110 = arith.constant 0 : i32
        %dma_wait3A_111 = tpu.memref_slice %arg6[%rem3A_106, %dma_wait3A_110] : memref<2x1024xi32, #tpu.memory_space<vmem>> -> memref<1x1024xi32, #tpu.memory_space<vmem>>
        %dma_wait3A_112 = tpu.memref_squeeze %dma_wait3A_111 : memref<1x1024xi32, #tpu.memory_space<vmem>> -> memref<1024xi32, #tpu.memory_space<vmem>>
        %dma_wait3A_113 = tpu.memref_slice %arg3[%add3A_109] : memref<557056xi32, #tpu.memory_space<hbm>> -> memref<1024xi32, #tpu.memory_space<hbm>>
        %dma_wait3A_114 = tpu.memref_slice %arg13[%rem3A_106] : memref<2x!tpu.dma_semaphore, #tpu.memory_space<semaphore_mem>> -> memref<1x!tpu.dma_semaphore, #tpu.memory_space<semaphore_mem>>
        %dma_wait3A_115 = tpu.memref_squeeze %dma_wait3A_114 : memref<1x!tpu.dma_semaphore, #tpu.memory_space<semaphore_mem>> -> memref<!tpu.dma_semaphore, #tpu.memory_space<semaphore_mem>>
        %dma_wait3A_116 = arith.constant 0 : i32
        %dma_wait3A_117 = tpu.memref_slice %arg6[%rem3A_106, %dma_wait3A_116] : memref<2x1024xi32, #tpu.memory_space<vmem>> -> memref<1x1024xi32, #tpu.memory_space<vmem>>
        %dma_wait3A_118 = tpu.memref_squeeze %dma_wait3A_117 : memref<1x1024xi32, #tpu.memory_space<vmem>> -> memref<1024xi32, #tpu.memory_space<vmem>>
        %dma_wait3A_119 = tpu.memref_slice %arg3[%add3A_109] : memref<557056xi32, #tpu.memory_space<hbm>> -> memref<1024xi32, #tpu.memory_space<hbm>>
        tpu.wait_dma2 semaphore(%dma_wait3A_115 : memref<!tpu.dma_semaphore, #tpu.memory_space<semaphore_mem>>) src(%dma_wait3A_119 : memref<1024xi32, #tpu.memory_space<hbm>>) dst(%dma_wait3A_118 : memref<1024xi32, #tpu.memory_space<vmem>>)
        %rem3A_120 = arith.constant 2 : i32
        %rem3A_121 = arith.remsi %scan3A_95, %rem3A_120 : i32
        %scan3A_122 = arith.constant 0 : i32
        %scan3A_123 = arith.constant 64 : i32
        %scan3A_124 = arith.addi %scan3A_122, %scan3A_123 : i32
        %scan3A_125 = arith.constant 1 : i32
        %scan3A_126:2 = scf.for %scan3A_128 = %scan3A_122 to %scan3A_124 step %scan3A_125 iter_args(%scan3A_129 = %scan3A_96, %scan3A_130 = %scan3A_97) -> (i32, i32)  : i32 {
          %mul3A_131 = arith.constant 1024 : i32
          %mul3A_132 = arith.muli %scan3A_95, %mul3A_131 : i32
          %add3A_133 = arith.addi %mul3A_0, %mul3A_132 : i32
          %mul3A_134 = arith.constant 16 : i32
          %mul3A_135 = arith.muli %mul3A_134, %scan3A_128 : i32
          %get3A = arith.index_cast %rem3A_121 : i32 to index
          %get3A_136 = arith.index_cast %mul3A_135 : i32 to index
          %get3A_137 = tpu.vector_load %arg6[%get3A, %get3A_136] {strides = array<i32>} : memref<2x1024xi32, #tpu.memory_space<vmem>>, vector<16xi32>,
          %ge3A_138 = vector.broadcast %mul3A_12 : i32 to vector<16xi32>
          %ge3A_139 = arith.cmpi sge, %get3A_137, %ge3A_138 : vector<16xi32>
          %add3A_140 = arith.constant 12544 : i32
          %add3A_141 = arith.addi %mul3A_12, %add3A_140 : i32
          %lt3A_142 = vector.broadcast %add3A_141 : i32 to vector<16xi32>
          %lt3A_143 = arith.cmpi slt, %get3A_137, %lt3A_142 : vector<16xi32>
          %and3A_144 = arith.andi %ge3A_139, %lt3A_143 : vector<16xi1>
          %all_reduce_population_count3A = tpu.all_reduce %and3A_144 {dim = 0 : i64, kind = #tpu.reduction_kind<sum>} : vector<16xi1> -> vector<16xi32>
          %slice3A = vector.extract_strided_slice %all_reduce_population_count3A {offsets = [0], sizes = [1], strides = [1]} : vector<16xi32> to vector<1xi32>
          %squeeze3A = vector.extract %slice3A[0] : i32 from vector<1xi32>
          %gt3A_145 = arith.constant 0 : i32
          %gt3A_146 = arith.cmpi sgt, %squeeze3A, %gt3A_145 : i32
          %convert_element_type3A_147 = arith.extui %gt3A_146 : i1 to i32
          %cond3A_148 = arith.constant 0 : i32
          %cond3A_149 = arith.cmpi ne, %convert_element_type3A_147, %cond3A_148 : i32
          scf.if %cond3A_149 {
            %mul3A_162 = arith.constant 16 : i32
            %mul3A_163 = arith.muli %mul3A_162, %scan3A_128 : i32
            %add3A_164 = arith.addi %add3A_133, %mul3A_163 : i32
            %add3A_165 = vector.broadcast %add3A_164 : i32 to vector<16xi32>
            %add3A_166 = arith.addi %add3A_165, %iota3A : vector<16xi32>
            %convert_element_type3A_167 = arith.extui %and3A_144 : vector<16xi1> to vector<16xi32>
            %broadcast_in_dim3A = arith.constant true
            %broadcast_in_dim3A_168 = vector.broadcast %broadcast_in_dim3A : i1 to vector<16xi1>
            %masked_cumsum3A = tpu.scan <sum>, %convert_element_type3A_167 masked %broadcast_in_dim3A_168 : vector<16xi32>, vector<16xi1> -> vector<16xi32>
            %add3A_169 = vector.broadcast %scan3A_129 : i32 to vector<16xi32>
            %add3A_170 = arith.addi %add3A_169, %masked_cumsum3A : vector<16xi32>
            %sub3A_171 = arith.constant 1 : i32
            %sub3A_172 = vector.broadcast %sub3A_171 : i32 to vector<16xi32>
            %sub3A_173 = arith.subi %add3A_170, %sub3A_172 : vector<16xi32>
            %and3A_174 = arith.constant 511 : i32
            %and3A_175 = vector.broadcast %and3A_174 : i32 to vector<16xi32>
            %and3A_176 = arith.andi %sub3A_173, %and3A_175 : vector<16xi32>
            tpu.vector_store_idx %arg7[%and3A_176], %add3A_166 masked %and3A_144 : memref<512xi32, #tpu.memory_space<vmem>>[vector<16xi32>], vector<16xi32>, vector<16xi1>
            %sub3A_177 = vector.broadcast %mul3A_12 : i32 to vector<16xi32>
            %sub3A_178 = arith.subi %get3A_137, %sub3A_177 : vector<16xi32>
            tpu.vector_store_idx %arg8[%and3A_176], %sub3A_178 masked %and3A_144 : memref<512xi32, #tpu.memory_space<vmem>>[vector<16xi32>], vector<16xi32>, vector<16xi1>
          } else {
          }
          %add3A_150 = arith.addi %scan3A_129, %squeeze3A : i32
          %mul3A_151 = arith.constant 64 : i32
          %mul3A_152 = arith.muli %mul3A_151, %scan3A_130 : i32
          %sub3A_153 = arith.subi %add3A_150, %mul3A_152 : i32
          %ge3A_154 = arith.constant 64 : i32
          %ge3A_155 = arith.cmpi sge, %sub3A_153, %ge3A_154 : i32
          %convert_element_type3A_156 = arith.extui %ge3A_155 : i1 to i32
          %cond3A_157 = arith.constant 0 : i32
          %cond3A_158 = arith.cmpi ne, %convert_element_type3A_156, %cond3A_157 : i32
          scf.if %cond3A_158 {
            %rem3A_162 = arith.constant 3 : i32
            %rem3A_163 = arith.remsi %scan3A_130, %rem3A_162 : i32
            %ge3A_164 = arith.constant 3 : i32
            %ge3A_165 = arith.cmpi sge, %scan3A_130, %ge3A_164 : i32
            %convert_element_type3A_166 = arith.extui %ge3A_165 : i1 to i32
            %cond3A_167 = arith.constant 0 : i32
            %cond3A_168 = arith.cmpi ne, %convert_element_type3A_166, %cond3A_167 : i32
            scf.if %cond3A_168 {
              %dma_wait3A_245 = arith.constant 0 : i32
              %dma_wait3A_246 = arith.constant 0 : i32
              %dma_wait3A_247 = tpu.memref_slice %arg11[%rem3A_163, %dma_wait3A_245, %dma_wait3A_246] : memref<3x64x128xf32, #tpu.memory_space<vmem>> -> memref<1x64x128xf32, #tpu.memory_space<vmem>>
              %dma_wait3A_248 = tpu.memref_squeeze %dma_wait3A_247 : memref<1x64x128xf32, #tpu.memory_space<vmem>> -> memref<64x128xf32, #tpu.memory_space<vmem>>
              %dma_wait3A_249 = arith.constant 0 : i32
              %dma_wait3A_250 = tpu.memref_slice %arg10[%rem3A_163, %dma_wait3A_249] : memref<3x64xi32, #tpu.memory_space<vmem>> -> memref<1x64xi32, #tpu.memory_space<vmem>>
              %dma_wait3A_251 = tpu.memref_squeeze %dma_wait3A_250 : memref<1x64xi32, #tpu.memory_space<vmem>> -> memref<64xi32, #tpu.memory_space<vmem>>
              %dma_wait3A_252 = arith.constant 0 : i32
              %dma_wait3A_253 = arith.constant 0 : i32
              %dma_wait3A_254 = tpu.memref_slice %arg12[%dma_wait3A_252, %dma_wait3A_253] : memref<12608x128xf32, #tpu.memory_space<vmem_shared>> -> memref<12608x128xf32, #tpu.memory_space<vmem_shared>>
              %dma_wait3A_255 = tpu.memref_slice %arg15[%rem3A_163] : memref<3x!tpu.dma_semaphore, #tpu.memory_space<semaphore_mem>> -> memref<1x!tpu.dma_semaphore, #tpu.memory_space<semaphore_mem>>
              %dma_wait3A_256 = tpu.memref_squeeze %dma_wait3A_255 : memref<1x!tpu.dma_semaphore, #tpu.memory_space<semaphore_mem>> -> memref<!tpu.dma_semaphore, #tpu.memory_space<semaphore_mem>>
              tpu.wait_indirect_dma semaphore(%dma_wait3A_256 : memref<!tpu.dma_semaphore, #tpu.memory_space<semaphore_mem>>) src(%dma_wait3A_248 : memref<64x128xf32, #tpu.memory_space<vmem>>) dst(%dma_wait3A_254 : memref<12608x128xf32, #tpu.memory_space<vmem_shared>>)
            } else {
            }
            %rem3A_169 = arith.constant 8 : i32
            %rem3A_170 = arith.remsi %scan3A_130, %rem3A_169 : i32
            %mul3A_171 = arith.constant 64 : i32
            %mul3A_172 = arith.muli %mul3A_171, %rem3A_170 : i32
            %add3A_173 = arith.constant 0 : i32
            %add3A_174 = arith.addi %mul3A_172, %add3A_173 : i32
            %get3A_175 = arith.index_cast %add3A_174 : i32 to index
            %get3A_176 = tpu.vector_load %arg7[%get3A_175] {strides = array<i32>} : memref<512xi32, #tpu.memory_space<vmem>>, vector<16xi32>,
            %swap3A = arith.index_cast %rem3A_163 : i32 to index
            %swap3A_177 = arith.constant 0 : index
            %swap3A_178 = tpu.vector_load %arg9[%swap3A, %swap3A_177] {strides = array<i32>} : memref<3x64xi32, #tpu.memory_space<vmem>>, vector<16xi32>,
            tpu.vector_store %arg9[%swap3A, %swap3A_177], %get3A_176 {strides = array<i32>} : memref<3x64xi32, #tpu.memory_space<vmem>>, vector<16xi32>,
            %add3A_179 = arith.constant 0 : i32
            %add3A_180 = arith.addi %mul3A_172, %add3A_179 : i32
            %get3A_181 = arith.index_cast %add3A_180 : i32 to index
            %get3A_182 = tpu.vector_load %arg8[%get3A_181] {strides = array<i32>} : memref<512xi32, #tpu.memory_space<vmem>>, vector<16xi32>,
            %swap3A_183 = arith.index_cast %rem3A_163 : i32 to index
            %swap3A_184 = arith.constant 0 : index
            %swap3A_185 = tpu.vector_load %arg10[%swap3A_183, %swap3A_184] {strides = array<i32>} : memref<3x64xi32, #tpu.memory_space<vmem>>, vector<16xi32>,
            tpu.vector_store %arg10[%swap3A_183, %swap3A_184], %get3A_182 {strides = array<i32>} : memref<3x64xi32, #tpu.memory_space<vmem>>, vector<16xi32>,
            %add3A_186 = arith.constant 16 : i32
            %add3A_187 = arith.addi %mul3A_172, %add3A_186 : i32
            %get3A_188 = arith.index_cast %add3A_187 : i32 to index
            %get3A_189 = tpu.vector_load %arg7[%get3A_188] {strides = array<i32>} : memref<512xi32, #tpu.memory_space<vmem>>, vector<16xi32>,
            %swap3A_190 = arith.index_cast %rem3A_163 : i32 to index
            %swap3A_191 = arith.constant 16 : index
            %swap3A_192 = tpu.vector_load %arg9[%swap3A_190, %swap3A_191] {strides = array<i32>} : memref<3x64xi32, #tpu.memory_space<vmem>>, vector<16xi32>,
            tpu.vector_store %arg9[%swap3A_190, %swap3A_191], %get3A_189 {strides = array<i32>} : memref<3x64xi32, #tpu.memory_space<vmem>>, vector<16xi32>,
            %add3A_193 = arith.constant 16 : i32
            %add3A_194 = arith.addi %mul3A_172, %add3A_193 : i32
            %get3A_195 = arith.index_cast %add3A_194 : i32 to index
            %get3A_196 = tpu.vector_load %arg8[%get3A_195] {strides = array<i32>} : memref<512xi32, #tpu.memory_space<vmem>>, vector<16xi32>,
            %swap3A_197 = arith.index_cast %rem3A_163 : i32 to index
            %swap3A_198 = arith.constant 16 : index
            %swap3A_199 = tpu.vector_load %arg10[%swap3A_197, %swap3A_198] {strides = array<i32>} : memref<3x64xi32, #tpu.memory_space<vmem>>, vector<16xi32>,
            tpu.vector_store %arg10[%swap3A_197, %swap3A_198], %get3A_196 {strides = array<i32>} : memref<3x64xi32, #tpu.memory_space<vmem>>, vector<16xi32>,
            %add3A_200 = arith.constant 32 : i32
            %add3A_201 = arith.addi %mul3A_172, %add3A_200 : i32
            %get3A_202 = arith.index_cast %add3A_201 : i32 to index
            %get3A_203 = tpu.vector_load %arg7[%get3A_202] {strides = array<i32>} : memref<512xi32, #tpu.memory_space<vmem>>, vector<16xi32>,
            %swap3A_204 = arith.index_cast %rem3A_163 : i32 to index
            %swap3A_205 = arith.constant 32 : index
            %swap3A_206 = tpu.vector_load %arg9[%swap3A_204, %swap3A_205] {strides = array<i32>} : memref<3x64xi32, #tpu.memory_space<vmem>>, vector<16xi32>,
            tpu.vector_store %arg9[%swap3A_204, %swap3A_205], %get3A_203 {strides = array<i32>} : memref<3x64xi32, #tpu.memory_space<vmem>>, vector<16xi32>,
            %add3A_207 = arith.constant 32 : i32
            %add3A_208 = arith.addi %mul3A_172, %add3A_207 : i32
            %get3A_209 = arith.index_cast %add3A_208 : i32 to index
            %get3A_210 = tpu.vector_load %arg8[%get3A_209] {strides = array<i32>} : memref<512xi32, #tpu.memory_space<vmem>>, vector<16xi32>,
            %swap3A_211 = arith.index_cast %rem3A_163 : i32 to index
            %swap3A_212 = arith.constant 32 : index
            %swap3A_213 = tpu.vector_load %arg10[%swap3A_211, %swap3A_212] {strides = array<i32>} : memref<3x64xi32, #tpu.memory_space<vmem>>, vector<16xi32>,
            tpu.vector_store %arg10[%swap3A_211, %swap3A_212], %get3A_210 {strides = array<i32>} : memref<3x64xi32, #tpu.memory_space<vmem>>, vector<16xi32>,
            %add3A_214 = arith.constant 48 : i32
            %add3A_215 = arith.addi %mul3A_172, %add3A_214 : i32
            %get3A_216 = arith.index_cast %add3A_215 : i32 to index
            %get3A_217 = tpu.vector_load %arg7[%get3A_216] {strides = array<i32>} : memref<512xi32, #tpu.memory_space<vmem>>, vector<16xi32>,
            %swap3A_218 = arith.index_cast %rem3A_163 : i32 to index
            %swap3A_219 = arith.constant 48 : index
            %swap3A_220 = tpu.vector_load %arg9[%swap3A_218, %swap3A_219] {strides = array<i32>} : memref<3x64xi32, #tpu.memory_space<vmem>>, vector<16xi32>,
            tpu.vector_store %arg9[%swap3A_218, %swap3A_219], %get3A_217 {strides = array<i32>} : memref<3x64xi32, #tpu.memory_space<vmem>>, vector<16xi32>,
            %add3A_221 = arith.constant 48 : i32
            %add3A_222 = arith.addi %mul3A_172, %add3A_221 : i32
            %get3A_223 = arith.index_cast %add3A_222 : i32 to index
            %get3A_224 = tpu.vector_load %arg8[%get3A_223] {strides = array<i32>} : memref<512xi32, #tpu.memory_space<vmem>>, vector<16xi32>,
            %swap3A_225 = arith.index_cast %rem3A_163 : i32 to index
            %swap3A_226 = arith.constant 48 : index
            %swap3A_227 = tpu.vector_load %arg10[%swap3A_225, %swap3A_226] {strides = array<i32>} : memref<3x64xi32, #tpu.memory_space<vmem>>, vector<16xi32>,
            tpu.vector_store %arg10[%swap3A_225, %swap3A_226], %get3A_224 {strides = array<i32>} : memref<3x64xi32, #tpu.memory_space<vmem>>, vector<16xi32>,
            %dma_start3A_228 = arith.constant 0 : i32
            %dma_start3A_229 = arith.constant 0 : i32
            %dma_start3A_230 = tpu.memref_slice %arg11[%rem3A_163, %dma_start3A_228, %dma_start3A_229] : memref<3x64x128xf32, #tpu.memory_space<vmem>> -> memref<1x64x128xf32, #tpu.memory_space<vmem>>
            %dma_start3A_231 = tpu.memref_squeeze %dma_start3A_230 : memref<1x64x128xf32, #tpu.memory_space<vmem>> -> memref<64x128xf32, #tpu.memory_space<vmem>>
            %dma_start3A_232 = arith.constant 0 : i32
            %dma_start3A_233 = tpu.memref_slice %arg9[%rem3A_163, %dma_start3A_232] : memref<3x64xi32, #tpu.memory_space<vmem>> -> memref<1x64xi32, #tpu.memory_space<vmem>>
            %dma_start3A_234 = tpu.memref_squeeze %dma_start3A_233 : memref<1x64xi32, #tpu.memory_space<vmem>> -> memref<64xi32, #tpu.memory_space<vmem>>
            %dma_start3A_235 = arith.constant 0 : i32
            %dma_start3A_236 = arith.constant 0 : i32
            %dma_start3A_237 = tpu.memref_slice %arg2[%dma_start3A_235, %dma_start3A_236] : memref<540000x128xf32, #tpu.memory_space<hbm>> -> memref<540000x128xf32, #tpu.memory_space<hbm>>
            %dma_start3A_238 = tpu.memref_slice %arg14[%rem3A_163] : memref<3x!tpu.dma_semaphore, #tpu.memory_space<semaphore_mem>> -> memref<1x!tpu.dma_semaphore, #tpu.memory_space<semaphore_mem>>
            %dma_start3A_239 = tpu.memref_squeeze %dma_start3A_238 : memref<1x!tpu.dma_semaphore, #tpu.memory_space<semaphore_mem>> -> memref<!tpu.dma_semaphore, #tpu.memory_space<semaphore_mem>>
            tpu.enqueue_indirect_dma source(%dma_start3A_237 : memref<540000x128xf32, #tpu.memory_space<hbm>>) target(%dma_start3A_231 : memref<64x128xf32, #tpu.memory_space<vmem>>) offsets(%dma_start3A_234 : memref<64xi32, #tpu.memory_space<vmem>>) semaphore(%dma_start3A_239 : memref<!tpu.dma_semaphore, #tpu.memory_space<semaphore_mem>>)
            %ge3A_240 = arith.constant 1 : i32
            %ge3A_241 = arith.cmpi sge, %scan3A_130, %ge3A_240 : i32
            %convert_element_type3A_242 = arith.extui %ge3A_241 : i1 to i32
            %cond3A_243 = arith.constant 0 : i32
            %cond3A_244 = arith.cmpi ne, %convert_element_type3A_242, %cond3A_243 : i32
            scf.if %cond3A_244 {
              %sub3A_245 = arith.constant 1 : i32
              %sub3A_246 = arith.subi %scan3A_130, %sub3A_245 : i32
              %rem3A_247 = arith.constant 3 : i32
              %rem3A_248 = arith.remsi %sub3A_246, %rem3A_247 : i32
              %dma_wait3A_249 = arith.constant 0 : i32
              %dma_wait3A_250 = arith.constant 0 : i32
              %dma_wait3A_251 = tpu.memref_slice %arg11[%rem3A_248, %dma_wait3A_249, %dma_wait3A_250] : memref<3x64x128xf32, #tpu.memory_space<vmem>> -> memref<1x64x128xf32, #tpu.memory_space<vmem>>
              %dma_wait3A_252 = tpu.memref_squeeze %dma_wait3A_251 : memref<1x64x128xf32, #tpu.memory_space<vmem>> -> memref<64x128xf32, #tpu.memory_space<vmem>>
              %dma_wait3A_253 = arith.constant 0 : i32
              %dma_wait3A_254 = tpu.memref_slice %arg9[%rem3A_248, %dma_wait3A_253] : memref<3x64xi32, #tpu.memory_space<vmem>> -> memref<1x64xi32, #tpu.memory_space<vmem>>
              %dma_wait3A_255 = tpu.memref_squeeze %dma_wait3A_254 : memref<1x64xi32, #tpu.memory_space<vmem>> -> memref<64xi32, #tpu.memory_space<vmem>>
              %dma_wait3A_256 = arith.constant 0 : i32
              %dma_wait3A_257 = arith.constant 0 : i32
              %dma_wait3A_258 = tpu.memref_slice %arg2[%dma_wait3A_256, %dma_wait3A_257] : memref<540000x128xf32, #tpu.memory_space<hbm>> -> memref<540000x128xf32, #tpu.memory_space<hbm>>
              %dma_wait3A_259 = tpu.memref_slice %arg14[%rem3A_248] : memref<3x!tpu.dma_semaphore, #tpu.memory_space<semaphore_mem>> -> memref<1x!tpu.dma_semaphore, #tpu.memory_space<semaphore_mem>>
              %dma_wait3A_260 = tpu.memref_squeeze %dma_wait3A_259 : memref<1x!tpu.dma_semaphore, #tpu.memory_space<semaphore_mem>> -> memref<!tpu.dma_semaphore, #tpu.memory_space<semaphore_mem>>
              tpu.wait_indirect_dma semaphore(%dma_wait3A_260 : memref<!tpu.dma_semaphore, #tpu.memory_space<semaphore_mem>>) src(%dma_wait3A_258 : memref<540000x128xf32, #tpu.memory_space<hbm>>) dst(%dma_wait3A_252 : memref<64x128xf32, #tpu.memory_space<vmem>>)
              %dma_start3A_261 = arith.constant 0 : i32
              %dma_start3A_262 = arith.constant 0 : i32
              %dma_start3A_263 = tpu.memref_slice %arg11[%rem3A_248, %dma_start3A_261, %dma_start3A_262] : memref<3x64x128xf32, #tpu.memory_space<vmem>> -> memref<1x64x128xf32, #tpu.memory_space<vmem>>
              %dma_start3A_264 = tpu.memref_squeeze %dma_start3A_263 : memref<1x64x128xf32, #tpu.memory_space<vmem>> -> memref<64x128xf32, #tpu.memory_space<vmem>>
              %dma_start3A_265 = arith.constant 0 : i32
              %dma_start3A_266 = tpu.memref_slice %arg10[%rem3A_248, %dma_start3A_265] : memref<3x64xi32, #tpu.memory_space<vmem>> -> memref<1x64xi32, #tpu.memory_space<vmem>>
              %dma_start3A_267 = tpu.memref_squeeze %dma_start3A_266 : memref<1x64xi32, #tpu.memory_space<vmem>> -> memref<64xi32, #tpu.memory_space<vmem>>
              %dma_start3A_268 = arith.constant 0 : i32
              %dma_start3A_269 = arith.constant 0 : i32
              %dma_start3A_270 = tpu.memref_slice %arg12[%dma_start3A_268, %dma_start3A_269] : memref<12608x128xf32, #tpu.memory_space<vmem_shared>> -> memref<12608x128xf32, #tpu.memory_space<vmem_shared>>
              %dma_start3A_271 = tpu.memref_slice %arg15[%rem3A_248] : memref<3x!tpu.dma_semaphore, #tpu.memory_space<semaphore_mem>> -> memref<1x!tpu.dma_semaphore, #tpu.memory_space<semaphore_mem>>
              %dma_start3A_272 = tpu.memref_squeeze %dma_start3A_271 : memref<1x!tpu.dma_semaphore, #tpu.memory_space<semaphore_mem>> -> memref<!tpu.dma_semaphore, #tpu.memory_space<semaphore_mem>>
              tpu.enqueue_indirect_dma source(%dma_start3A_264 : memref<64x128xf32, #tpu.memory_space<vmem>>) target(%dma_start3A_270 : memref<12608x128xf32, #tpu.memory_space<vmem_shared>>) offsets(%dma_start3A_267 : memref<64xi32, #tpu.memory_space<vmem>>) semaphore(%dma_start3A_272 : memref<!tpu.dma_semaphore, #tpu.memory_space<semaphore_mem>>) {add = true}
            } else {
            }
          } else {
          }
          %add3A_159 = arith.constant 1 : i32
          %add3A_160 = arith.addi %scan3A_130, %add3A_159 : i32
          %select_n3A_161 = arith.select %ge3A_155, %add3A_160, %scan3A_130 : i32
          scf.yield %add3A_150, %select_n3A_161 : i32, i32
        }
        %scan3A_127 = arith.constant 64 : i32
        scf.yield %scan3A_126#0, %scan3A_126#1 : i32, i32
      }
      %scan3A_36 = arith.constant 34 : i32
      %mul3A_37 = arith.constant 64 : i32
      %mul3A_38 = arith.muli %mul3A_37, %scan3A_35#1 : i32
      %sub3A = arith.subi %scan3A_35#0, %mul3A_38 : i32
      %gt3A = arith.constant 0 : i32
      %gt3A_39 = arith.cmpi sgt, %sub3A, %gt3A : i32
      %convert_element_type3A = arith.extui %gt3A_39 : i1 to i32
      %cond3A = arith.constant 0 : i32
      %cond3A_40 = arith.cmpi ne, %convert_element_type3A, %cond3A : i32
      scf.if %cond3A_40 {
        %add3A_95 = arith.constant 0 : i32
        %add3A_96 = arith.addi %scan3A_35#0, %add3A_95 : i32
        %add3A_97 = vector.broadcast %add3A_96 : i32 to vector<16xi32>
        %add3A_98 = arith.addi %add3A_97, %iota3A : vector<16xi32>
        %and3A_99 = arith.constant 511 : i32
        %and3A_100 = vector.broadcast %and3A_99 : i32 to vector<16xi32>
        %and3A_101 = arith.andi %add3A_98, %and3A_100 : vector<16xi32>
        %broadcast_in_dim3A = arith.constant 0 : i32
        %broadcast_in_dim3A_102 = vector.broadcast %broadcast_in_dim3A : i32 to vector<16xi32>
        tpu.vector_store_idx %arg7[%and3A_101], %broadcast_in_dim3A_102 : memref<512xi32, #tpu.memory_space<vmem>>[vector<16xi32>], vector<16xi32>,
        %broadcast_in_dim3A_103 = arith.constant 12544 : i32
        %broadcast_in_dim3A_104 = vector.broadcast %broadcast_in_dim3A_103 : i32 to vector<16xi32>
        tpu.vector_store_idx %arg8[%and3A_101], %broadcast_in_dim3A_104 : memref<512xi32, #tpu.memory_space<vmem>>[vector<16xi32>], vector<16xi32>,
        %add3A_105 = arith.constant 16 : i32
        %add3A_106 = arith.addi %scan3A_35#0, %add3A_105 : i32
        %add3A_107 = vector.broadcast %add3A_106 : i32 to vector<16xi32>
        %add3A_108 = arith.addi %add3A_107, %iota3A : vector<16xi32>
        %and3A_109 = arith.constant 511 : i32
        %and3A_110 = vector.broadcast %and3A_109 : i32 to vector<16xi32>
        %and3A_111 = arith.andi %add3A_108, %and3A_110 : vector<16xi32>
        %broadcast_in_dim3A_112 = arith.constant 0 : i32
        %broadcast_in_dim3A_113 = vector.broadcast %broadcast_in_dim3A_112 : i32 to vector<16xi32>
        tpu.vector_store_idx %arg7[%and3A_111], %broadcast_in_dim3A_113 : memref<512xi32, #tpu.memory_space<vmem>>[vector<16xi32>], vector<16xi32>,
        %broadcast_in_dim3A_114 = arith.constant 12544 : i32
        %broadcast_in_dim3A_115 = vector.broadcast %broadcast_in_dim3A_114 : i32 to vector<16xi32>
        tpu.vector_store_idx %arg8[%and3A_111], %broadcast_in_dim3A_115 : memref<512xi32, #tpu.memory_space<vmem>>[vector<16xi32>], vector<16xi32>,
        %add3A_116 = arith.constant 32 : i32
        %add3A_117 = arith.addi %scan3A_35#0, %add3A_116 : i32
        %add3A_118 = vector.broadcast %add3A_117 : i32 to vector<16xi32>
        %add3A_119 = arith.addi %add3A_118, %iota3A : vector<16xi32>
        %and3A_120 = arith.constant 511 : i32
        %and3A_121 = vector.broadcast %and3A_120 : i32 to vector<16xi32>
        %and3A_122 = arith.andi %add3A_119, %and3A_121 : vector<16xi32>
        %broadcast_in_dim3A_123 = arith.constant 0 : i32
        %broadcast_in_dim3A_124 = vector.broadcast %broadcast_in_dim3A_123 : i32 to vector<16xi32>
        tpu.vector_store_idx %arg7[%and3A_122], %broadcast_in_dim3A_124 : memref<512xi32, #tpu.memory_space<vmem>>[vector<16xi32>], vector<16xi32>,
        %broadcast_in_dim3A_125 = arith.constant 12544 : i32
        %broadcast_in_dim3A_126 = vector.broadcast %broadcast_in_dim3A_125 : i32 to vector<16xi32>
        tpu.vector_store_idx %arg8[%and3A_122], %broadcast_in_dim3A_126 : memref<512xi32, #tpu.memory_space<vmem>>[vector<16xi32>], vector<16xi32>,
        %add3A_127 = arith.constant 48 : i32
        %add3A_128 = arith.addi %scan3A_35#0, %add3A_127 : i32
        %add3A_129 = vector.broadcast %add3A_128 : i32 to vector<16xi32>
        %add3A_130 = arith.addi %add3A_129, %iota3A : vector<16xi32>
        %and3A_131 = arith.constant 511 : i32
        %and3A_132 = vector.broadcast %and3A_131 : i32 to vector<16xi32>
        %and3A_133 = arith.andi %add3A_130, %and3A_132 : vector<16xi32>
        %broadcast_in_dim3A_134 = arith.constant 0 : i32
        %broadcast_in_dim3A_135 = vector.broadcast %broadcast_in_dim3A_134 : i32 to vector<16xi32>
        tpu.vector_store_idx %arg7[%and3A_133], %broadcast_in_dim3A_135 : memref<512xi32, #tpu.memory_space<vmem>>[vector<16xi32>], vector<16xi32>,
        %broadcast_in_dim3A_136 = arith.constant 12544 : i32
        %broadcast_in_dim3A_137 = vector.broadcast %broadcast_in_dim3A_136 : i32 to vector<16xi32>
        tpu.vector_store_idx %arg8[%and3A_133], %broadcast_in_dim3A_137 : memref<512xi32, #tpu.memory_space<vmem>>[vector<16xi32>], vector<16xi32>,
        %rem3A_138 = arith.constant 3 : i32
        %rem3A_139 = arith.remsi %scan3A_35#1, %rem3A_138 : i32
        %ge3A_140 = arith.constant 3 : i32
        %ge3A_141 = arith.cmpi sge, %scan3A_35#1, %ge3A_140 : i32
        %convert_element_type3A_142 = arith.extui %ge3A_141 : i1 to i32
        %cond3A_143 = arith.constant 0 : i32
        %cond3A_144 = arith.cmpi ne, %convert_element_type3A_142, %cond3A_143 : i32
        scf.if %cond3A_144 {
          %dma_wait3A_220 = arith.constant 0 : i32
          %dma_wait3A_221 = arith.constant 0 : i32
          %dma_wait3A_222 = tpu.memref_slice %arg11[%rem3A_139, %dma_wait3A_220, %dma_wait3A_221] : memref<3x64x128xf32, #tpu.memory_space<vmem>> -> memref<1x64x128xf32, #tpu.memory_space<vmem>>
          %dma_wait3A_223 = tpu.memref_squeeze %dma_wait3A_222 : memref<1x64x128xf32, #tpu.memory_space<vmem>> -> memref<64x128xf32, #tpu.memory_space<vmem>>
          %dma_wait3A_224 = arith.constant 0 : i32
          %dma_wait3A_225 = tpu.memref_slice %arg10[%rem3A_139, %dma_wait3A_224] : memref<3x64xi32, #tpu.memory_space<vmem>> -> memref<1x64xi32, #tpu.memory_space<vmem>>
          %dma_wait3A_226 = tpu.memref_squeeze %dma_wait3A_225 : memref<1x64xi32, #tpu.memory_space<vmem>> -> memref<64xi32, #tpu.memory_space<vmem>>
          %dma_wait3A_227 = arith.constant 0 : i32
          %dma_wait3A_228 = arith.constant 0 : i32
          %dma_wait3A_229 = tpu.memref_slice %arg12[%dma_wait3A_227, %dma_wait3A_228] : memref<12608x128xf32, #tpu.memory_space<vmem_shared>> -> memref<12608x128xf32, #tpu.memory_space<vmem_shared>>
          %dma_wait3A_230 = tpu.memref_slice %arg15[%rem3A_139] : memref<3x!tpu.dma_semaphore, #tpu.memory_space<semaphore_mem>> -> memref<1x!tpu.dma_semaphore, #tpu.memory_space<semaphore_mem>>
          %dma_wait3A_231 = tpu.memref_squeeze %dma_wait3A_230 : memref<1x!tpu.dma_semaphore, #tpu.memory_space<semaphore_mem>> -> memref<!tpu.dma_semaphore, #tpu.memory_space<semaphore_mem>>
          tpu.wait_indirect_dma semaphore(%dma_wait3A_231 : memref<!tpu.dma_semaphore, #tpu.memory_space<semaphore_mem>>) src(%dma_wait3A_223 : memref<64x128xf32, #tpu.memory_space<vmem>>) dst(%dma_wait3A_229 : memref<12608x128xf32, #tpu.memory_space<vmem_shared>>)
        } else {
        }
        %rem3A_145 = arith.constant 8 : i32
        %rem3A_146 = arith.remsi %scan3A_35#1, %rem3A_145 : i32
        %mul3A_147 = arith.constant 64 : i32
        %mul3A_148 = arith.muli %mul3A_147, %rem3A_146 : i32
        %add3A_149 = arith.constant 0 : i32
        %add3A_150 = arith.addi %mul3A_148, %add3A_149 : i32
        %get3A = arith.index_cast %add3A_150 : i32 to index
        %get3A_151 = tpu.vector_load %arg7[%get3A] {strides = array<i32>} : memref<512xi32, #tpu.memory_space<vmem>>, vector<16xi32>,
        %swap3A = arith.index_cast %rem3A_139 : i32 to index
        %swap3A_152 = arith.constant 0 : index
        %swap3A_153 = tpu.vector_load %arg9[%swap3A, %swap3A_152] {strides = array<i32>} : memref<3x64xi32, #tpu.memory_space<vmem>>, vector<16xi32>,
        tpu.vector_store %arg9[%swap3A, %swap3A_152], %get3A_151 {strides = array<i32>} : memref<3x64xi32, #tpu.memory_space<vmem>>, vector<16xi32>,
        %add3A_154 = arith.constant 0 : i32
        %add3A_155 = arith.addi %mul3A_148, %add3A_154 : i32
        %get3A_156 = arith.index_cast %add3A_155 : i32 to index
        %get3A_157 = tpu.vector_load %arg8[%get3A_156] {strides = array<i32>} : memref<512xi32, #tpu.memory_space<vmem>>, vector<16xi32>,
        %swap3A_158 = arith.index_cast %rem3A_139 : i32 to index
        %swap3A_159 = arith.constant 0 : index
        %swap3A_160 = tpu.vector_load %arg10[%swap3A_158, %swap3A_159] {strides = array<i32>} : memref<3x64xi32, #tpu.memory_space<vmem>>, vector<16xi32>,
        tpu.vector_store %arg10[%swap3A_158, %swap3A_159], %get3A_157 {strides = array<i32>} : memref<3x64xi32, #tpu.memory_space<vmem>>, vector<16xi32>,
        %add3A_161 = arith.constant 16 : i32
        %add3A_162 = arith.addi %mul3A_148, %add3A_161 : i32
        %get3A_163 = arith.index_cast %add3A_162 : i32 to index
        %get3A_164 = tpu.vector_load %arg7[%get3A_163] {strides = array<i32>} : memref<512xi32, #tpu.memory_space<vmem>>, vector<16xi32>,
        %swap3A_165 = arith.index_cast %rem3A_139 : i32 to index
        %swap3A_166 = arith.constant 16 : index
        %swap3A_167 = tpu.vector_load %arg9[%swap3A_165, %swap3A_166] {strides = array<i32>} : memref<3x64xi32, #tpu.memory_space<vmem>>, vector<16xi32>,
        tpu.vector_store %arg9[%swap3A_165, %swap3A_166], %get3A_164 {strides = array<i32>} : memref<3x64xi32, #tpu.memory_space<vmem>>, vector<16xi32>,
        %add3A_168 = arith.constant 16 : i32
        %add3A_169 = arith.addi %mul3A_148, %add3A_168 : i32
        %get3A_170 = arith.index_cast %add3A_169 : i32 to index
        %get3A_171 = tpu.vector_load %arg8[%get3A_170] {strides = array<i32>} : memref<512xi32, #tpu.memory_space<vmem>>, vector<16xi32>,
        %swap3A_172 = arith.index_cast %rem3A_139 : i32 to index
        %swap3A_173 = arith.constant 16 : index
        %swap3A_174 = tpu.vector_load %arg10[%swap3A_172, %swap3A_173] {strides = array<i32>} : memref<3x64xi32, #tpu.memory_space<vmem>>, vector<16xi32>,
        tpu.vector_store %arg10[%swap3A_172, %swap3A_173], %get3A_171 {strides = array<i32>} : memref<3x64xi32, #tpu.memory_space<vmem>>, vector<16xi32>,
        %add3A_175 = arith.constant 32 : i32
        %add3A_176 = arith.addi %mul3A_148, %add3A_175 : i32
        %get3A_177 = arith.index_cast %add3A_176 : i32 to index
        %get3A_178 = tpu.vector_load %arg7[%get3A_177] {strides = array<i32>} : memref<512xi32, #tpu.memory_space<vmem>>, vector<16xi32>,
        %swap3A_179 = arith.index_cast %rem3A_139 : i32 to index
        %swap3A_180 = arith.constant 32 : index
        %swap3A_181 = tpu.vector_load %arg9[%swap3A_179, %swap3A_180] {strides = array<i32>} : memref<3x64xi32, #tpu.memory_space<vmem>>, vector<16xi32>,
        tpu.vector_store %arg9[%swap3A_179, %swap3A_180], %get3A_178 {strides = array<i32>} : memref<3x64xi32, #tpu.memory_space<vmem>>, vector<16xi32>,
        %add3A_182 = arith.constant 32 : i32
        %add3A_183 = arith.addi %mul3A_148, %add3A_182 : i32
        %get3A_184 = arith.index_cast %add3A_183 : i32 to index
        %get3A_185 = tpu.vector_load %arg8[%get3A_184] {strides = array<i32>} : memref<512xi32, #tpu.memory_space<vmem>>, vector<16xi32>,
        %swap3A_186 = arith.index_cast %rem3A_139 : i32 to index
        %swap3A_187 = arith.constant 32 : index
        %swap3A_188 = tpu.vector_load %arg10[%swap3A_186, %swap3A_187] {strides = array<i32>} : memref<3x64xi32, #tpu.memory_space<vmem>>, vector<16xi32>,
        tpu.vector_store %arg10[%swap3A_186, %swap3A_187], %get3A_185 {strides = array<i32>} : memref<3x64xi32, #tpu.memory_space<vmem>>, vector<16xi32>,
        %add3A_189 = arith.constant 48 : i32
        %add3A_190 = arith.addi %mul3A_148, %add3A_189 : i32
        %get3A_191 = arith.index_cast %add3A_190 : i32 to index
        %get3A_192 = tpu.vector_load %arg7[%get3A_191] {strides = array<i32>} : memref<512xi32, #tpu.memory_space<vmem>>, vector<16xi32>,
        %swap3A_193 = arith.index_cast %rem3A_139 : i32 to index
        %swap3A_194 = arith.constant 48 : index
        %swap3A_195 = tpu.vector_load %arg9[%swap3A_193, %swap3A_194] {strides = array<i32>} : memref<3x64xi32, #tpu.memory_space<vmem>>, vector<16xi32>,
        tpu.vector_store %arg9[%swap3A_193, %swap3A_194], %get3A_192 {strides = array<i32>} : memref<3x64xi32, #tpu.memory_space<vmem>>, vector<16xi32>,
        %add3A_196 = arith.constant 48 : i32
        %add3A_197 = arith.addi %mul3A_148, %add3A_196 : i32
        %get3A_198 = arith.index_cast %add3A_197 : i32 to index
        %get3A_199 = tpu.vector_load %arg8[%get3A_198] {strides = array<i32>} : memref<512xi32, #tpu.memory_space<vmem>>, vector<16xi32>,
        %swap3A_200 = arith.index_cast %rem3A_139 : i32 to index
        %swap3A_201 = arith.constant 48 : index
        %swap3A_202 = tpu.vector_load %arg10[%swap3A_200, %swap3A_201] {strides = array<i32>} : memref<3x64xi32, #tpu.memory_space<vmem>>, vector<16xi32>,
        tpu.vector_store %arg10[%swap3A_200, %swap3A_201], %get3A_199 {strides = array<i32>} : memref<3x64xi32, #tpu.memory_space<vmem>>, vector<16xi32>,
        %dma_start3A_203 = arith.constant 0 : i32
        %dma_start3A_204 = arith.constant 0 : i32
        %dma_start3A_205 = tpu.memref_slice %arg11[%rem3A_139, %dma_start3A_203, %dma_start3A_204] : memref<3x64x128xf32, #tpu.memory_space<vmem>> -> memref<1x64x128xf32, #tpu.memory_space<vmem>>
        %dma_start3A_206 = tpu.memref_squeeze %dma_start3A_205 : memref<1x64x128xf32, #tpu.memory_space<vmem>> -> memref<64x128xf32, #tpu.memory_space<vmem>>
        %dma_start3A_207 = arith.constant 0 : i32
        %dma_start3A_208 = tpu.memref_slice %arg9[%rem3A_139, %dma_start3A_207] : memref<3x64xi32, #tpu.memory_space<vmem>> -> memref<1x64xi32, #tpu.memory_space<vmem>>
        %dma_start3A_209 = tpu.memref_squeeze %dma_start3A_208 : memref<1x64xi32, #tpu.memory_space<vmem>> -> memref<64xi32, #tpu.memory_space<vmem>>
        %dma_start3A_210 = arith.constant 0 : i32
        %dma_start3A_211 = arith.constant 0 : i32
        %dma_start3A_212 = tpu.memref_slice %arg2[%dma_start3A_210, %dma_start3A_211] : memref<540000x128xf32, #tpu.memory_space<hbm>> -> memref<540000x128xf32, #tpu.memory_space<hbm>>
        %dma_start3A_213 = tpu.memref_slice %arg14[%rem3A_139] : memref<3x!tpu.dma_semaphore, #tpu.memory_space<semaphore_mem>> -> memref<1x!tpu.dma_semaphore, #tpu.memory_space<semaphore_mem>>
        %dma_start3A_214 = tpu.memref_squeeze %dma_start3A_213 : memref<1x!tpu.dma_semaphore, #tpu.memory_space<semaphore_mem>> -> memref<!tpu.dma_semaphore, #tpu.memory_space<semaphore_mem>>
        tpu.enqueue_indirect_dma source(%dma_start3A_212 : memref<540000x128xf32, #tpu.memory_space<hbm>>) target(%dma_start3A_206 : memref<64x128xf32, #tpu.memory_space<vmem>>) offsets(%dma_start3A_209 : memref<64xi32, #tpu.memory_space<vmem>>) semaphore(%dma_start3A_214 : memref<!tpu.dma_semaphore, #tpu.memory_space<semaphore_mem>>)
        %ge3A_215 = arith.constant 1 : i32
        %ge3A_216 = arith.cmpi sge, %scan3A_35#1, %ge3A_215 : i32
        %convert_element_type3A_217 = arith.extui %ge3A_216 : i1 to i32
        %cond3A_218 = arith.constant 0 : i32
        %cond3A_219 = arith.cmpi ne, %convert_element_type3A_217, %cond3A_218 : i32
        scf.if %cond3A_219 {
          %sub3A_220 = arith.constant 1 : i32
          %sub3A_221 = arith.subi %scan3A_35#1, %sub3A_220 : i32
          %rem3A_222 = arith.constant 3 : i32
          %rem3A_223 = arith.remsi %sub3A_221, %rem3A_222 : i32
          %dma_wait3A_224 = arith.constant 0 : i32
          %dma_wait3A_225 = arith.constant 0 : i32
          %dma_wait3A_226 = tpu.memref_slice %arg11[%rem3A_223, %dma_wait3A_224, %dma_wait3A_225] : memref<3x64x128xf32, #tpu.memory_space<vmem>> -> memref<1x64x128xf32, #tpu.memory_space<vmem>>
          %dma_wait3A_227 = tpu.memref_squeeze %dma_wait3A_226 : memref<1x64x128xf32, #tpu.memory_space<vmem>> -> memref<64x128xf32, #tpu.memory_space<vmem>>
          %dma_wait3A_228 = arith.constant 0 : i32
          %dma_wait3A_229 = tpu.memref_slice %arg9[%rem3A_223, %dma_wait3A_228] : memref<3x64xi32, #tpu.memory_space<vmem>> -> memref<1x64xi32, #tpu.memory_space<vmem>>
          %dma_wait3A_230 = tpu.memref_squeeze %dma_wait3A_229 : memref<1x64xi32, #tpu.memory_space<vmem>> -> memref<64xi32, #tpu.memory_space<vmem>>
          %dma_wait3A_231 = arith.constant 0 : i32
          %dma_wait3A_232 = arith.constant 0 : i32
          %dma_wait3A_233 = tpu.memref_slice %arg2[%dma_wait3A_231, %dma_wait3A_232] : memref<540000x128xf32, #tpu.memory_space<hbm>> -> memref<540000x128xf32, #tpu.memory_space<hbm>>
          %dma_wait3A_234 = tpu.memref_slice %arg14[%rem3A_223] : memref<3x!tpu.dma_semaphore, #tpu.memory_space<semaphore_mem>> -> memref<1x!tpu.dma_semaphore, #tpu.memory_space<semaphore_mem>>
          %dma_wait3A_235 = tpu.memref_squeeze %dma_wait3A_234 : memref<1x!tpu.dma_semaphore, #tpu.memory_space<semaphore_mem>> -> memref<!tpu.dma_semaphore, #tpu.memory_space<semaphore_mem>>
          tpu.wait_indirect_dma semaphore(%dma_wait3A_235 : memref<!tpu.dma_semaphore, #tpu.memory_space<semaphore_mem>>) src(%dma_wait3A_233 : memref<540000x128xf32, #tpu.memory_space<hbm>>) dst(%dma_wait3A_227 : memref<64x128xf32, #tpu.memory_space<vmem>>)
          %dma_start3A_236 = arith.constant 0 : i32
          %dma_start3A_237 = arith.constant 0 : i32
          %dma_start3A_238 = tpu.memref_slice %arg11[%rem3A_223, %dma_start3A_236, %dma_start3A_237] : memref<3x64x128xf32, #tpu.memory_space<vmem>> -> memref<1x64x128xf32, #tpu.memory_space<vmem>>
          %dma_start3A_239 = tpu.memref_squeeze %dma_start3A_238 : memref<1x64x128xf32, #tpu.memory_space<vmem>> -> memref<64x128xf32, #tpu.memory_space<vmem>>
          %dma_start3A_240 = arith.constant 0 : i32
          %dma_start3A_241 = tpu.memref_slice %arg10[%rem3A_223, %dma_start3A_240] : memref<3x64xi32, #tpu.memory_space<vmem>> -> memref<1x64xi32, #tpu.memory_space<vmem>>
          %dma_start3A_242 = tpu.memref_squeeze %dma_start3A_241 : memref<1x64xi32, #tpu.memory_space<vmem>> -> memref<64xi32, #tpu.memory_space<vmem>>
          %dma_start3A_243 = arith.constant 0 : i32
          %dma_start3A_244 = arith.constant 0 : i32
          %dma_start3A_245 = tpu.memref_slice %arg12[%dma_start3A_243, %dma_start3A_244] : memref<12608x128xf32, #tpu.memory_space<vmem_shared>> -> memref<12608x128xf32, #tpu.memory_space<vmem_shared>>
          %dma_start3A_246 = tpu.memref_slice %arg15[%rem3A_223] : memref<3x!tpu.dma_semaphore, #tpu.memory_space<semaphore_mem>> -> memref<1x!tpu.dma_semaphore, #tpu.memory_space<semaphore_mem>>
          %dma_start3A_247 = tpu.memref_squeeze %dma_start3A_246 : memref<1x!tpu.dma_semaphore, #tpu.memory_space<semaphore_mem>> -> memref<!tpu.dma_semaphore, #tpu.memory_space<semaphore_mem>>
          tpu.enqueue_indirect_dma source(%dma_start3A_239 : memref<64x128xf32, #tpu.memory_space<vmem>>) target(%dma_start3A_245 : memref<12608x128xf32, #tpu.memory_space<vmem_shared>>) offsets(%dma_start3A_242 : memref<64xi32, #tpu.memory_space<vmem>>) semaphore(%dma_start3A_247 : memref<!tpu.dma_semaphore, #tpu.memory_space<semaphore_mem>>) {add = true}
        } else {
        }
      } else {
      }
      %gt3A_41 = arith.constant 0 : i32
      %gt3A_42 = arith.cmpi sgt, %sub3A, %gt3A_41 : i32
      %add3A_43 = arith.constant 1 : i32
      %add3A_44 = arith.addi %scan3A_35#1, %add3A_43 : i32
      %select_n3A = arith.select %gt3A_42, %add3A_44, %scan3A_35#1 : i32
      %ge3A = arith.constant 1 : i32
      %ge3A_45 = arith.cmpi sge, %select_n3A, %ge3A : i32
      %convert_element_type3A_46 = arith.extui %ge3A_45 : i1 to i32
      %cond3A_47 = arith.constant 0 : i32
      %cond3A_48 = arith.cmpi ne, %convert_element_type3A_46, %cond3A_47 : i32
      scf.if %cond3A_48 {
        %sub3A_95 = arith.constant 1 : i32
        %sub3A_96 = arith.subi %select_n3A, %sub3A_95 : i32
        %rem3A_97 = arith.constant 3 : i32
        %rem3A_98 = arith.remsi %sub3A_96, %rem3A_97 : i32
        %dma_wait3A_99 = arith.constant 0 : i32
        %dma_wait3A_100 = arith.constant 0 : i32
        %dma_wait3A_101 = tpu.memref_slice %arg11[%rem3A_98, %dma_wait3A_99, %dma_wait3A_100] : memref<3x64x128xf32, #tpu.memory_space<vmem>> -> memref<1x64x128xf32, #tpu.memory_space<vmem>>
        %dma_wait3A_102 = tpu.memref_squeeze %dma_wait3A_101 : memref<1x64x128xf32, #tpu.memory_space<vmem>> -> memref<64x128xf32, #tpu.memory_space<vmem>>
        %dma_wait3A_103 = arith.constant 0 : i32
        %dma_wait3A_104 = tpu.memref_slice %arg9[%rem3A_98, %dma_wait3A_103] : memref<3x64xi32, #tpu.memory_space<vmem>> -> memref<1x64xi32, #tpu.memory_space<vmem>>
        %dma_wait3A_105 = tpu.memref_squeeze %dma_wait3A_104 : memref<1x64xi32, #tpu.memory_space<vmem>> -> memref<64xi32, #tpu.memory_space<vmem>>
        %dma_wait3A_106 = arith.constant 0 : i32
        %dma_wait3A_107 = arith.constant 0 : i32
        %dma_wait3A_108 = tpu.memref_slice %arg2[%dma_wait3A_106, %dma_wait3A_107] : memref<540000x128xf32, #tpu.memory_space<hbm>> -> memref<540000x128xf32, #tpu.memory_space<hbm>>
        %dma_wait3A_109 = tpu.memref_slice %arg14[%rem3A_98] : memref<3x!tpu.dma_semaphore, #tpu.memory_space<semaphore_mem>> -> memref<1x!tpu.dma_semaphore, #tpu.memory_space<semaphore_mem>>
        %dma_wait3A_110 = tpu.memref_squeeze %dma_wait3A_109 : memref<1x!tpu.dma_semaphore, #tpu.memory_space<semaphore_mem>> -> memref<!tpu.dma_semaphore, #tpu.memory_space<semaphore_mem>>
        tpu.wait_indirect_dma semaphore(%dma_wait3A_110 : memref<!tpu.dma_semaphore, #tpu.memory_space<semaphore_mem>>) src(%dma_wait3A_108 : memref<540000x128xf32, #tpu.memory_space<hbm>>) dst(%dma_wait3A_102 : memref<64x128xf32, #tpu.memory_space<vmem>>)
        %dma_start3A_111 = arith.constant 0 : i32
        %dma_start3A_112 = arith.constant 0 : i32
        %dma_start3A_113 = tpu.memref_slice %arg11[%rem3A_98, %dma_start3A_111, %dma_start3A_112] : memref<3x64x128xf32, #tpu.memory_space<vmem>> -> memref<1x64x128xf32, #tpu.memory_space<vmem>>
        %dma_start3A_114 = tpu.memref_squeeze %dma_start3A_113 : memref<1x64x128xf32, #tpu.memory_space<vmem>> -> memref<64x128xf32, #tpu.memory_space<vmem>>
        %dma_start3A_115 = arith.constant 0 : i32
        %dma_start3A_116 = tpu.memref_slice %arg10[%rem3A_98, %dma_start3A_115] : memref<3x64xi32, #tpu.memory_space<vmem>> -> memref<1x64xi32, #tpu.memory_space<vmem>>
        %dma_start3A_117 = tpu.memref_squeeze %dma_start3A_116 : memref<1x64xi32, #tpu.memory_space<vmem>> -> memref<64xi32, #tpu.memory_space<vmem>>
        %dma_start3A_118 = arith.constant 0 : i32
        %dma_start3A_119 = arith.constant 0 : i32
        %dma_start3A_120 = tpu.memref_slice %arg12[%dma_start3A_118, %dma_start3A_119] : memref<12608x128xf32, #tpu.memory_space<vmem_shared>> -> memref<12608x128xf32, #tpu.memory_space<vmem_shared>>
        %dma_start3A_121 = tpu.memref_slice %arg15[%rem3A_98] : memref<3x!tpu.dma_semaphore, #tpu.memory_space<semaphore_mem>> -> memref<1x!tpu.dma_semaphore, #tpu.memory_space<semaphore_mem>>
        %dma_start3A_122 = tpu.memref_squeeze %dma_start3A_121 : memref<1x!tpu.dma_semaphore, #tpu.memory_space<semaphore_mem>> -> memref<!tpu.dma_semaphore, #tpu.memory_space<semaphore_mem>>
        tpu.enqueue_indirect_dma source(%dma_start3A_114 : memref<64x128xf32, #tpu.memory_space<vmem>>) target(%dma_start3A_120 : memref<12608x128xf32, #tpu.memory_space<vmem_shared>>) offsets(%dma_start3A_117 : memref<64xi32, #tpu.memory_space<vmem>>) semaphore(%dma_start3A_122 : memref<!tpu.dma_semaphore, #tpu.memory_space<semaphore_mem>>) {add = true}
      } else {
      }
      %sub3A_49 = arith.constant 1 : i32
      %sub3A_50 = arith.subi %select_n3A, %sub3A_49 : i32
      %sub3A_51 = arith.constant 0 : i32
      %sub3A_52 = arith.subi %sub3A_50, %sub3A_51 : i32
      %ge3A_53 = arith.constant 0 : i32
      %ge3A_54 = arith.cmpi sge, %sub3A_52, %ge3A_53 : i32
      %convert_element_type3A_55 = arith.extui %ge3A_54 : i1 to i32
      %cond3A_56 = arith.constant 0 : i32
      %cond3A_57 = arith.cmpi ne, %convert_element_type3A_55, %cond3A_56 : i32
      scf.if %cond3A_57 {
        %sub3A_95 = arith.constant 1 : i32
        %sub3A_96 = arith.subi %select_n3A, %sub3A_95 : i32
        %sub3A_97 = arith.constant 0 : i32
        %sub3A_98 = arith.subi %sub3A_96, %sub3A_97 : i32
        %rem3A_99 = arith.constant 3 : i32
        %rem3A_100 = arith.remsi %sub3A_98, %rem3A_99 : i32
        %dma_wait3A_101 = arith.constant 0 : i32
        %dma_wait3A_102 = arith.constant 0 : i32
        %dma_wait3A_103 = tpu.memref_slice %arg11[%rem3A_100, %dma_wait3A_101, %dma_wait3A_102] : memref<3x64x128xf32, #tpu.memory_space<vmem>> -> memref<1x64x128xf32, #tpu.memory_space<vmem>>
        %dma_wait3A_104 = tpu.memref_squeeze %dma_wait3A_103 : memref<1x64x128xf32, #tpu.memory_space<vmem>> -> memref<64x128xf32, #tpu.memory_space<vmem>>
        %dma_wait3A_105 = arith.constant 0 : i32
        %dma_wait3A_106 = tpu.memref_slice %arg10[%rem3A_100, %dma_wait3A_105] : memref<3x64xi32, #tpu.memory_space<vmem>> -> memref<1x64xi32, #tpu.memory_space<vmem>>
        %dma_wait3A_107 = tpu.memref_squeeze %dma_wait3A_106 : memref<1x64xi32, #tpu.memory_space<vmem>> -> memref<64xi32, #tpu.memory_space<vmem>>
        %dma_wait3A_108 = arith.constant 0 : i32
        %dma_wait3A_109 = arith.constant 0 : i32
        %dma_wait3A_110 = tpu.memref_slice %arg12[%dma_wait3A_108, %dma_wait3A_109] : memref<12608x128xf32, #tpu.memory_space<vmem_shared>> -> memref<12608x128xf32, #tpu.memory_space<vmem_shared>>
        %dma_wait3A_111 = tpu.memref_slice %arg15[%rem3A_100] : memref<3x!tpu.dma_semaphore, #tpu.memory_space<semaphore_mem>> -> memref<1x!tpu.dma_semaphore, #tpu.memory_space<semaphore_mem>>
        %dma_wait3A_112 = tpu.memref_squeeze %dma_wait3A_111 : memref<1x!tpu.dma_semaphore, #tpu.memory_space<semaphore_mem>> -> memref<!tpu.dma_semaphore, #tpu.memory_space<semaphore_mem>>
        tpu.wait_indirect_dma semaphore(%dma_wait3A_112 : memref<!tpu.dma_semaphore, #tpu.memory_space<semaphore_mem>>) src(%dma_wait3A_104 : memref<64x128xf32, #tpu.memory_space<vmem>>) dst(%dma_wait3A_110 : memref<12608x128xf32, #tpu.memory_space<vmem_shared>>)
      } else {
      }
      %sub3A_58 = arith.constant 1 : i32
      %sub3A_59 = arith.subi %select_n3A, %sub3A_58 : i32
      %sub3A_60 = arith.constant 1 : i32
      %sub3A_61 = arith.subi %sub3A_59, %sub3A_60 : i32
      %ge3A_62 = arith.constant 0 : i32
      %ge3A_63 = arith.cmpi sge, %sub3A_61, %ge3A_62 : i32
      %convert_element_type3A_64 = arith.extui %ge3A_63 : i1 to i32
      %cond3A_65 = arith.constant 0 : i32
      %cond3A_66 = arith.cmpi ne, %convert_element_type3A_64, %cond3A_65 : i32
      scf.if %cond3A_66 {
        %sub3A_95 = arith.constant 1 : i32
        %sub3A_96 = arith.subi %select_n3A, %sub3A_95 : i32
        %sub3A_97 = arith.constant 1 : i32
        %sub3A_98 = arith.subi %sub3A_96, %sub3A_97 : i32
        %rem3A_99 = arith.constant 3 : i32
        %rem3A_100 = arith.remsi %sub3A_98, %rem3A_99 : i32
        %dma_wait3A_101 = arith.constant 0 : i32
        %dma_wait3A_102 = arith.constant 0 : i32
        %dma_wait3A_103 = tpu.memref_slice %arg11[%rem3A_100, %dma_wait3A_101, %dma_wait3A_102] : memref<3x64x128xf32, #tpu.memory_space<vmem>> -> memref<1x64x128xf32, #tpu.memory_space<vmem>>
        %dma_wait3A_104 = tpu.memref_squeeze %dma_wait3A_103 : memref<1x64x128xf32, #tpu.memory_space<vmem>> -> memref<64x128xf32, #tpu.memory_space<vmem>>
        %dma_wait3A_105 = arith.constant 0 : i32
        %dma_wait3A_106 = tpu.memref_slice %arg10[%rem3A_100, %dma_wait3A_105] : memref<3x64xi32, #tpu.memory_space<vmem>> -> memref<1x64xi32, #tpu.memory_space<vmem>>
        %dma_wait3A_107 = tpu.memref_squeeze %dma_wait3A_106 : memref<1x64xi32, #tpu.memory_space<vmem>> -> memref<64xi32, #tpu.memory_space<vmem>>
        %dma_wait3A_108 = arith.constant 0 : i32
        %dma_wait3A_109 = arith.constant 0 : i32
        %dma_wait3A_110 = tpu.memref_slice %arg12[%dma_wait3A_108, %dma_wait3A_109] : memref<12608x128xf32, #tpu.memory_space<vmem_shared>> -> memref<12608x128xf32, #tpu.memory_space<vmem_shared>>
        %dma_wait3A_111 = tpu.memref_slice %arg15[%rem3A_100] : memref<3x!tpu.dma_semaphore, #tpu.memory_space<semaphore_mem>> -> memref<1x!tpu.dma_semaphore, #tpu.memory_space<semaphore_mem>>
        %dma_wait3A_112 = tpu.memref_squeeze %dma_wait3A_111 : memref<1x!tpu.dma_semaphore, #tpu.memory_space<semaphore_mem>> -> memref<!tpu.dma_semaphore, #tpu.memory_space<semaphore_mem>>
        tpu.wait_indirect_dma semaphore(%dma_wait3A_112 : memref<!tpu.dma_semaphore, #tpu.memory_space<semaphore_mem>>) src(%dma_wait3A_104 : memref<64x128xf32, #tpu.memory_space<vmem>>) dst(%dma_wait3A_110 : memref<12608x128xf32, #tpu.memory_space<vmem_shared>>)
      } else {
      }
      %sub3A_67 = arith.constant 1 : i32
      %sub3A_68 = arith.subi %select_n3A, %sub3A_67 : i32
      %sub3A_69 = arith.constant 2 : i32
      %sub3A_70 = arith.subi %sub3A_68, %sub3A_69 : i32
      %ge3A_71 = arith.constant 0 : i32
      %ge3A_72 = arith.cmpi sge, %sub3A_70, %ge3A_71 : i32
      %convert_element_type3A_73 = arith.extui %ge3A_72 : i1 to i32
      %cond3A_74 = arith.constant 0 : i32
      %cond3A_75 = arith.cmpi ne, %convert_element_type3A_73, %cond3A_74 : i32
      scf.if %cond3A_75 {
        %sub3A_95 = arith.constant 1 : i32
        %sub3A_96 = arith.subi %select_n3A, %sub3A_95 : i32
        %sub3A_97 = arith.constant 2 : i32
        %sub3A_98 = arith.subi %sub3A_96, %sub3A_97 : i32
        %rem3A_99 = arith.constant 3 : i32
        %rem3A_100 = arith.remsi %sub3A_98, %rem3A_99 : i32
        %dma_wait3A_101 = arith.constant 0 : i32
        %dma_wait3A_102 = arith.constant 0 : i32
        %dma_wait3A_103 = tpu.memref_slice %arg11[%rem3A_100, %dma_wait3A_101, %dma_wait3A_102] : memref<3x64x128xf32, #tpu.memory_space<vmem>> -> memref<1x64x128xf32, #tpu.memory_space<vmem>>
        %dma_wait3A_104 = tpu.memref_squeeze %dma_wait3A_103 : memref<1x64x128xf32, #tpu.memory_space<vmem>> -> memref<64x128xf32, #tpu.memory_space<vmem>>
        %dma_wait3A_105 = arith.constant 0 : i32
        %dma_wait3A_106 = tpu.memref_slice %arg10[%rem3A_100, %dma_wait3A_105] : memref<3x64xi32, #tpu.memory_space<vmem>> -> memref<1x64xi32, #tpu.memory_space<vmem>>
        %dma_wait3A_107 = tpu.memref_squeeze %dma_wait3A_106 : memref<1x64xi32, #tpu.memory_space<vmem>> -> memref<64xi32, #tpu.memory_space<vmem>>
        %dma_wait3A_108 = arith.constant 0 : i32
        %dma_wait3A_109 = arith.constant 0 : i32
        %dma_wait3A_110 = tpu.memref_slice %arg12[%dma_wait3A_108, %dma_wait3A_109] : memref<12608x128xf32, #tpu.memory_space<vmem_shared>> -> memref<12608x128xf32, #tpu.memory_space<vmem_shared>>
        %dma_wait3A_111 = tpu.memref_slice %arg15[%rem3A_100] : memref<3x!tpu.dma_semaphore, #tpu.memory_space<semaphore_mem>> -> memref<1x!tpu.dma_semaphore, #tpu.memory_space<semaphore_mem>>
        %dma_wait3A_112 = tpu.memref_squeeze %dma_wait3A_111 : memref<1x!tpu.dma_semaphore, #tpu.memory_space<semaphore_mem>> -> memref<!tpu.dma_semaphore, #tpu.memory_space<semaphore_mem>>
        tpu.wait_indirect_dma semaphore(%dma_wait3A_112 : memref<!tpu.dma_semaphore, #tpu.memory_space<semaphore_mem>>) src(%dma_wait3A_104 : memref<64x128xf32, #tpu.memory_space<vmem>>) dst(%dma_wait3A_110 : memref<12608x128xf32, #tpu.memory_space<vmem_shared>>)
      } else {
      }
      %barrier3A_76 = arith.constant 0 : index
      tpu.barrier barrier_id(%barrier3A_76)
      %eq3A = arith.constant 7 : i32
      %eq3A_77 = arith.cmpi eq, %add3A, %eq3A : i32
      %lt3A = arith.constant 15 : i32
      %lt3A_78 = arith.cmpi slt, %arg1, %lt3A : i32
      %convert_element_type3A_79 = arith.extui %lt3A_78 : i1 to i32
      %cond3A_80 = arith.constant 0 : i32
      %cond3A_81 = arith.cmpi ne, %convert_element_type3A_79, %cond3A_80 : i32
      scf.if %cond3A_81 {
        %mul3A_95 = arith.constant 784 : i32
        %mul3A_96 = arith.muli %arg1, %mul3A_95 : i32
        %mul3A_97 = arith.constant 784 : i32
        %mul3A_98 = arith.muli %arg1, %mul3A_97 : i32
        %add3A_99 = arith.addi %mul3A_12, %mul3A_98 : i32
        "tpu.region"() ({
          %run_scoped3A = tpu.sem_alloc : memref<!tpu.dma_semaphore, #tpu.memory_space<semaphore_mem>>
          %dma_start3A_100 = arith.constant 0 : i32
          %dma_start3A_101 = tpu.memref_slice %arg5[%add3A_99, %dma_start3A_100] : memref<100000x128xf32, #tpu.memory_space<hbm>> -> memref<784x128xf32, #tpu.memory_space<hbm>>
          %dma_start3A_102 = arith.constant 0 : i32
          %dma_start3A_103 = tpu.memref_slice %arg12[%mul3A_96, %dma_start3A_102] : memref<12608x128xf32, #tpu.memory_space<vmem_shared>> -> memref<784x128xf32, #tpu.memory_space<vmem_shared>>
          tpu.enqueue_dma source(%dma_start3A_103 : memref<784x128xf32, #tpu.memory_space<vmem_shared>>) target(%dma_start3A_101 : memref<784x128xf32, #tpu.memory_space<hbm>>) target_semaphore(%run_scoped3A : memref<!tpu.dma_semaphore, #tpu.memory_space<semaphore_mem>>)
          %dma_wait3A_104 = arith.constant 0 : i32
          %dma_wait3A_105 = tpu.memref_slice %arg5[%add3A_99, %dma_wait3A_104] : memref<100000x128xf32, #tpu.memory_space<hbm>> -> memref<784x128xf32, #tpu.memory_space<hbm>>
          %dma_wait3A_106 = arith.constant 0 : i32
          %dma_wait3A_107 = tpu.memref_slice %arg12[%mul3A_96, %dma_wait3A_106] : memref<12608x128xf32, #tpu.memory_space<vmem_shared>> -> memref<784x128xf32, #tpu.memory_space<vmem_shared>>
          tpu.wait_dma2 semaphore(%run_scoped3A : memref<!tpu.dma_semaphore, #tpu.memory_space<semaphore_mem>>) src(%dma_wait3A_107 : memref<784x128xf32, #tpu.memory_space<vmem_shared>>) dst(%dma_wait3A_105 : memref<784x128xf32, #tpu.memory_space<hbm>>)
          tpu.yield
        }) : () -> ()
      } else {
      }
      %eq3A_82 = arith.constant 15 : i32
      %eq3A_83 = arith.cmpi eq, %arg1, %eq3A_82 : i32
      %not3A = arith.constant true
      %not3A_84 = arith.xori %eq3A_77, %not3A : i1
      %and3A = arith.andi %eq3A_83, %not3A_84 : i1
      %convert_element_type3A_85 = arith.extui %and3A : i1 to i32
      %cond3A_86 = arith.constant 0 : i32
      %cond3A_87 = arith.cmpi ne, %convert_element_type3A_85, %cond3A_86 : i32
      scf.if %cond3A_87 {
        %add3A_95 = arith.constant 11760 : i32
        %add3A_96 = arith.addi %mul3A_12, %add3A_95 : i32
        "tpu.region"() ({
          %run_scoped3A = tpu.sem_alloc : memref<!tpu.dma_semaphore, #tpu.memory_space<semaphore_mem>>
          %dma_start3A_97 = arith.constant 0 : i32
          %dma_start3A_98 = tpu.memref_slice %arg5[%add3A_96, %dma_start3A_97] : memref<100000x128xf32, #tpu.memory_space<hbm>> -> memref<784x128xf32, #tpu.memory_space<hbm>>
          %dma_start3A_99 = arith.constant 11760 : i32
          %dma_start3A_100 = arith.constant 0 : i32
          %dma_start3A_101 = tpu.memref_slice %arg12[%dma_start3A_99, %dma_start3A_100] : memref<12608x128xf32, #tpu.memory_space<vmem_shared>> -> memref<784x128xf32, #tpu.memory_space<vmem_shared>>
          tpu.enqueue_dma source(%dma_start3A_101 : memref<784x128xf32, #tpu.memory_space<vmem_shared>>) target(%dma_start3A_98 : memref<784x128xf32, #tpu.memory_space<hbm>>) target_semaphore(%run_scoped3A : memref<!tpu.dma_semaphore, #tpu.memory_space<semaphore_mem>>)
          %dma_wait3A_102 = arith.constant 0 : i32
          %dma_wait3A_103 = tpu.memref_slice %arg5[%add3A_96, %dma_wait3A_102] : memref<100000x128xf32, #tpu.memory_space<hbm>> -> memref<784x128xf32, #tpu.memory_space<hbm>>
          %dma_wait3A_104 = arith.constant 11760 : i32
          %dma_wait3A_105 = arith.constant 0 : i32
          %dma_wait3A_106 = tpu.memref_slice %arg12[%dma_wait3A_104, %dma_wait3A_105] : memref<12608x128xf32, #tpu.memory_space<vmem_shared>> -> memref<784x128xf32, #tpu.memory_space<vmem_shared>>
          tpu.wait_dma2 semaphore(%run_scoped3A : memref<!tpu.dma_semaphore, #tpu.memory_space<semaphore_mem>>) src(%dma_wait3A_106 : memref<784x128xf32, #tpu.memory_space<vmem_shared>>) dst(%dma_wait3A_103 : memref<784x128xf32, #tpu.memory_space<hbm>>)
          tpu.yield
        }) : () -> ()
      } else {
      }
      %eq3A_88 = arith.constant 15 : i32
      %eq3A_89 = arith.cmpi eq, %arg1, %eq3A_88 : i32
      %and3A_90 = arith.andi %eq3A_89, %eq3A_77 : i1
      %convert_element_type3A_91 = arith.extui %and3A_90 : i1 to i32
      %cond3A_92 = arith.constant 0 : i32
      %cond3A_93 = arith.cmpi ne, %convert_element_type3A_91, %cond3A_92 : i32
      scf.if %cond3A_93 {
        %add3A_95 = arith.constant 11760 : i32
        %add3A_96 = arith.addi %mul3A_12, %add3A_95 : i32
        "tpu.region"() ({
          %run_scoped3A = tpu.sem_alloc : memref<!tpu.dma_semaphore, #tpu.memory_space<semaphore_mem>>
          %dma_start3A_97 = arith.constant 0 : i32
          %dma_start3A_98 = tpu.memref_slice %arg5[%add3A_96, %dma_start3A_97] : memref<100000x128xf32, #tpu.memory_space<hbm>> -> memref<432x128xf32, #tpu.memory_space<hbm>>
          %dma_start3A_99 = arith.constant 11760 : i32
          %dma_start3A_100 = arith.constant 0 : i32
          %dma_start3A_101 = tpu.memref_slice %arg12[%dma_start3A_99, %dma_start3A_100] : memref<12608x128xf32, #tpu.memory_space<vmem_shared>> -> memref<432x128xf32, #tpu.memory_space<vmem_shared>>
          tpu.enqueue_dma source(%dma_start3A_101 : memref<432x128xf32, #tpu.memory_space<vmem_shared>>) target(%dma_start3A_98 : memref<432x128xf32, #tpu.memory_space<hbm>>) target_semaphore(%run_scoped3A : memref<!tpu.dma_semaphore, #tpu.memory_space<semaphore_mem>>)
          %dma_wait3A_102 = arith.constant 0 : i32
          %dma_wait3A_103 = tpu.memref_slice %arg5[%add3A_96, %dma_wait3A_102] : memref<100000x128xf32, #tpu.memory_space<hbm>> -> memref<432x128xf32, #tpu.memory_space<hbm>>
          %dma_wait3A_104 = arith.constant 11760 : i32
          %dma_wait3A_105 = arith.constant 0 : i32
          %dma_wait3A_106 = tpu.memref_slice %arg12[%dma_wait3A_104, %dma_wait3A_105] : memref<12608x128xf32, #tpu.memory_space<vmem_shared>> -> memref<432x128xf32, #tpu.memory_space<vmem_shared>>
          tpu.wait_dma2 semaphore(%run_scoped3A : memref<!tpu.dma_semaphore, #tpu.memory_space<semaphore_mem>>) src(%dma_wait3A_106 : memref<432x128xf32, #tpu.memory_space<vmem_shared>>) dst(%dma_wait3A_103 : memref<432x128xf32, #tpu.memory_space<hbm>>)
          tpu.yield
        }) : () -> ()
      } else {
      }
      %barrier3A_94 = arith.constant 0 : index
      tpu.barrier barrier_id(%barrier3A_94)
    }
    %scan3A_7 = arith.constant 4 : i32
    return
  }
}

#map = affine_map<(d0, d1) -> (0, 0)>
#map1 = affine_map<(d0, d1) -> (0)>
module attributes {stable_mosaic.version = 14 : i64} {
  func.func @k(%arg0: i32, %arg1: i32, %arg2: memref<100000x128xf32, #tpu.memory_space<hbm>>, %arg3: memref<260096xi32, #tpu.memory_space<hbm>>, %arg4: memref<260096x128xf32, #tpu.memory_space<hbm>>, %arg5: memref<2x128xi32, #tpu.memory_space<vmem>>, %arg6: memref<2x128x128xf32, #tpu.memory_space<vmem>>, %arg7: memref<2x!tpu.dma_semaphore, #tpu.memory_space<semaphore_mem>>, %arg8: memref<2x!tpu.dma_semaphore, #tpu.memory_space<semaphore_mem>>, %arg9: memref<2x!tpu.dma_semaphore, #tpu.memory_space<semaphore_mem>>) attributes {dimension_semantics = [#tpu.dimension_semantics<core_parallel>, #tpu.dimension_semantics<subcore_parallel>], iteration_bounds = array<i64: 2, 16>, scalar_prefetch = 0 : i64, scratch_operands = 5 : i64, tpu.core_type = #tpu.core_type<sc_vector_subcore>, window_params = [{transform_indices = #map}, {transform_indices = #map1}, {transform_indices = #map}]} {
    %mul3A = arith.constant 2 : i32
    %mul3A_0 = arith.muli %arg1, %mul3A : i32
    %add3A = arith.addi %mul3A_0, %arg0 : i32
    %lt3A = arith.constant 16 : i32
    %lt3A_1 = arith.cmpi slt, %add3A, %lt3A : i32
    %jit3A = arith.constant 64 : i32
    %jit3A_2 = arith.constant 63 : i32
    %select_n3A = arith.select %lt3A_1, %jit3A, %jit3A_2 : i32
    %rem3A = arith.constant 0 : i32
    %rem3A_3 = arith.constant 2 : i32
    %rem3A_4 = arith.remsi %rem3A, %rem3A_3 : i32
    %add3A_5 = arith.constant 0 : i32
    %add3A_6 = arith.addi %add3A, %add3A_5 : i32
    %mul3A_7 = arith.constant 128 : i32
    %mul3A_8 = arith.muli %add3A_6, %mul3A_7 : i32
    %dma_start3A = arith.constant 0 : i32
    %dma_start3A_9 = tpu.memref_slice %arg5[%rem3A_4, %dma_start3A] : memref<2x128xi32, #tpu.memory_space<vmem>> -> memref<1x128xi32, #tpu.memory_space<vmem>>
    %dma_start3A_10 = tpu.memref_squeeze %dma_start3A_9 : memref<1x128xi32, #tpu.memory_space<vmem>> -> memref<128xi32, #tpu.memory_space<vmem>>
    %dma_start3A_11 = tpu.memref_slice %arg3[%mul3A_8] : memref<260096xi32, #tpu.memory_space<hbm>> -> memref<128xi32, #tpu.memory_space<hbm>>
    %dma_start3A_12 = tpu.memref_slice %arg7[%rem3A_4] : memref<2x!tpu.dma_semaphore, #tpu.memory_space<semaphore_mem>> -> memref<1x!tpu.dma_semaphore, #tpu.memory_space<semaphore_mem>>
    %dma_start3A_13 = tpu.memref_squeeze %dma_start3A_12 : memref<1x!tpu.dma_semaphore, #tpu.memory_space<semaphore_mem>> -> memref<!tpu.dma_semaphore, #tpu.memory_space<semaphore_mem>>
    %dma_start3A_14 = arith.constant 0 : i32
    %dma_start3A_15 = tpu.memref_slice %arg5[%rem3A_4, %dma_start3A_14] : memref<2x128xi32, #tpu.memory_space<vmem>> -> memref<1x128xi32, #tpu.memory_space<vmem>>
    %dma_start3A_16 = tpu.memref_squeeze %dma_start3A_15 : memref<1x128xi32, #tpu.memory_space<vmem>> -> memref<128xi32, #tpu.memory_space<vmem>>
    %dma_start3A_17 = tpu.memref_slice %arg3[%mul3A_8] : memref<260096xi32, #tpu.memory_space<hbm>> -> memref<128xi32, #tpu.memory_space<hbm>>
    tpu.enqueue_dma source(%dma_start3A_17 : memref<128xi32, #tpu.memory_space<hbm>>) target(%dma_start3A_16 : memref<128xi32, #tpu.memory_space<vmem>>) target_semaphore(%dma_start3A_13 : memref<!tpu.dma_semaphore, #tpu.memory_space<semaphore_mem>>)
    %while3A = arith.constant 0 : i32
    %while3A_18 = arith.constant 0 : i32
    %while3A_19 = arith.subi %select_n3A, %while3A_18 : i32
    %while3A_20 = arith.addi %while3A_18, %while3A_19 : i32
    %while3A_21 = arith.constant 1 : i32
    %while3A_22 = arith.divsi %while3A_19, %while3A_21 : i32
    %while3A_23 = arith.muli %while3A_22, %while3A_21 : i32
    %while3A_24 = arith.addi %while3A_18, %while3A_23 : i32
    %while3A_25 = arith.constant 1 : i32
    scf.for %while3A_110 = %while3A_18 to %while3A_24 step %while3A_25  : i32 {
      %ge3A = arith.constant 2 : i32
      %ge3A_111 = arith.cmpi sge, %while3A_110, %ge3A : i32
      %convert_element_type3A = arith.extui %ge3A_111 : i1 to i32
      %cond3A = arith.constant 0 : i32
      %cond3A_112 = arith.cmpi ne, %convert_element_type3A, %cond3A : i32
      scf.if %cond3A_112 {
        %sub3A_160 = arith.constant 2 : i32
        %sub3A_161 = arith.subi %while3A_110, %sub3A_160 : i32
        %rem3A_162 = arith.constant 2 : i32
        %rem3A_163 = arith.remsi %sub3A_161, %rem3A_162 : i32
        %mul3A_164 = arith.constant 32 : i32
        %mul3A_165 = arith.muli %mul3A_164, %sub3A_161 : i32
        %add3A_166 = arith.addi %add3A, %mul3A_165 : i32
        %mul3A_167 = arith.constant 128 : i32
        %mul3A_168 = arith.muli %add3A_166, %mul3A_167 : i32
        %dma_wait3A_169 = arith.constant 0 : i32
        %dma_wait3A_170 = arith.constant 0 : i32
        %dma_wait3A_171 = tpu.memref_slice %arg6[%rem3A_163, %dma_wait3A_169, %dma_wait3A_170] : memref<2x128x128xf32, #tpu.memory_space<vmem>> -> memref<1x128x128xf32, #tpu.memory_space<vmem>>
        %dma_wait3A_172 = tpu.memref_squeeze %dma_wait3A_171 : memref<1x128x128xf32, #tpu.memory_space<vmem>> -> memref<128x128xf32, #tpu.memory_space<vmem>>
        %dma_wait3A_173 = arith.constant 0 : i32
        %dma_wait3A_174 = tpu.memref_slice %arg4[%mul3A_168, %dma_wait3A_173] : memref<260096x128xf32, #tpu.memory_space<hbm>> -> memref<128x128xf32, #tpu.memory_space<hbm>>
        %dma_wait3A_175 = tpu.memref_slice %arg9[%rem3A_163] : memref<2x!tpu.dma_semaphore, #tpu.memory_space<semaphore_mem>> -> memref<1x!tpu.dma_semaphore, #tpu.memory_space<semaphore_mem>>
        %dma_wait3A_176 = tpu.memref_squeeze %dma_wait3A_175 : memref<1x!tpu.dma_semaphore, #tpu.memory_space<semaphore_mem>> -> memref<!tpu.dma_semaphore, #tpu.memory_space<semaphore_mem>>
        %dma_wait3A_177 = arith.constant 0 : i32
        %dma_wait3A_178 = tpu.memref_slice %arg4[%mul3A_168, %dma_wait3A_177] : memref<260096x128xf32, #tpu.memory_space<hbm>> -> memref<128x128xf32, #tpu.memory_space<hbm>>
        %dma_wait3A_179 = arith.constant 0 : i32
        %dma_wait3A_180 = arith.constant 0 : i32
        %dma_wait3A_181 = tpu.memref_slice %arg6[%rem3A_163, %dma_wait3A_179, %dma_wait3A_180] : memref<2x128x128xf32, #tpu.memory_space<vmem>> -> memref<1x128x128xf32, #tpu.memory_space<vmem>>
        %dma_wait3A_182 = tpu.memref_squeeze %dma_wait3A_181 : memref<1x128x128xf32, #tpu.memory_space<vmem>> -> memref<128x128xf32, #tpu.memory_space<vmem>>
        tpu.wait_dma2 semaphore(%dma_wait3A_176 : memref<!tpu.dma_semaphore, #tpu.memory_space<semaphore_mem>>) src(%dma_wait3A_182 : memref<128x128xf32, #tpu.memory_space<vmem>>) dst(%dma_wait3A_178 : memref<128x128xf32, #tpu.memory_space<hbm>>)
      } else {
      }
      %ge3A_113 = arith.constant 1 : i32
      %ge3A_114 = arith.cmpi sge, %while3A_110, %ge3A_113 : i32
      %convert_element_type3A_115 = arith.extui %ge3A_114 : i1 to i32
      %cond3A_116 = arith.constant 0 : i32
      %cond3A_117 = arith.cmpi ne, %convert_element_type3A_115, %cond3A_116 : i32
      scf.if %cond3A_117 {
        %sub3A_160 = arith.constant 1 : i32
        %sub3A_161 = arith.subi %while3A_110, %sub3A_160 : i32
        %rem3A_162 = arith.constant 2 : i32
        %rem3A_163 = arith.remsi %sub3A_161, %rem3A_162 : i32
        %dma_wait3A_164 = arith.constant 0 : i32
        %dma_wait3A_165 = arith.constant 0 : i32
        %dma_wait3A_166 = tpu.memref_slice %arg6[%rem3A_163, %dma_wait3A_164, %dma_wait3A_165] : memref<2x128x128xf32, #tpu.memory_space<vmem>> -> memref<1x128x128xf32, #tpu.memory_space<vmem>>
        %dma_wait3A_167 = tpu.memref_squeeze %dma_wait3A_166 : memref<1x128x128xf32, #tpu.memory_space<vmem>> -> memref<128x128xf32, #tpu.memory_space<vmem>>
        %dma_wait3A_168 = arith.constant 0 : i32
        %dma_wait3A_169 = tpu.memref_slice %arg5[%rem3A_163, %dma_wait3A_168] : memref<2x128xi32, #tpu.memory_space<vmem>> -> memref<1x128xi32, #tpu.memory_space<vmem>>
        %dma_wait3A_170 = tpu.memref_squeeze %dma_wait3A_169 : memref<1x128xi32, #tpu.memory_space<vmem>> -> memref<128xi32, #tpu.memory_space<vmem>>
        %dma_wait3A_171 = arith.constant 0 : i32
        %dma_wait3A_172 = arith.constant 0 : i32
        %dma_wait3A_173 = tpu.memref_slice %arg2[%dma_wait3A_171, %dma_wait3A_172] : memref<100000x128xf32, #tpu.memory_space<hbm>> -> memref<100000x128xf32, #tpu.memory_space<hbm>>
        %dma_wait3A_174 = tpu.memref_slice %arg8[%rem3A_163] : memref<2x!tpu.dma_semaphore, #tpu.memory_space<semaphore_mem>> -> memref<1x!tpu.dma_semaphore, #tpu.memory_space<semaphore_mem>>
        %dma_wait3A_175 = tpu.memref_squeeze %dma_wait3A_174 : memref<1x!tpu.dma_semaphore, #tpu.memory_space<semaphore_mem>> -> memref<!tpu.dma_semaphore, #tpu.memory_space<semaphore_mem>>
        tpu.wait_indirect_dma semaphore(%dma_wait3A_175 : memref<!tpu.dma_semaphore, #tpu.memory_space<semaphore_mem>>) src(%dma_wait3A_173 : memref<100000x128xf32, #tpu.memory_space<hbm>>) dst(%dma_wait3A_167 : memref<128x128xf32, #tpu.memory_space<vmem>>)
      } else {
      }
      %add3A_118 = arith.constant 1 : i32
      %add3A_119 = arith.addi %while3A_110, %add3A_118 : i32
      %lt3A_120 = arith.cmpi slt, %add3A_119, %select_n3A : i32
      %convert_element_type3A_121 = arith.extui %lt3A_120 : i1 to i32
      %cond3A_122 = arith.constant 0 : i32
      %cond3A_123 = arith.cmpi ne, %convert_element_type3A_121, %cond3A_122 : i32
      scf.if %cond3A_123 {
        %add3A_160 = arith.constant 1 : i32
        %add3A_161 = arith.addi %while3A_110, %add3A_160 : i32
        %rem3A_162 = arith.constant 2 : i32
        %rem3A_163 = arith.remsi %add3A_161, %rem3A_162 : i32
        %mul3A_164 = arith.constant 32 : i32
        %mul3A_165 = arith.muli %mul3A_164, %add3A_161 : i32
        %add3A_166 = arith.addi %add3A, %mul3A_165 : i32
        %mul3A_167 = arith.constant 128 : i32
        %mul3A_168 = arith.muli %add3A_166, %mul3A_167 : i32
        %dma_start3A_169 = arith.constant 0 : i32
        %dma_start3A_170 = tpu.memref_slice %arg5[%rem3A_163, %dma_start3A_169] : memref<2x128xi32, #tpu.memory_space<vmem>> -> memref<1x128xi32, #tpu.memory_space<vmem>>
        %dma_start3A_171 = tpu.memref_squeeze %dma_start3A_170 : memref<1x128xi32, #tpu.memory_space<vmem>> -> memref<128xi32, #tpu.memory_space<vmem>>
        %dma_start3A_172 = tpu.memref_slice %arg3[%mul3A_168] : memref<260096xi32, #tpu.memory_space<hbm>> -> memref<128xi32, #tpu.memory_space<hbm>>
        %dma_start3A_173 = tpu.memref_slice %arg7[%rem3A_163] : memref<2x!tpu.dma_semaphore, #tpu.memory_space<semaphore_mem>> -> memref<1x!tpu.dma_semaphore, #tpu.memory_space<semaphore_mem>>
        %dma_start3A_174 = tpu.memref_squeeze %dma_start3A_173 : memref<1x!tpu.dma_semaphore, #tpu.memory_space<semaphore_mem>> -> memref<!tpu.dma_semaphore, #tpu.memory_space<semaphore_mem>>
        %dma_start3A_175 = arith.constant 0 : i32
        %dma_start3A_176 = tpu.memref_slice %arg5[%rem3A_163, %dma_start3A_175] : memref<2x128xi32, #tpu.memory_space<vmem>> -> memref<1x128xi32, #tpu.memory_space<vmem>>
        %dma_start3A_177 = tpu.memref_squeeze %dma_start3A_176 : memref<1x128xi32, #tpu.memory_space<vmem>> -> memref<128xi32, #tpu.memory_space<vmem>>
        %dma_start3A_178 = tpu.memref_slice %arg3[%mul3A_168] : memref<260096xi32, #tpu.memory_space<hbm>> -> memref<128xi32, #tpu.memory_space<hbm>>
        tpu.enqueue_dma source(%dma_start3A_178 : memref<128xi32, #tpu.memory_space<hbm>>) target(%dma_start3A_177 : memref<128xi32, #tpu.memory_space<vmem>>) target_semaphore(%dma_start3A_174 : memref<!tpu.dma_semaphore, #tpu.memory_space<semaphore_mem>>)
      } else {
      }
      %ge3A_124 = arith.constant 1 : i32
      %ge3A_125 = arith.cmpi sge, %while3A_110, %ge3A_124 : i32
      %convert_element_type3A_126 = arith.extui %ge3A_125 : i1 to i32
      %cond3A_127 = arith.constant 0 : i32
      %cond3A_128 = arith.cmpi ne, %convert_element_type3A_126, %cond3A_127 : i32
      scf.if %cond3A_128 {
        %sub3A_160 = arith.constant 1 : i32
        %sub3A_161 = arith.subi %while3A_110, %sub3A_160 : i32
        %rem3A_162 = arith.constant 2 : i32
        %rem3A_163 = arith.remsi %sub3A_161, %rem3A_162 : i32
        %mul3A_164 = arith.constant 32 : i32
        %mul3A_165 = arith.muli %mul3A_164, %sub3A_161 : i32
        %add3A_166 = arith.addi %add3A, %mul3A_165 : i32
        %mul3A_167 = arith.constant 128 : i32
        %mul3A_168 = arith.muli %add3A_166, %mul3A_167 : i32
        %dma_start3A_169 = arith.constant 0 : i32
        %dma_start3A_170 = arith.constant 0 : i32
        %dma_start3A_171 = tpu.memref_slice %arg6[%rem3A_163, %dma_start3A_169, %dma_start3A_170] : memref<2x128x128xf32, #tpu.memory_space<vmem>> -> memref<1x128x128xf32, #tpu.memory_space<vmem>>
        %dma_start3A_172 = tpu.memref_squeeze %dma_start3A_171 : memref<1x128x128xf32, #tpu.memory_space<vmem>> -> memref<128x128xf32, #tpu.memory_space<vmem>>
        %dma_start3A_173 = arith.constant 0 : i32
        %dma_start3A_174 = tpu.memref_slice %arg4[%mul3A_168, %dma_start3A_173] : memref<260096x128xf32, #tpu.memory_space<hbm>> -> memref<128x128xf32, #tpu.memory_space<hbm>>
        %dma_start3A_175 = tpu.memref_slice %arg9[%rem3A_163] : memref<2x!tpu.dma_semaphore, #tpu.memory_space<semaphore_mem>> -> memref<1x!tpu.dma_semaphore, #tpu.memory_space<semaphore_mem>>
        %dma_start3A_176 = tpu.memref_squeeze %dma_start3A_175 : memref<1x!tpu.dma_semaphore, #tpu.memory_space<semaphore_mem>> -> memref<!tpu.dma_semaphore, #tpu.memory_space<semaphore_mem>>
        %dma_start3A_177 = arith.constant 0 : i32
        %dma_start3A_178 = tpu.memref_slice %arg4[%mul3A_168, %dma_start3A_177] : memref<260096x128xf32, #tpu.memory_space<hbm>> -> memref<128x128xf32, #tpu.memory_space<hbm>>
        %dma_start3A_179 = arith.constant 0 : i32
        %dma_start3A_180 = arith.constant 0 : i32
        %dma_start3A_181 = tpu.memref_slice %arg6[%rem3A_163, %dma_start3A_179, %dma_start3A_180] : memref<2x128x128xf32, #tpu.memory_space<vmem>> -> memref<1x128x128xf32, #tpu.memory_space<vmem>>
        %dma_start3A_182 = tpu.memref_squeeze %dma_start3A_181 : memref<1x128x128xf32, #tpu.memory_space<vmem>> -> memref<128x128xf32, #tpu.memory_space<vmem>>
        tpu.enqueue_dma source(%dma_start3A_182 : memref<128x128xf32, #tpu.memory_space<vmem>>) target(%dma_start3A_178 : memref<128x128xf32, #tpu.memory_space<hbm>>) target_semaphore(%dma_start3A_176 : memref<!tpu.dma_semaphore, #tpu.memory_space<semaphore_mem>>)
      } else {
      }
      %rem3A_129 = arith.constant 2 : i32
      %rem3A_130 = arith.remsi %while3A_110, %rem3A_129 : i32
      %mul3A_131 = arith.constant 32 : i32
      %mul3A_132 = arith.muli %mul3A_131, %while3A_110 : i32
      %add3A_133 = arith.addi %add3A, %mul3A_132 : i32
      %mul3A_134 = arith.constant 128 : i32
      %mul3A_135 = arith.muli %add3A_133, %mul3A_134 : i32
      %dma_wait3A_136 = arith.constant 0 : i32
      %dma_wait3A_137 = tpu.memref_slice %arg5[%rem3A_130, %dma_wait3A_136] : memref<2x128xi32, #tpu.memory_space<vmem>> -> memref<1x128xi32, #tpu.memory_space<vmem>>
      %dma_wait3A_138 = tpu.memref_squeeze %dma_wait3A_137 : memref<1x128xi32, #tpu.memory_space<vmem>> -> memref<128xi32, #tpu.memory_space<vmem>>
      %dma_wait3A_139 = tpu.memref_slice %arg3[%mul3A_135] : memref<260096xi32, #tpu.memory_space<hbm>> -> memref<128xi32, #tpu.memory_space<hbm>>
      %dma_wait3A_140 = tpu.memref_slice %arg7[%rem3A_130] : memref<2x!tpu.dma_semaphore, #tpu.memory_space<semaphore_mem>> -> memref<1x!tpu.dma_semaphore, #tpu.memory_space<semaphore_mem>>
      %dma_wait3A_141 = tpu.memref_squeeze %dma_wait3A_140 : memref<1x!tpu.dma_semaphore, #tpu.memory_space<semaphore_mem>> -> memref<!tpu.dma_semaphore, #tpu.memory_space<semaphore_mem>>
      %dma_wait3A_142 = arith.constant 0 : i32
      %dma_wait3A_143 = tpu.memref_slice %arg5[%rem3A_130, %dma_wait3A_142] : memref<2x128xi32, #tpu.memory_space<vmem>> -> memref<1x128xi32, #tpu.memory_space<vmem>>
      %dma_wait3A_144 = tpu.memref_squeeze %dma_wait3A_143 : memref<1x128xi32, #tpu.memory_space<vmem>> -> memref<128xi32, #tpu.memory_space<vmem>>
      %dma_wait3A_145 = tpu.memref_slice %arg3[%mul3A_135] : memref<260096xi32, #tpu.memory_space<hbm>> -> memref<128xi32, #tpu.memory_space<hbm>>
      tpu.wait_dma2 semaphore(%dma_wait3A_141 : memref<!tpu.dma_semaphore, #tpu.memory_space<semaphore_mem>>) src(%dma_wait3A_145 : memref<128xi32, #tpu.memory_space<hbm>>) dst(%dma_wait3A_144 : memref<128xi32, #tpu.memory_space<vmem>>)
      %rem3A_146 = arith.constant 2 : i32
      %rem3A_147 = arith.remsi %while3A_110, %rem3A_146 : i32
      %dma_start3A_148 = arith.constant 0 : i32
      %dma_start3A_149 = arith.constant 0 : i32
      %dma_start3A_150 = tpu.memref_slice %arg6[%rem3A_147, %dma_start3A_148, %dma_start3A_149] : memref<2x128x128xf32, #tpu.memory_space<vmem>> -> memref<1x128x128xf32, #tpu.memory_space<vmem>>
      %dma_start3A_151 = tpu.memref_squeeze %dma_start3A_150 : memref<1x128x128xf32, #tpu.memory_space<vmem>> -> memref<128x128xf32, #tpu.memory_space<vmem>>
      %dma_start3A_152 = arith.constant 0 : i32
      %dma_start3A_153 = tpu.memref_slice %arg5[%rem3A_147, %dma_start3A_152] : memref<2x128xi32, #tpu.memory_space<vmem>> -> memref<1x128xi32, #tpu.memory_space<vmem>>
      %dma_start3A_154 = tpu.memref_squeeze %dma_start3A_153 : memref<1x128xi32, #tpu.memory_space<vmem>> -> memref<128xi32, #tpu.memory_space<vmem>>
      %dma_start3A_155 = arith.constant 0 : i32
      %dma_start3A_156 = arith.constant 0 : i32
      %dma_start3A_157 = tpu.memref_slice %arg2[%dma_start3A_155, %dma_start3A_156] : memref<100000x128xf32, #tpu.memory_space<hbm>> -> memref<100000x128xf32, #tpu.memory_space<hbm>>
      %dma_start3A_158 = tpu.memref_slice %arg8[%rem3A_147] : memref<2x!tpu.dma_semaphore, #tpu.memory_space<semaphore_mem>> -> memref<1x!tpu.dma_semaphore, #tpu.memory_space<semaphore_mem>>
      %dma_start3A_159 = tpu.memref_squeeze %dma_start3A_158 : memref<1x!tpu.dma_semaphore, #tpu.memory_space<semaphore_mem>> -> memref<!tpu.dma_semaphore, #tpu.memory_space<semaphore_mem>>
      tpu.enqueue_indirect_dma source(%dma_start3A_157 : memref<100000x128xf32, #tpu.memory_space<hbm>>) target(%dma_start3A_151 : memref<128x128xf32, #tpu.memory_space<vmem>>) offsets(%dma_start3A_154 : memref<128xi32, #tpu.memory_space<vmem>>) semaphore(%dma_start3A_159 : memref<!tpu.dma_semaphore, #tpu.memory_space<semaphore_mem>>)
    }
    %while3A_26 = arith.constant 1 : i32
    scf.for %while3A_110 = %while3A_24 to %while3A_20 step %while3A_26  : i32 {
      %ge3A = arith.constant 2 : i32
      %ge3A_111 = arith.cmpi sge, %while3A_110, %ge3A : i32
      %convert_element_type3A = arith.extui %ge3A_111 : i1 to i32
      %cond3A = arith.constant 0 : i32
      %cond3A_112 = arith.cmpi ne, %convert_element_type3A, %cond3A : i32
      scf.if %cond3A_112 {
        %sub3A_160 = arith.constant 2 : i32
        %sub3A_161 = arith.subi %while3A_110, %sub3A_160 : i32
        %rem3A_162 = arith.constant 2 : i32
        %rem3A_163 = arith.remsi %sub3A_161, %rem3A_162 : i32
        %mul3A_164 = arith.constant 32 : i32
        %mul3A_165 = arith.muli %mul3A_164, %sub3A_161 : i32
        %add3A_166 = arith.addi %add3A, %mul3A_165 : i32
        %mul3A_167 = arith.constant 128 : i32
        %mul3A_168 = arith.muli %add3A_166, %mul3A_167 : i32
        %dma_wait3A_169 = arith.constant 0 : i32
        %dma_wait3A_170 = arith.constant 0 : i32
        %dma_wait3A_171 = tpu.memref_slice %arg6[%rem3A_163, %dma_wait3A_169, %dma_wait3A_170] : memref<2x128x128xf32, #tpu.memory_space<vmem>> -> memref<1x128x128xf32, #tpu.memory_space<vmem>>
        %dma_wait3A_172 = tpu.memref_squeeze %dma_wait3A_171 : memref<1x128x128xf32, #tpu.memory_space<vmem>> -> memref<128x128xf32, #tpu.memory_space<vmem>>
        %dma_wait3A_173 = arith.constant 0 : i32
        %dma_wait3A_174 = tpu.memref_slice %arg4[%mul3A_168, %dma_wait3A_173] : memref<260096x128xf32, #tpu.memory_space<hbm>> -> memref<128x128xf32, #tpu.memory_space<hbm>>
        %dma_wait3A_175 = tpu.memref_slice %arg9[%rem3A_163] : memref<2x!tpu.dma_semaphore, #tpu.memory_space<semaphore_mem>> -> memref<1x!tpu.dma_semaphore, #tpu.memory_space<semaphore_mem>>
        %dma_wait3A_176 = tpu.memref_squeeze %dma_wait3A_175 : memref<1x!tpu.dma_semaphore, #tpu.memory_space<semaphore_mem>> -> memref<!tpu.dma_semaphore, #tpu.memory_space<semaphore_mem>>
        %dma_wait3A_177 = arith.constant 0 : i32
        %dma_wait3A_178 = tpu.memref_slice %arg4[%mul3A_168, %dma_wait3A_177] : memref<260096x128xf32, #tpu.memory_space<hbm>> -> memref<128x128xf32, #tpu.memory_space<hbm>>
        %dma_wait3A_179 = arith.constant 0 : i32
        %dma_wait3A_180 = arith.constant 0 : i32
        %dma_wait3A_181 = tpu.memref_slice %arg6[%rem3A_163, %dma_wait3A_179, %dma_wait3A_180] : memref<2x128x128xf32, #tpu.memory_space<vmem>> -> memref<1x128x128xf32, #tpu.memory_space<vmem>>
        %dma_wait3A_182 = tpu.memref_squeeze %dma_wait3A_181 : memref<1x128x128xf32, #tpu.memory_space<vmem>> -> memref<128x128xf32, #tpu.memory_space<vmem>>
        tpu.wait_dma2 semaphore(%dma_wait3A_176 : memref<!tpu.dma_semaphore, #tpu.memory_space<semaphore_mem>>) src(%dma_wait3A_182 : memref<128x128xf32, #tpu.memory_space<vmem>>) dst(%dma_wait3A_178 : memref<128x128xf32, #tpu.memory_space<hbm>>)
      } else {
      }
      %ge3A_113 = arith.constant 1 : i32
      %ge3A_114 = arith.cmpi sge, %while3A_110, %ge3A_113 : i32
      %convert_element_type3A_115 = arith.extui %ge3A_114 : i1 to i32
      %cond3A_116 = arith.constant 0 : i32
      %cond3A_117 = arith.cmpi ne, %convert_element_type3A_115, %cond3A_116 : i32
      scf.if %cond3A_117 {
        %sub3A_160 = arith.constant 1 : i32
        %sub3A_161 = arith.subi %while3A_110, %sub3A_160 : i32
        %rem3A_162 = arith.constant 2 : i32
        %rem3A_163 = arith.remsi %sub3A_161, %rem3A_162 : i32
        %dma_wait3A_164 = arith.constant 0 : i32
        %dma_wait3A_165 = arith.constant 0 : i32
        %dma_wait3A_166 = tpu.memref_slice %arg6[%rem3A_163, %dma_wait3A_164, %dma_wait3A_165] : memref<2x128x128xf32, #tpu.memory_space<vmem>> -> memref<1x128x128xf32, #tpu.memory_space<vmem>>
        %dma_wait3A_167 = tpu.memref_squeeze %dma_wait3A_166 : memref<1x128x128xf32, #tpu.memory_space<vmem>> -> memref<128x128xf32, #tpu.memory_space<vmem>>
        %dma_wait3A_168 = arith.constant 0 : i32
        %dma_wait3A_169 = tpu.memref_slice %arg5[%rem3A_163, %dma_wait3A_168] : memref<2x128xi32, #tpu.memory_space<vmem>> -> memref<1x128xi32, #tpu.memory_space<vmem>>
        %dma_wait3A_170 = tpu.memref_squeeze %dma_wait3A_169 : memref<1x128xi32, #tpu.memory_space<vmem>> -> memref<128xi32, #tpu.memory_space<vmem>>
        %dma_wait3A_171 = arith.constant 0 : i32
        %dma_wait3A_172 = arith.constant 0 : i32
        %dma_wait3A_173 = tpu.memref_slice %arg2[%dma_wait3A_171, %dma_wait3A_172] : memref<100000x128xf32, #tpu.memory_space<hbm>> -> memref<100000x128xf32, #tpu.memory_space<hbm>>
        %dma_wait3A_174 = tpu.memref_slice %arg8[%rem3A_163] : memref<2x!tpu.dma_semaphore, #tpu.memory_space<semaphore_mem>> -> memref<1x!tpu.dma_semaphore, #tpu.memory_space<semaphore_mem>>
        %dma_wait3A_175 = tpu.memref_squeeze %dma_wait3A_174 : memref<1x!tpu.dma_semaphore, #tpu.memory_space<semaphore_mem>> -> memref<!tpu.dma_semaphore, #tpu.memory_space<semaphore_mem>>
        tpu.wait_indirect_dma semaphore(%dma_wait3A_175 : memref<!tpu.dma_semaphore, #tpu.memory_space<semaphore_mem>>) src(%dma_wait3A_173 : memref<100000x128xf32, #tpu.memory_space<hbm>>) dst(%dma_wait3A_167 : memref<128x128xf32, #tpu.memory_space<vmem>>)
      } else {
      }
      %add3A_118 = arith.constant 1 : i32
      %add3A_119 = arith.addi %while3A_110, %add3A_118 : i32
      %lt3A_120 = arith.cmpi slt, %add3A_119, %select_n3A : i32
      %convert_element_type3A_121 = arith.extui %lt3A_120 : i1 to i32
      %cond3A_122 = arith.constant 0 : i32
      %cond3A_123 = arith.cmpi ne, %convert_element_type3A_121, %cond3A_122 : i32
      scf.if %cond3A_123 {
        %add3A_160 = arith.constant 1 : i32
        %add3A_161 = arith.addi %while3A_110, %add3A_160 : i32
        %rem3A_162 = arith.constant 2 : i32
        %rem3A_163 = arith.remsi %add3A_161, %rem3A_162 : i32
        %mul3A_164 = arith.constant 32 : i32
        %mul3A_165 = arith.muli %mul3A_164, %add3A_161 : i32
        %add3A_166 = arith.addi %add3A, %mul3A_165 : i32
        %mul3A_167 = arith.constant 128 : i32
        %mul3A_168 = arith.muli %add3A_166, %mul3A_167 : i32
        %dma_start3A_169 = arith.constant 0 : i32
        %dma_start3A_170 = tpu.memref_slice %arg5[%rem3A_163, %dma_start3A_169] : memref<2x128xi32, #tpu.memory_space<vmem>> -> memref<1x128xi32, #tpu.memory_space<vmem>>
        %dma_start3A_171 = tpu.memref_squeeze %dma_start3A_170 : memref<1x128xi32, #tpu.memory_space<vmem>> -> memref<128xi32, #tpu.memory_space<vmem>>
        %dma_start3A_172 = tpu.memref_slice %arg3[%mul3A_168] : memref<260096xi32, #tpu.memory_space<hbm>> -> memref<128xi32, #tpu.memory_space<hbm>>
        %dma_start3A_173 = tpu.memref_slice %arg7[%rem3A_163] : memref<2x!tpu.dma_semaphore, #tpu.memory_space<semaphore_mem>> -> memref<1x!tpu.dma_semaphore, #tpu.memory_space<semaphore_mem>>
        %dma_start3A_174 = tpu.memref_squeeze %dma_start3A_173 : memref<1x!tpu.dma_semaphore, #tpu.memory_space<semaphore_mem>> -> memref<!tpu.dma_semaphore, #tpu.memory_space<semaphore_mem>>
        %dma_start3A_175 = arith.constant 0 : i32
        %dma_start3A_176 = tpu.memref_slice %arg5[%rem3A_163, %dma_start3A_175] : memref<2x128xi32, #tpu.memory_space<vmem>> -> memref<1x128xi32, #tpu.memory_space<vmem>>
        %dma_start3A_177 = tpu.memref_squeeze %dma_start3A_176 : memref<1x128xi32, #tpu.memory_space<vmem>> -> memref<128xi32, #tpu.memory_space<vmem>>
        %dma_start3A_178 = tpu.memref_slice %arg3[%mul3A_168] : memref<260096xi32, #tpu.memory_space<hbm>> -> memref<128xi32, #tpu.memory_space<hbm>>
        tpu.enqueue_dma source(%dma_start3A_178 : memref<128xi32, #tpu.memory_space<hbm>>) target(%dma_start3A_177 : memref<128xi32, #tpu.memory_space<vmem>>) target_semaphore(%dma_start3A_174 : memref<!tpu.dma_semaphore, #tpu.memory_space<semaphore_mem>>)
      } else {
      }
      %ge3A_124 = arith.constant 1 : i32
      %ge3A_125 = arith.cmpi sge, %while3A_110, %ge3A_124 : i32
      %convert_element_type3A_126 = arith.extui %ge3A_125 : i1 to i32
      %cond3A_127 = arith.constant 0 : i32
      %cond3A_128 = arith.cmpi ne, %convert_element_type3A_126, %cond3A_127 : i32
      scf.if %cond3A_128 {
        %sub3A_160 = arith.constant 1 : i32
        %sub3A_161 = arith.subi %while3A_110, %sub3A_160 : i32
        %rem3A_162 = arith.constant 2 : i32
        %rem3A_163 = arith.remsi %sub3A_161, %rem3A_162 : i32
        %mul3A_164 = arith.constant 32 : i32
        %mul3A_165 = arith.muli %mul3A_164, %sub3A_161 : i32
        %add3A_166 = arith.addi %add3A, %mul3A_165 : i32
        %mul3A_167 = arith.constant 128 : i32
        %mul3A_168 = arith.muli %add3A_166, %mul3A_167 : i32
        %dma_start3A_169 = arith.constant 0 : i32
        %dma_start3A_170 = arith.constant 0 : i32
        %dma_start3A_171 = tpu.memref_slice %arg6[%rem3A_163, %dma_start3A_169, %dma_start3A_170] : memref<2x128x128xf32, #tpu.memory_space<vmem>> -> memref<1x128x128xf32, #tpu.memory_space<vmem>>
        %dma_start3A_172 = tpu.memref_squeeze %dma_start3A_171 : memref<1x128x128xf32, #tpu.memory_space<vmem>> -> memref<128x128xf32, #tpu.memory_space<vmem>>
        %dma_start3A_173 = arith.constant 0 : i32
        %dma_start3A_174 = tpu.memref_slice %arg4[%mul3A_168, %dma_start3A_173] : memref<260096x128xf32, #tpu.memory_space<hbm>> -> memref<128x128xf32, #tpu.memory_space<hbm>>
        %dma_start3A_175 = tpu.memref_slice %arg9[%rem3A_163] : memref<2x!tpu.dma_semaphore, #tpu.memory_space<semaphore_mem>> -> memref<1x!tpu.dma_semaphore, #tpu.memory_space<semaphore_mem>>
        %dma_start3A_176 = tpu.memref_squeeze %dma_start3A_175 : memref<1x!tpu.dma_semaphore, #tpu.memory_space<semaphore_mem>> -> memref<!tpu.dma_semaphore, #tpu.memory_space<semaphore_mem>>
        %dma_start3A_177 = arith.constant 0 : i32
        %dma_start3A_178 = tpu.memref_slice %arg4[%mul3A_168, %dma_start3A_177] : memref<260096x128xf32, #tpu.memory_space<hbm>> -> memref<128x128xf32, #tpu.memory_space<hbm>>
        %dma_start3A_179 = arith.constant 0 : i32
        %dma_start3A_180 = arith.constant 0 : i32
        %dma_start3A_181 = tpu.memref_slice %arg6[%rem3A_163, %dma_start3A_179, %dma_start3A_180] : memref<2x128x128xf32, #tpu.memory_space<vmem>> -> memref<1x128x128xf32, #tpu.memory_space<vmem>>
        %dma_start3A_182 = tpu.memref_squeeze %dma_start3A_181 : memref<1x128x128xf32, #tpu.memory_space<vmem>> -> memref<128x128xf32, #tpu.memory_space<vmem>>
        tpu.enqueue_dma source(%dma_start3A_182 : memref<128x128xf32, #tpu.memory_space<vmem>>) target(%dma_start3A_178 : memref<128x128xf32, #tpu.memory_space<hbm>>) target_semaphore(%dma_start3A_176 : memref<!tpu.dma_semaphore, #tpu.memory_space<semaphore_mem>>)
      } else {
      }
      %rem3A_129 = arith.constant 2 : i32
      %rem3A_130 = arith.remsi %while3A_110, %rem3A_129 : i32
      %mul3A_131 = arith.constant 32 : i32
      %mul3A_132 = arith.muli %mul3A_131, %while3A_110 : i32
      %add3A_133 = arith.addi %add3A, %mul3A_132 : i32
      %mul3A_134 = arith.constant 128 : i32
      %mul3A_135 = arith.muli %add3A_133, %mul3A_134 : i32
      %dma_wait3A_136 = arith.constant 0 : i32
      %dma_wait3A_137 = tpu.memref_slice %arg5[%rem3A_130, %dma_wait3A_136] : memref<2x128xi32, #tpu.memory_space<vmem>> -> memref<1x128xi32, #tpu.memory_space<vmem>>
      %dma_wait3A_138 = tpu.memref_squeeze %dma_wait3A_137 : memref<1x128xi32, #tpu.memory_space<vmem>> -> memref<128xi32, #tpu.memory_space<vmem>>
      %dma_wait3A_139 = tpu.memref_slice %arg3[%mul3A_135] : memref<260096xi32, #tpu.memory_space<hbm>> -> memref<128xi32, #tpu.memory_space<hbm>>
      %dma_wait3A_140 = tpu.memref_slice %arg7[%rem3A_130] : memref<2x!tpu.dma_semaphore, #tpu.memory_space<semaphore_mem>> -> memref<1x!tpu.dma_semaphore, #tpu.memory_space<semaphore_mem>>
      %dma_wait3A_141 = tpu.memref_squeeze %dma_wait3A_140 : memref<1x!tpu.dma_semaphore, #tpu.memory_space<semaphore_mem>> -> memref<!tpu.dma_semaphore, #tpu.memory_space<semaphore_mem>>
      %dma_wait3A_142 = arith.constant 0 : i32
      %dma_wait3A_143 = tpu.memref_slice %arg5[%rem3A_130, %dma_wait3A_142] : memref<2x128xi32, #tpu.memory_space<vmem>> -> memref<1x128xi32, #tpu.memory_space<vmem>>
      %dma_wait3A_144 = tpu.memref_squeeze %dma_wait3A_143 : memref<1x128xi32, #tpu.memory_space<vmem>> -> memref<128xi32, #tpu.memory_space<vmem>>
      %dma_wait3A_145 = tpu.memref_slice %arg3[%mul3A_135] : memref<260096xi32, #tpu.memory_space<hbm>> -> memref<128xi32, #tpu.memory_space<hbm>>
      tpu.wait_dma2 semaphore(%dma_wait3A_141 : memref<!tpu.dma_semaphore, #tpu.memory_space<semaphore_mem>>) src(%dma_wait3A_145 : memref<128xi32, #tpu.memory_space<hbm>>) dst(%dma_wait3A_144 : memref<128xi32, #tpu.memory_space<vmem>>)
      %rem3A_146 = arith.constant 2 : i32
      %rem3A_147 = arith.remsi %while3A_110, %rem3A_146 : i32
      %dma_start3A_148 = arith.constant 0 : i32
      %dma_start3A_149 = arith.constant 0 : i32
      %dma_start3A_150 = tpu.memref_slice %arg6[%rem3A_147, %dma_start3A_148, %dma_start3A_149] : memref<2x128x128xf32, #tpu.memory_space<vmem>> -> memref<1x128x128xf32, #tpu.memory_space<vmem>>
      %dma_start3A_151 = tpu.memref_squeeze %dma_start3A_150 : memref<1x128x128xf32, #tpu.memory_space<vmem>> -> memref<128x128xf32, #tpu.memory_space<vmem>>
      %dma_start3A_152 = arith.constant 0 : i32
      %dma_start3A_153 = tpu.memref_slice %arg5[%rem3A_147, %dma_start3A_152] : memref<2x128xi32, #tpu.memory_space<vmem>> -> memref<1x128xi32, #tpu.memory_space<vmem>>
      %dma_start3A_154 = tpu.memref_squeeze %dma_start3A_153 : memref<1x128xi32, #tpu.memory_space<vmem>> -> memref<128xi32, #tpu.memory_space<vmem>>
      %dma_start3A_155 = arith.constant 0 : i32
      %dma_start3A_156 = arith.constant 0 : i32
      %dma_start3A_157 = tpu.memref_slice %arg2[%dma_start3A_155, %dma_start3A_156] : memref<100000x128xf32, #tpu.memory_space<hbm>> -> memref<100000x128xf32, #tpu.memory_space<hbm>>
      %dma_start3A_158 = tpu.memref_slice %arg8[%rem3A_147] : memref<2x!tpu.dma_semaphore, #tpu.memory_space<semaphore_mem>> -> memref<1x!tpu.dma_semaphore, #tpu.memory_space<semaphore_mem>>
      %dma_start3A_159 = tpu.memref_squeeze %dma_start3A_158 : memref<1x!tpu.dma_semaphore, #tpu.memory_space<semaphore_mem>> -> memref<!tpu.dma_semaphore, #tpu.memory_space<semaphore_mem>>
      tpu.enqueue_indirect_dma source(%dma_start3A_157 : memref<100000x128xf32, #tpu.memory_space<hbm>>) target(%dma_start3A_151 : memref<128x128xf32, #tpu.memory_space<vmem>>) offsets(%dma_start3A_154 : memref<128xi32, #tpu.memory_space<vmem>>) semaphore(%dma_start3A_159 : memref<!tpu.dma_semaphore, #tpu.memory_space<semaphore_mem>>)
    }
    %sub3A = arith.constant 1 : i32
    %sub3A_27 = arith.subi %select_n3A, %sub3A : i32
    %rem3A_28 = arith.constant 2 : i32
    %rem3A_29 = arith.remsi %sub3A_27, %rem3A_28 : i32
    %dma_wait3A = arith.constant 0 : i32
    %dma_wait3A_30 = arith.constant 0 : i32
    %dma_wait3A_31 = tpu.memref_slice %arg6[%rem3A_29, %dma_wait3A, %dma_wait3A_30] : memref<2x128x128xf32, #tpu.memory_space<vmem>> -> memref<1x128x128xf32, #tpu.memory_space<vmem>>
    %dma_wait3A_32 = tpu.memref_squeeze %dma_wait3A_31 : memref<1x128x128xf32, #tpu.memory_space<vmem>> -> memref<128x128xf32, #tpu.memory_space<vmem>>
    %dma_wait3A_33 = arith.constant 0 : i32
    %dma_wait3A_34 = tpu.memref_slice %arg5[%rem3A_29, %dma_wait3A_33] : memref<2x128xi32, #tpu.memory_space<vmem>> -> memref<1x128xi32, #tpu.memory_space<vmem>>
    %dma_wait3A_35 = tpu.memref_squeeze %dma_wait3A_34 : memref<1x128xi32, #tpu.memory_space<vmem>> -> memref<128xi32, #tpu.memory_space<vmem>>
    %dma_wait3A_36 = arith.constant 0 : i32
    %dma_wait3A_37 = arith.constant 0 : i32
    %dma_wait3A_38 = tpu.memref_slice %arg2[%dma_wait3A_36, %dma_wait3A_37] : memref<100000x128xf32, #tpu.memory_space<hbm>> -> memref<100000x128xf32, #tpu.memory_space<hbm>>
    %dma_wait3A_39 = tpu.memref_slice %arg8[%rem3A_29] : memref<2x!tpu.dma_semaphore, #tpu.memory_space<semaphore_mem>> -> memref<1x!tpu.dma_semaphore, #tpu.memory_space<semaphore_mem>>
    %dma_wait3A_40 = tpu.memref_squeeze %dma_wait3A_39 : memref<1x!tpu.dma_semaphore, #tpu.memory_space<semaphore_mem>> -> memref<!tpu.dma_semaphore, #tpu.memory_space<semaphore_mem>>
    tpu.wait_indirect_dma semaphore(%dma_wait3A_40 : memref<!tpu.dma_semaphore, #tpu.memory_space<semaphore_mem>>) src(%dma_wait3A_38 : memref<100000x128xf32, #tpu.memory_space<hbm>>) dst(%dma_wait3A_32 : memref<128x128xf32, #tpu.memory_space<vmem>>)
    %sub3A_41 = arith.constant 1 : i32
    %sub3A_42 = arith.subi %select_n3A, %sub3A_41 : i32
    %rem3A_43 = arith.constant 2 : i32
    %rem3A_44 = arith.remsi %sub3A_42, %rem3A_43 : i32
    %mul3A_45 = arith.constant 32 : i32
    %mul3A_46 = arith.muli %mul3A_45, %sub3A_42 : i32
    %add3A_47 = arith.addi %add3A, %mul3A_46 : i32
    %mul3A_48 = arith.constant 128 : i32
    %mul3A_49 = arith.muli %add3A_47, %mul3A_48 : i32
    %dma_start3A_50 = arith.constant 0 : i32
    %dma_start3A_51 = arith.constant 0 : i32
    %dma_start3A_52 = tpu.memref_slice %arg6[%rem3A_44, %dma_start3A_50, %dma_start3A_51] : memref<2x128x128xf32, #tpu.memory_space<vmem>> -> memref<1x128x128xf32, #tpu.memory_space<vmem>>
    %dma_start3A_53 = tpu.memref_squeeze %dma_start3A_52 : memref<1x128x128xf32, #tpu.memory_space<vmem>> -> memref<128x128xf32, #tpu.memory_space<vmem>>
    %dma_start3A_54 = arith.constant 0 : i32
    %dma_start3A_55 = tpu.memref_slice %arg4[%mul3A_49, %dma_start3A_54] : memref<260096x128xf32, #tpu.memory_space<hbm>> -> memref<128x128xf32, #tpu.memory_space<hbm>>
    %dma_start3A_56 = tpu.memref_slice %arg9[%rem3A_44] : memref<2x!tpu.dma_semaphore, #tpu.memory_space<semaphore_mem>> -> memref<1x!tpu.dma_semaphore, #tpu.memory_space<semaphore_mem>>
    %dma_start3A_57 = tpu.memref_squeeze %dma_start3A_56 : memref<1x!tpu.dma_semaphore, #tpu.memory_space<semaphore_mem>> -> memref<!tpu.dma_semaphore, #tpu.memory_space<semaphore_mem>>
    %dma_start3A_58 = arith.constant 0 : i32
    %dma_start3A_59 = tpu.memref_slice %arg4[%mul3A_49, %dma_start3A_58] : memref<260096x128xf32, #tpu.memory_space<hbm>> -> memref<128x128xf32, #tpu.memory_space<hbm>>
    %dma_start3A_60 = arith.constant 0 : i32
    %dma_start3A_61 = arith.constant 0 : i32
    %dma_start3A_62 = tpu.memref_slice %arg6[%rem3A_44, %dma_start3A_60, %dma_start3A_61] : memref<2x128x128xf32, #tpu.memory_space<vmem>> -> memref<1x128x128xf32, #tpu.memory_space<vmem>>
    %dma_start3A_63 = tpu.memref_squeeze %dma_start3A_62 : memref<1x128x128xf32, #tpu.memory_space<vmem>> -> memref<128x128xf32, #tpu.memory_space<vmem>>
    tpu.enqueue_dma source(%dma_start3A_63 : memref<128x128xf32, #tpu.memory_space<vmem>>) target(%dma_start3A_59 : memref<128x128xf32, #tpu.memory_space<hbm>>) target_semaphore(%dma_start3A_57 : memref<!tpu.dma_semaphore, #tpu.memory_space<semaphore_mem>>)
    %sub3A_64 = arith.constant 2 : i32
    %sub3A_65 = arith.subi %select_n3A, %sub3A_64 : i32
    %rem3A_66 = arith.constant 2 : i32
    %rem3A_67 = arith.remsi %sub3A_65, %rem3A_66 : i32
    %mul3A_68 = arith.constant 32 : i32
    %mul3A_69 = arith.muli %mul3A_68, %sub3A_65 : i32
    %add3A_70 = arith.addi %add3A, %mul3A_69 : i32
    %mul3A_71 = arith.constant 128 : i32
    %mul3A_72 = arith.muli %add3A_70, %mul3A_71 : i32
    %dma_wait3A_73 = arith.constant 0 : i32
    %dma_wait3A_74 = arith.constant 0 : i32
    %dma_wait3A_75 = tpu.memref_slice %arg6[%rem3A_67, %dma_wait3A_73, %dma_wait3A_74] : memref<2x128x128xf32, #tpu.memory_space<vmem>> -> memref<1x128x128xf32, #tpu.memory_space<vmem>>
    %dma_wait3A_76 = tpu.memref_squeeze %dma_wait3A_75 : memref<1x128x128xf32, #tpu.memory_space<vmem>> -> memref<128x128xf32, #tpu.memory_space<vmem>>
    %dma_wait3A_77 = arith.constant 0 : i32
    %dma_wait3A_78 = tpu.memref_slice %arg4[%mul3A_72, %dma_wait3A_77] : memref<260096x128xf32, #tpu.memory_space<hbm>> -> memref<128x128xf32, #tpu.memory_space<hbm>>
    %dma_wait3A_79 = tpu.memref_slice %arg9[%rem3A_67] : memref<2x!tpu.dma_semaphore, #tpu.memory_space<semaphore_mem>> -> memref<1x!tpu.dma_semaphore, #tpu.memory_space<semaphore_mem>>
    %dma_wait3A_80 = tpu.memref_squeeze %dma_wait3A_79 : memref<1x!tpu.dma_semaphore, #tpu.memory_space<semaphore_mem>> -> memref<!tpu.dma_semaphore, #tpu.memory_space<semaphore_mem>>
    %dma_wait3A_81 = arith.constant 0 : i32
    %dma_wait3A_82 = tpu.memref_slice %arg4[%mul3A_72, %dma_wait3A_81] : memref<260096x128xf32, #tpu.memory_space<hbm>> -> memref<128x128xf32, #tpu.memory_space<hbm>>
    %dma_wait3A_83 = arith.constant 0 : i32
    %dma_wait3A_84 = arith.constant 0 : i32
    %dma_wait3A_85 = tpu.memref_slice %arg6[%rem3A_67, %dma_wait3A_83, %dma_wait3A_84] : memref<2x128x128xf32, #tpu.memory_space<vmem>> -> memref<1x128x128xf32, #tpu.memory_space<vmem>>
    %dma_wait3A_86 = tpu.memref_squeeze %dma_wait3A_85 : memref<1x128x128xf32, #tpu.memory_space<vmem>> -> memref<128x128xf32, #tpu.memory_space<vmem>>
    tpu.wait_dma2 semaphore(%dma_wait3A_80 : memref<!tpu.dma_semaphore, #tpu.memory_space<semaphore_mem>>) src(%dma_wait3A_86 : memref<128x128xf32, #tpu.memory_space<vmem>>) dst(%dma_wait3A_82 : memref<128x128xf32, #tpu.memory_space<hbm>>)
    %sub3A_87 = arith.constant 1 : i32
    %sub3A_88 = arith.subi %select_n3A, %sub3A_87 : i32
    %rem3A_89 = arith.constant 2 : i32
    %rem3A_90 = arith.remsi %sub3A_88, %rem3A_89 : i32
    %mul3A_91 = arith.constant 32 : i32
    %mul3A_92 = arith.muli %mul3A_91, %sub3A_88 : i32
    %add3A_93 = arith.addi %add3A, %mul3A_92 : i32
    %mul3A_94 = arith.constant 128 : i32
    %mul3A_95 = arith.muli %add3A_93, %mul3A_94 : i32
    %dma_wait3A_96 = arith.constant 0 : i32
    %dma_wait3A_97 = arith.constant 0 : i32
    %dma_wait3A_98 = tpu.memref_slice %arg6[%rem3A_90, %dma_wait3A_96, %dma_wait3A_97] : memref<2x128x128xf32, #tpu.memory_space<vmem>> -> memref<1x128x128xf32, #tpu.memory_space<vmem>>
    %dma_wait3A_99 = tpu.memref_squeeze %dma_wait3A_98 : memref<1x128x128xf32, #tpu.memory_space<vmem>> -> memref<128x128xf32, #tpu.memory_space<vmem>>
    %dma_wait3A_100 = arith.constant 0 : i32
    %dma_wait3A_101 = tpu.memref_slice %arg4[%mul3A_95, %dma_wait3A_100] : memref<260096x128xf32, #tpu.memory_space<hbm>> -> memref<128x128xf32, #tpu.memory_space<hbm>>
    %dma_wait3A_102 = tpu.memref_slice %arg9[%rem3A_90] : memref<2x!tpu.dma_semaphore, #tpu.memory_space<semaphore_mem>> -> memref<1x!tpu.dma_semaphore, #tpu.memory_space<semaphore_mem>>
    %dma_wait3A_103 = tpu.memref_squeeze %dma_wait3A_102 : memref<1x!tpu.dma_semaphore, #tpu.memory_space<semaphore_mem>> -> memref<!tpu.dma_semaphore, #tpu.memory_space<semaphore_mem>>
    %dma_wait3A_104 = arith.constant 0 : i32
    %dma_wait3A_105 = tpu.memref_slice %arg4[%mul3A_95, %dma_wait3A_104] : memref<260096x128xf32, #tpu.memory_space<hbm>> -> memref<128x128xf32, #tpu.memory_space<hbm>>
    %dma_wait3A_106 = arith.constant 0 : i32
    %dma_wait3A_107 = arith.constant 0 : i32
    %dma_wait3A_108 = tpu.memref_slice %arg6[%rem3A_90, %dma_wait3A_106, %dma_wait3A_107] : memref<2x128x128xf32, #tpu.memory_space<vmem>> -> memref<1x128x128xf32, #tpu.memory_space<vmem>>
    %dma_wait3A_109 = tpu.memref_squeeze %dma_wait3A_108 : memref<1x128x128xf32, #tpu.memory_space<vmem>> -> memref<128x128xf32, #tpu.memory_space<vmem>>
    tpu.wait_dma2 semaphore(%dma_wait3A_103 : memref<!tpu.dma_semaphore, #tpu.memory_space<semaphore_mem>>) src(%dma_wait3A_109 : memref<128x128xf32, #tpu.memory_space<vmem>>) dst(%dma_wait3A_105 : memref<128x128xf32, #tpu.memory_space<hbm>>)
    return
  }
}

#map = affine_map<(d0, d1) -> (0, 0)>
#map1 = affine_map<(d0, d1) -> (0)>
module attributes {stable_mosaic.version = 14 : i64} {
  func.func @k(%arg0: i32, %arg1: i32, %arg2: memref<100000x128xf32, #tpu.memory_space<hbm>>, %arg3: memref<280064xi32, #tpu.memory_space<hbm>>, %arg4: memref<280064x128xf32, #tpu.memory_space<hbm>>, %arg5: memref<2x128xi32, #tpu.memory_space<vmem>>, %arg6: memref<2x128x128xf32, #tpu.memory_space<vmem>>, %arg7: memref<2x!tpu.dma_semaphore, #tpu.memory_space<semaphore_mem>>, %arg8: memref<2x!tpu.dma_semaphore, #tpu.memory_space<semaphore_mem>>, %arg9: memref<2x!tpu.dma_semaphore, #tpu.memory_space<semaphore_mem>>) attributes {dimension_semantics = [#tpu.dimension_semantics<core_parallel>, #tpu.dimension_semantics<subcore_parallel>], iteration_bounds = array<i64: 2, 16>, scalar_prefetch = 0 : i64, scratch_operands = 5 : i64, tpu.core_type = #tpu.core_type<sc_vector_subcore>, window_params = [{transform_indices = #map}, {transform_indices = #map1}, {transform_indices = #map}]} {
    %mul3A = arith.constant 2 : i32
    %mul3A_0 = arith.muli %arg1, %mul3A : i32
    %add3A = arith.addi %mul3A_0, %arg0 : i32
    %lt3A = arith.constant 12 : i32
    %lt3A_1 = arith.cmpi slt, %add3A, %lt3A : i32
    %jit3A = arith.constant 69 : i32
    %jit3A_2 = arith.constant 68 : i32
    %select_n3A = arith.select %lt3A_1, %jit3A, %jit3A_2 : i32
    %rem3A = arith.constant 0 : i32
    %rem3A_3 = arith.constant 2 : i32
    %rem3A_4 = arith.remsi %rem3A, %rem3A_3 : i32
    %add3A_5 = arith.constant 0 : i32
    %add3A_6 = arith.addi %add3A, %add3A_5 : i32
    %mul3A_7 = arith.constant 128 : i32
    %mul3A_8 = arith.muli %add3A_6, %mul3A_7 : i32
    %dma_start3A = arith.constant 0 : i32
    %dma_start3A_9 = tpu.memref_slice %arg5[%rem3A_4, %dma_start3A] : memref<2x128xi32, #tpu.memory_space<vmem>> -> memref<1x128xi32, #tpu.memory_space<vmem>>
    %dma_start3A_10 = tpu.memref_squeeze %dma_start3A_9 : memref<1x128xi32, #tpu.memory_space<vmem>> -> memref<128xi32, #tpu.memory_space<vmem>>
    %dma_start3A_11 = tpu.memref_slice %arg3[%mul3A_8] : memref<280064xi32, #tpu.memory_space<hbm>> -> memref<128xi32, #tpu.memory_space<hbm>>
    %dma_start3A_12 = tpu.memref_slice %arg7[%rem3A_4] : memref<2x!tpu.dma_semaphore, #tpu.memory_space<semaphore_mem>> -> memref<1x!tpu.dma_semaphore, #tpu.memory_space<semaphore_mem>>
    %dma_start3A_13 = tpu.memref_squeeze %dma_start3A_12 : memref<1x!tpu.dma_semaphore, #tpu.memory_space<semaphore_mem>> -> memref<!tpu.dma_semaphore, #tpu.memory_space<semaphore_mem>>
    %dma_start3A_14 = arith.constant 0 : i32
    %dma_start3A_15 = tpu.memref_slice %arg5[%rem3A_4, %dma_start3A_14] : memref<2x128xi32, #tpu.memory_space<vmem>> -> memref<1x128xi32, #tpu.memory_space<vmem>>
    %dma_start3A_16 = tpu.memref_squeeze %dma_start3A_15 : memref<1x128xi32, #tpu.memory_space<vmem>> -> memref<128xi32, #tpu.memory_space<vmem>>
    %dma_start3A_17 = tpu.memref_slice %arg3[%mul3A_8] : memref<280064xi32, #tpu.memory_space<hbm>> -> memref<128xi32, #tpu.memory_space<hbm>>
    tpu.enqueue_dma source(%dma_start3A_17 : memref<128xi32, #tpu.memory_space<hbm>>) target(%dma_start3A_16 : memref<128xi32, #tpu.memory_space<vmem>>) target_semaphore(%dma_start3A_13 : memref<!tpu.dma_semaphore, #tpu.memory_space<semaphore_mem>>)
    %while3A = arith.constant 0 : i32
    %while3A_18 = arith.constant 0 : i32
    %while3A_19 = arith.subi %select_n3A, %while3A_18 : i32
    %while3A_20 = arith.addi %while3A_18, %while3A_19 : i32
    %while3A_21 = arith.constant 1 : i32
    %while3A_22 = arith.divsi %while3A_19, %while3A_21 : i32
    %while3A_23 = arith.muli %while3A_22, %while3A_21 : i32
    %while3A_24 = arith.addi %while3A_18, %while3A_23 : i32
    %while3A_25 = arith.constant 1 : i32
    scf.for %while3A_110 = %while3A_18 to %while3A_24 step %while3A_25  : i32 {
      %ge3A = arith.constant 2 : i32
      %ge3A_111 = arith.cmpi sge, %while3A_110, %ge3A : i32
      %convert_element_type3A = arith.extui %ge3A_111 : i1 to i32
      %cond3A = arith.constant 0 : i32
      %cond3A_112 = arith.cmpi ne, %convert_element_type3A, %cond3A : i32
      scf.if %cond3A_112 {
        %sub3A_160 = arith.constant 2 : i32
        %sub3A_161 = arith.subi %while3A_110, %sub3A_160 : i32
        %rem3A_162 = arith.constant 2 : i32
        %rem3A_163 = arith.remsi %sub3A_161, %rem3A_162 : i32
        %mul3A_164 = arith.constant 32 : i32
        %mul3A_165 = arith.muli %mul3A_164, %sub3A_161 : i32
        %add3A_166 = arith.addi %add3A, %mul3A_165 : i32
        %mul3A_167 = arith.constant 128 : i32
        %mul3A_168 = arith.muli %add3A_166, %mul3A_167 : i32
        %dma_wait3A_169 = arith.constant 0 : i32
        %dma_wait3A_170 = arith.constant 0 : i32
        %dma_wait3A_171 = tpu.memref_slice %arg6[%rem3A_163, %dma_wait3A_169, %dma_wait3A_170] : memref<2x128x128xf32, #tpu.memory_space<vmem>> -> memref<1x128x128xf32, #tpu.memory_space<vmem>>
        %dma_wait3A_172 = tpu.memref_squeeze %dma_wait3A_171 : memref<1x128x128xf32, #tpu.memory_space<vmem>> -> memref<128x128xf32, #tpu.memory_space<vmem>>
        %dma_wait3A_173 = arith.constant 0 : i32
        %dma_wait3A_174 = tpu.memref_slice %arg4[%mul3A_168, %dma_wait3A_173] : memref<280064x128xf32, #tpu.memory_space<hbm>> -> memref<128x128xf32, #tpu.memory_space<hbm>>
        %dma_wait3A_175 = tpu.memref_slice %arg9[%rem3A_163] : memref<2x!tpu.dma_semaphore, #tpu.memory_space<semaphore_mem>> -> memref<1x!tpu.dma_semaphore, #tpu.memory_space<semaphore_mem>>
        %dma_wait3A_176 = tpu.memref_squeeze %dma_wait3A_175 : memref<1x!tpu.dma_semaphore, #tpu.memory_space<semaphore_mem>> -> memref<!tpu.dma_semaphore, #tpu.memory_space<semaphore_mem>>
        %dma_wait3A_177 = arith.constant 0 : i32
        %dma_wait3A_178 = tpu.memref_slice %arg4[%mul3A_168, %dma_wait3A_177] : memref<280064x128xf32, #tpu.memory_space<hbm>> -> memref<128x128xf32, #tpu.memory_space<hbm>>
        %dma_wait3A_179 = arith.constant 0 : i32
        %dma_wait3A_180 = arith.constant 0 : i32
        %dma_wait3A_181 = tpu.memref_slice %arg6[%rem3A_163, %dma_wait3A_179, %dma_wait3A_180] : memref<2x128x128xf32, #tpu.memory_space<vmem>> -> memref<1x128x128xf32, #tpu.memory_space<vmem>>
        %dma_wait3A_182 = tpu.memref_squeeze %dma_wait3A_181 : memref<1x128x128xf32, #tpu.memory_space<vmem>> -> memref<128x128xf32, #tpu.memory_space<vmem>>
        tpu.wait_dma2 semaphore(%dma_wait3A_176 : memref<!tpu.dma_semaphore, #tpu.memory_space<semaphore_mem>>) src(%dma_wait3A_182 : memref<128x128xf32, #tpu.memory_space<vmem>>) dst(%dma_wait3A_178 : memref<128x128xf32, #tpu.memory_space<hbm>>)
      } else {
      }
      %ge3A_113 = arith.constant 1 : i32
      %ge3A_114 = arith.cmpi sge, %while3A_110, %ge3A_113 : i32
      %convert_element_type3A_115 = arith.extui %ge3A_114 : i1 to i32
      %cond3A_116 = arith.constant 0 : i32
      %cond3A_117 = arith.cmpi ne, %convert_element_type3A_115, %cond3A_116 : i32
      scf.if %cond3A_117 {
        %sub3A_160 = arith.constant 1 : i32
        %sub3A_161 = arith.subi %while3A_110, %sub3A_160 : i32
        %rem3A_162 = arith.constant 2 : i32
        %rem3A_163 = arith.remsi %sub3A_161, %rem3A_162 : i32
        %dma_wait3A_164 = arith.constant 0 : i32
        %dma_wait3A_165 = arith.constant 0 : i32
        %dma_wait3A_166 = tpu.memref_slice %arg6[%rem3A_163, %dma_wait3A_164, %dma_wait3A_165] : memref<2x128x128xf32, #tpu.memory_space<vmem>> -> memref<1x128x128xf32, #tpu.memory_space<vmem>>
        %dma_wait3A_167 = tpu.memref_squeeze %dma_wait3A_166 : memref<1x128x128xf32, #tpu.memory_space<vmem>> -> memref<128x128xf32, #tpu.memory_space<vmem>>
        %dma_wait3A_168 = arith.constant 0 : i32
        %dma_wait3A_169 = tpu.memref_slice %arg5[%rem3A_163, %dma_wait3A_168] : memref<2x128xi32, #tpu.memory_space<vmem>> -> memref<1x128xi32, #tpu.memory_space<vmem>>
        %dma_wait3A_170 = tpu.memref_squeeze %dma_wait3A_169 : memref<1x128xi32, #tpu.memory_space<vmem>> -> memref<128xi32, #tpu.memory_space<vmem>>
        %dma_wait3A_171 = arith.constant 0 : i32
        %dma_wait3A_172 = arith.constant 0 : i32
        %dma_wait3A_173 = tpu.memref_slice %arg2[%dma_wait3A_171, %dma_wait3A_172] : memref<100000x128xf32, #tpu.memory_space<hbm>> -> memref<100000x128xf32, #tpu.memory_space<hbm>>
        %dma_wait3A_174 = tpu.memref_slice %arg8[%rem3A_163] : memref<2x!tpu.dma_semaphore, #tpu.memory_space<semaphore_mem>> -> memref<1x!tpu.dma_semaphore, #tpu.memory_space<semaphore_mem>>
        %dma_wait3A_175 = tpu.memref_squeeze %dma_wait3A_174 : memref<1x!tpu.dma_semaphore, #tpu.memory_space<semaphore_mem>> -> memref<!tpu.dma_semaphore, #tpu.memory_space<semaphore_mem>>
        tpu.wait_indirect_dma semaphore(%dma_wait3A_175 : memref<!tpu.dma_semaphore, #tpu.memory_space<semaphore_mem>>) src(%dma_wait3A_173 : memref<100000x128xf32, #tpu.memory_space<hbm>>) dst(%dma_wait3A_167 : memref<128x128xf32, #tpu.memory_space<vmem>>)
      } else {
      }
      %add3A_118 = arith.constant 1 : i32
      %add3A_119 = arith.addi %while3A_110, %add3A_118 : i32
      %lt3A_120 = arith.cmpi slt, %add3A_119, %select_n3A : i32
      %convert_element_type3A_121 = arith.extui %lt3A_120 : i1 to i32
      %cond3A_122 = arith.constant 0 : i32
      %cond3A_123 = arith.cmpi ne, %convert_element_type3A_121, %cond3A_122 : i32
      scf.if %cond3A_123 {
        %add3A_160 = arith.constant 1 : i32
        %add3A_161 = arith.addi %while3A_110, %add3A_160 : i32
        %rem3A_162 = arith.constant 2 : i32
        %rem3A_163 = arith.remsi %add3A_161, %rem3A_162 : i32
        %mul3A_164 = arith.constant 32 : i32
        %mul3A_165 = arith.muli %mul3A_164, %add3A_161 : i32
        %add3A_166 = arith.addi %add3A, %mul3A_165 : i32
        %mul3A_167 = arith.constant 128 : i32
        %mul3A_168 = arith.muli %add3A_166, %mul3A_167 : i32
        %dma_start3A_169 = arith.constant 0 : i32
        %dma_start3A_170 = tpu.memref_slice %arg5[%rem3A_163, %dma_start3A_169] : memref<2x128xi32, #tpu.memory_space<vmem>> -> memref<1x128xi32, #tpu.memory_space<vmem>>
        %dma_start3A_171 = tpu.memref_squeeze %dma_start3A_170 : memref<1x128xi32, #tpu.memory_space<vmem>> -> memref<128xi32, #tpu.memory_space<vmem>>
        %dma_start3A_172 = tpu.memref_slice %arg3[%mul3A_168] : memref<280064xi32, #tpu.memory_space<hbm>> -> memref<128xi32, #tpu.memory_space<hbm>>
        %dma_start3A_173 = tpu.memref_slice %arg7[%rem3A_163] : memref<2x!tpu.dma_semaphore, #tpu.memory_space<semaphore_mem>> -> memref<1x!tpu.dma_semaphore, #tpu.memory_space<semaphore_mem>>
        %dma_start3A_174 = tpu.memref_squeeze %dma_start3A_173 : memref<1x!tpu.dma_semaphore, #tpu.memory_space<semaphore_mem>> -> memref<!tpu.dma_semaphore, #tpu.memory_space<semaphore_mem>>
        %dma_start3A_175 = arith.constant 0 : i32
        %dma_start3A_176 = tpu.memref_slice %arg5[%rem3A_163, %dma_start3A_175] : memref<2x128xi32, #tpu.memory_space<vmem>> -> memref<1x128xi32, #tpu.memory_space<vmem>>
        %dma_start3A_177 = tpu.memref_squeeze %dma_start3A_176 : memref<1x128xi32, #tpu.memory_space<vmem>> -> memref<128xi32, #tpu.memory_space<vmem>>
        %dma_start3A_178 = tpu.memref_slice %arg3[%mul3A_168] : memref<280064xi32, #tpu.memory_space<hbm>> -> memref<128xi32, #tpu.memory_space<hbm>>
        tpu.enqueue_dma source(%dma_start3A_178 : memref<128xi32, #tpu.memory_space<hbm>>) target(%dma_start3A_177 : memref<128xi32, #tpu.memory_space<vmem>>) target_semaphore(%dma_start3A_174 : memref<!tpu.dma_semaphore, #tpu.memory_space<semaphore_mem>>)
      } else {
      }
      %ge3A_124 = arith.constant 1 : i32
      %ge3A_125 = arith.cmpi sge, %while3A_110, %ge3A_124 : i32
      %convert_element_type3A_126 = arith.extui %ge3A_125 : i1 to i32
      %cond3A_127 = arith.constant 0 : i32
      %cond3A_128 = arith.cmpi ne, %convert_element_type3A_126, %cond3A_127 : i32
      scf.if %cond3A_128 {
        %sub3A_160 = arith.constant 1 : i32
        %sub3A_161 = arith.subi %while3A_110, %sub3A_160 : i32
        %rem3A_162 = arith.constant 2 : i32
        %rem3A_163 = arith.remsi %sub3A_161, %rem3A_162 : i32
        %mul3A_164 = arith.constant 32 : i32
        %mul3A_165 = arith.muli %mul3A_164, %sub3A_161 : i32
        %add3A_166 = arith.addi %add3A, %mul3A_165 : i32
        %mul3A_167 = arith.constant 128 : i32
        %mul3A_168 = arith.muli %add3A_166, %mul3A_167 : i32
        %dma_start3A_169 = arith.constant 0 : i32
        %dma_start3A_170 = arith.constant 0 : i32
        %dma_start3A_171 = tpu.memref_slice %arg6[%rem3A_163, %dma_start3A_169, %dma_start3A_170] : memref<2x128x128xf32, #tpu.memory_space<vmem>> -> memref<1x128x128xf32, #tpu.memory_space<vmem>>
        %dma_start3A_172 = tpu.memref_squeeze %dma_start3A_171 : memref<1x128x128xf32, #tpu.memory_space<vmem>> -> memref<128x128xf32, #tpu.memory_space<vmem>>
        %dma_start3A_173 = arith.constant 0 : i32
        %dma_start3A_174 = tpu.memref_slice %arg4[%mul3A_168, %dma_start3A_173] : memref<280064x128xf32, #tpu.memory_space<hbm>> -> memref<128x128xf32, #tpu.memory_space<hbm>>
        %dma_start3A_175 = tpu.memref_slice %arg9[%rem3A_163] : memref<2x!tpu.dma_semaphore, #tpu.memory_space<semaphore_mem>> -> memref<1x!tpu.dma_semaphore, #tpu.memory_space<semaphore_mem>>
        %dma_start3A_176 = tpu.memref_squeeze %dma_start3A_175 : memref<1x!tpu.dma_semaphore, #tpu.memory_space<semaphore_mem>> -> memref<!tpu.dma_semaphore, #tpu.memory_space<semaphore_mem>>
        %dma_start3A_177 = arith.constant 0 : i32
        %dma_start3A_178 = tpu.memref_slice %arg4[%mul3A_168, %dma_start3A_177] : memref<280064x128xf32, #tpu.memory_space<hbm>> -> memref<128x128xf32, #tpu.memory_space<hbm>>
        %dma_start3A_179 = arith.constant 0 : i32
        %dma_start3A_180 = arith.constant 0 : i32
        %dma_start3A_181 = tpu.memref_slice %arg6[%rem3A_163, %dma_start3A_179, %dma_start3A_180] : memref<2x128x128xf32, #tpu.memory_space<vmem>> -> memref<1x128x128xf32, #tpu.memory_space<vmem>>
        %dma_start3A_182 = tpu.memref_squeeze %dma_start3A_181 : memref<1x128x128xf32, #tpu.memory_space<vmem>> -> memref<128x128xf32, #tpu.memory_space<vmem>>
        tpu.enqueue_dma source(%dma_start3A_182 : memref<128x128xf32, #tpu.memory_space<vmem>>) target(%dma_start3A_178 : memref<128x128xf32, #tpu.memory_space<hbm>>) target_semaphore(%dma_start3A_176 : memref<!tpu.dma_semaphore, #tpu.memory_space<semaphore_mem>>)
      } else {
      }
      %rem3A_129 = arith.constant 2 : i32
      %rem3A_130 = arith.remsi %while3A_110, %rem3A_129 : i32
      %mul3A_131 = arith.constant 32 : i32
      %mul3A_132 = arith.muli %mul3A_131, %while3A_110 : i32
      %add3A_133 = arith.addi %add3A, %mul3A_132 : i32
      %mul3A_134 = arith.constant 128 : i32
      %mul3A_135 = arith.muli %add3A_133, %mul3A_134 : i32
      %dma_wait3A_136 = arith.constant 0 : i32
      %dma_wait3A_137 = tpu.memref_slice %arg5[%rem3A_130, %dma_wait3A_136] : memref<2x128xi32, #tpu.memory_space<vmem>> -> memref<1x128xi32, #tpu.memory_space<vmem>>
      %dma_wait3A_138 = tpu.memref_squeeze %dma_wait3A_137 : memref<1x128xi32, #tpu.memory_space<vmem>> -> memref<128xi32, #tpu.memory_space<vmem>>
      %dma_wait3A_139 = tpu.memref_slice %arg3[%mul3A_135] : memref<280064xi32, #tpu.memory_space<hbm>> -> memref<128xi32, #tpu.memory_space<hbm>>
      %dma_wait3A_140 = tpu.memref_slice %arg7[%rem3A_130] : memref<2x!tpu.dma_semaphore, #tpu.memory_space<semaphore_mem>> -> memref<1x!tpu.dma_semaphore, #tpu.memory_space<semaphore_mem>>
      %dma_wait3A_141 = tpu.memref_squeeze %dma_wait3A_140 : memref<1x!tpu.dma_semaphore, #tpu.memory_space<semaphore_mem>> -> memref<!tpu.dma_semaphore, #tpu.memory_space<semaphore_mem>>
      %dma_wait3A_142 = arith.constant 0 : i32
      %dma_wait3A_143 = tpu.memref_slice %arg5[%rem3A_130, %dma_wait3A_142] : memref<2x128xi32, #tpu.memory_space<vmem>> -> memref<1x128xi32, #tpu.memory_space<vmem>>
      %dma_wait3A_144 = tpu.memref_squeeze %dma_wait3A_143 : memref<1x128xi32, #tpu.memory_space<vmem>> -> memref<128xi32, #tpu.memory_space<vmem>>
      %dma_wait3A_145 = tpu.memref_slice %arg3[%mul3A_135] : memref<280064xi32, #tpu.memory_space<hbm>> -> memref<128xi32, #tpu.memory_space<hbm>>
      tpu.wait_dma2 semaphore(%dma_wait3A_141 : memref<!tpu.dma_semaphore, #tpu.memory_space<semaphore_mem>>) src(%dma_wait3A_145 : memref<128xi32, #tpu.memory_space<hbm>>) dst(%dma_wait3A_144 : memref<128xi32, #tpu.memory_space<vmem>>)
      %rem3A_146 = arith.constant 2 : i32
      %rem3A_147 = arith.remsi %while3A_110, %rem3A_146 : i32
      %dma_start3A_148 = arith.constant 0 : i32
      %dma_start3A_149 = arith.constant 0 : i32
      %dma_start3A_150 = tpu.memref_slice %arg6[%rem3A_147, %dma_start3A_148, %dma_start3A_149] : memref<2x128x128xf32, #tpu.memory_space<vmem>> -> memref<1x128x128xf32, #tpu.memory_space<vmem>>
      %dma_start3A_151 = tpu.memref_squeeze %dma_start3A_150 : memref<1x128x128xf32, #tpu.memory_space<vmem>> -> memref<128x128xf32, #tpu.memory_space<vmem>>
      %dma_start3A_152 = arith.constant 0 : i32
      %dma_start3A_153 = tpu.memref_slice %arg5[%rem3A_147, %dma_start3A_152] : memref<2x128xi32, #tpu.memory_space<vmem>> -> memref<1x128xi32, #tpu.memory_space<vmem>>
      %dma_start3A_154 = tpu.memref_squeeze %dma_start3A_153 : memref<1x128xi32, #tpu.memory_space<vmem>> -> memref<128xi32, #tpu.memory_space<vmem>>
      %dma_start3A_155 = arith.constant 0 : i32
      %dma_start3A_156 = arith.constant 0 : i32
      %dma_start3A_157 = tpu.memref_slice %arg2[%dma_start3A_155, %dma_start3A_156] : memref<100000x128xf32, #tpu.memory_space<hbm>> -> memref<100000x128xf32, #tpu.memory_space<hbm>>
      %dma_start3A_158 = tpu.memref_slice %arg8[%rem3A_147] : memref<2x!tpu.dma_semaphore, #tpu.memory_space<semaphore_mem>> -> memref<1x!tpu.dma_semaphore, #tpu.memory_space<semaphore_mem>>
      %dma_start3A_159 = tpu.memref_squeeze %dma_start3A_158 : memref<1x!tpu.dma_semaphore, #tpu.memory_space<semaphore_mem>> -> memref<!tpu.dma_semaphore, #tpu.memory_space<semaphore_mem>>
      tpu.enqueue_indirect_dma source(%dma_start3A_157 : memref<100000x128xf32, #tpu.memory_space<hbm>>) target(%dma_start3A_151 : memref<128x128xf32, #tpu.memory_space<vmem>>) offsets(%dma_start3A_154 : memref<128xi32, #tpu.memory_space<vmem>>) semaphore(%dma_start3A_159 : memref<!tpu.dma_semaphore, #tpu.memory_space<semaphore_mem>>)
    }
    %while3A_26 = arith.constant 1 : i32
    scf.for %while3A_110 = %while3A_24 to %while3A_20 step %while3A_26  : i32 {
      %ge3A = arith.constant 2 : i32
      %ge3A_111 = arith.cmpi sge, %while3A_110, %ge3A : i32
      %convert_element_type3A = arith.extui %ge3A_111 : i1 to i32
      %cond3A = arith.constant 0 : i32
      %cond3A_112 = arith.cmpi ne, %convert_element_type3A, %cond3A : i32
      scf.if %cond3A_112 {
        %sub3A_160 = arith.constant 2 : i32
        %sub3A_161 = arith.subi %while3A_110, %sub3A_160 : i32
        %rem3A_162 = arith.constant 2 : i32
        %rem3A_163 = arith.remsi %sub3A_161, %rem3A_162 : i32
        %mul3A_164 = arith.constant 32 : i32
        %mul3A_165 = arith.muli %mul3A_164, %sub3A_161 : i32
        %add3A_166 = arith.addi %add3A, %mul3A_165 : i32
        %mul3A_167 = arith.constant 128 : i32
        %mul3A_168 = arith.muli %add3A_166, %mul3A_167 : i32
        %dma_wait3A_169 = arith.constant 0 : i32
        %dma_wait3A_170 = arith.constant 0 : i32
        %dma_wait3A_171 = tpu.memref_slice %arg6[%rem3A_163, %dma_wait3A_169, %dma_wait3A_170] : memref<2x128x128xf32, #tpu.memory_space<vmem>> -> memref<1x128x128xf32, #tpu.memory_space<vmem>>
        %dma_wait3A_172 = tpu.memref_squeeze %dma_wait3A_171 : memref<1x128x128xf32, #tpu.memory_space<vmem>> -> memref<128x128xf32, #tpu.memory_space<vmem>>
        %dma_wait3A_173 = arith.constant 0 : i32
        %dma_wait3A_174 = tpu.memref_slice %arg4[%mul3A_168, %dma_wait3A_173] : memref<280064x128xf32, #tpu.memory_space<hbm>> -> memref<128x128xf32, #tpu.memory_space<hbm>>
        %dma_wait3A_175 = tpu.memref_slice %arg9[%rem3A_163] : memref<2x!tpu.dma_semaphore, #tpu.memory_space<semaphore_mem>> -> memref<1x!tpu.dma_semaphore, #tpu.memory_space<semaphore_mem>>
        %dma_wait3A_176 = tpu.memref_squeeze %dma_wait3A_175 : memref<1x!tpu.dma_semaphore, #tpu.memory_space<semaphore_mem>> -> memref<!tpu.dma_semaphore, #tpu.memory_space<semaphore_mem>>
        %dma_wait3A_177 = arith.constant 0 : i32
        %dma_wait3A_178 = tpu.memref_slice %arg4[%mul3A_168, %dma_wait3A_177] : memref<280064x128xf32, #tpu.memory_space<hbm>> -> memref<128x128xf32, #tpu.memory_space<hbm>>
        %dma_wait3A_179 = arith.constant 0 : i32
        %dma_wait3A_180 = arith.constant 0 : i32
        %dma_wait3A_181 = tpu.memref_slice %arg6[%rem3A_163, %dma_wait3A_179, %dma_wait3A_180] : memref<2x128x128xf32, #tpu.memory_space<vmem>> -> memref<1x128x128xf32, #tpu.memory_space<vmem>>
        %dma_wait3A_182 = tpu.memref_squeeze %dma_wait3A_181 : memref<1x128x128xf32, #tpu.memory_space<vmem>> -> memref<128x128xf32, #tpu.memory_space<vmem>>
        tpu.wait_dma2 semaphore(%dma_wait3A_176 : memref<!tpu.dma_semaphore, #tpu.memory_space<semaphore_mem>>) src(%dma_wait3A_182 : memref<128x128xf32, #tpu.memory_space<vmem>>) dst(%dma_wait3A_178 : memref<128x128xf32, #tpu.memory_space<hbm>>)
      } else {
      }
      %ge3A_113 = arith.constant 1 : i32
      %ge3A_114 = arith.cmpi sge, %while3A_110, %ge3A_113 : i32
      %convert_element_type3A_115 = arith.extui %ge3A_114 : i1 to i32
      %cond3A_116 = arith.constant 0 : i32
      %cond3A_117 = arith.cmpi ne, %convert_element_type3A_115, %cond3A_116 : i32
      scf.if %cond3A_117 {
        %sub3A_160 = arith.constant 1 : i32
        %sub3A_161 = arith.subi %while3A_110, %sub3A_160 : i32
        %rem3A_162 = arith.constant 2 : i32
        %rem3A_163 = arith.remsi %sub3A_161, %rem3A_162 : i32
        %dma_wait3A_164 = arith.constant 0 : i32
        %dma_wait3A_165 = arith.constant 0 : i32
        %dma_wait3A_166 = tpu.memref_slice %arg6[%rem3A_163, %dma_wait3A_164, %dma_wait3A_165] : memref<2x128x128xf32, #tpu.memory_space<vmem>> -> memref<1x128x128xf32, #tpu.memory_space<vmem>>
        %dma_wait3A_167 = tpu.memref_squeeze %dma_wait3A_166 : memref<1x128x128xf32, #tpu.memory_space<vmem>> -> memref<128x128xf32, #tpu.memory_space<vmem>>
        %dma_wait3A_168 = arith.constant 0 : i32
        %dma_wait3A_169 = tpu.memref_slice %arg5[%rem3A_163, %dma_wait3A_168] : memref<2x128xi32, #tpu.memory_space<vmem>> -> memref<1x128xi32, #tpu.memory_space<vmem>>
        %dma_wait3A_170 = tpu.memref_squeeze %dma_wait3A_169 : memref<1x128xi32, #tpu.memory_space<vmem>> -> memref<128xi32, #tpu.memory_space<vmem>>
        %dma_wait3A_171 = arith.constant 0 : i32
        %dma_wait3A_172 = arith.constant 0 : i32
        %dma_wait3A_173 = tpu.memref_slice %arg2[%dma_wait3A_171, %dma_wait3A_172] : memref<100000x128xf32, #tpu.memory_space<hbm>> -> memref<100000x128xf32, #tpu.memory_space<hbm>>
        %dma_wait3A_174 = tpu.memref_slice %arg8[%rem3A_163] : memref<2x!tpu.dma_semaphore, #tpu.memory_space<semaphore_mem>> -> memref<1x!tpu.dma_semaphore, #tpu.memory_space<semaphore_mem>>
        %dma_wait3A_175 = tpu.memref_squeeze %dma_wait3A_174 : memref<1x!tpu.dma_semaphore, #tpu.memory_space<semaphore_mem>> -> memref<!tpu.dma_semaphore, #tpu.memory_space<semaphore_mem>>
        tpu.wait_indirect_dma semaphore(%dma_wait3A_175 : memref<!tpu.dma_semaphore, #tpu.memory_space<semaphore_mem>>) src(%dma_wait3A_173 : memref<100000x128xf32, #tpu.memory_space<hbm>>) dst(%dma_wait3A_167 : memref<128x128xf32, #tpu.memory_space<vmem>>)
      } else {
      }
      %add3A_118 = arith.constant 1 : i32
      %add3A_119 = arith.addi %while3A_110, %add3A_118 : i32
      %lt3A_120 = arith.cmpi slt, %add3A_119, %select_n3A : i32
      %convert_element_type3A_121 = arith.extui %lt3A_120 : i1 to i32
      %cond3A_122 = arith.constant 0 : i32
      %cond3A_123 = arith.cmpi ne, %convert_element_type3A_121, %cond3A_122 : i32
      scf.if %cond3A_123 {
        %add3A_160 = arith.constant 1 : i32
        %add3A_161 = arith.addi %while3A_110, %add3A_160 : i32
        %rem3A_162 = arith.constant 2 : i32
        %rem3A_163 = arith.remsi %add3A_161, %rem3A_162 : i32
        %mul3A_164 = arith.constant 32 : i32
        %mul3A_165 = arith.muli %mul3A_164, %add3A_161 : i32
        %add3A_166 = arith.addi %add3A, %mul3A_165 : i32
        %mul3A_167 = arith.constant 128 : i32
        %mul3A_168 = arith.muli %add3A_166, %mul3A_167 : i32
        %dma_start3A_169 = arith.constant 0 : i32
        %dma_start3A_170 = tpu.memref_slice %arg5[%rem3A_163, %dma_start3A_169] : memref<2x128xi32, #tpu.memory_space<vmem>> -> memref<1x128xi32, #tpu.memory_space<vmem>>
        %dma_start3A_171 = tpu.memref_squeeze %dma_start3A_170 : memref<1x128xi32, #tpu.memory_space<vmem>> -> memref<128xi32, #tpu.memory_space<vmem>>
        %dma_start3A_172 = tpu.memref_slice %arg3[%mul3A_168] : memref<280064xi32, #tpu.memory_space<hbm>> -> memref<128xi32, #tpu.memory_space<hbm>>
        %dma_start3A_173 = tpu.memref_slice %arg7[%rem3A_163] : memref<2x!tpu.dma_semaphore, #tpu.memory_space<semaphore_mem>> -> memref<1x!tpu.dma_semaphore, #tpu.memory_space<semaphore_mem>>
        %dma_start3A_174 = tpu.memref_squeeze %dma_start3A_173 : memref<1x!tpu.dma_semaphore, #tpu.memory_space<semaphore_mem>> -> memref<!tpu.dma_semaphore, #tpu.memory_space<semaphore_mem>>
        %dma_start3A_175 = arith.constant 0 : i32
        %dma_start3A_176 = tpu.memref_slice %arg5[%rem3A_163, %dma_start3A_175] : memref<2x128xi32, #tpu.memory_space<vmem>> -> memref<1x128xi32, #tpu.memory_space<vmem>>
        %dma_start3A_177 = tpu.memref_squeeze %dma_start3A_176 : memref<1x128xi32, #tpu.memory_space<vmem>> -> memref<128xi32, #tpu.memory_space<vmem>>
        %dma_start3A_178 = tpu.memref_slice %arg3[%mul3A_168] : memref<280064xi32, #tpu.memory_space<hbm>> -> memref<128xi32, #tpu.memory_space<hbm>>
        tpu.enqueue_dma source(%dma_start3A_178 : memref<128xi32, #tpu.memory_space<hbm>>) target(%dma_start3A_177 : memref<128xi32, #tpu.memory_space<vmem>>) target_semaphore(%dma_start3A_174 : memref<!tpu.dma_semaphore, #tpu.memory_space<semaphore_mem>>)
      } else {
      }
      %ge3A_124 = arith.constant 1 : i32
      %ge3A_125 = arith.cmpi sge, %while3A_110, %ge3A_124 : i32
      %convert_element_type3A_126 = arith.extui %ge3A_125 : i1 to i32
      %cond3A_127 = arith.constant 0 : i32
      %cond3A_128 = arith.cmpi ne, %convert_element_type3A_126, %cond3A_127 : i32
      scf.if %cond3A_128 {
        %sub3A_160 = arith.constant 1 : i32
        %sub3A_161 = arith.subi %while3A_110, %sub3A_160 : i32
        %rem3A_162 = arith.constant 2 : i32
        %rem3A_163 = arith.remsi %sub3A_161, %rem3A_162 : i32
        %mul3A_164 = arith.constant 32 : i32
        %mul3A_165 = arith.muli %mul3A_164, %sub3A_161 : i32
        %add3A_166 = arith.addi %add3A, %mul3A_165 : i32
        %mul3A_167 = arith.constant 128 : i32
        %mul3A_168 = arith.muli %add3A_166, %mul3A_167 : i32
        %dma_start3A_169 = arith.constant 0 : i32
        %dma_start3A_170 = arith.constant 0 : i32
        %dma_start3A_171 = tpu.memref_slice %arg6[%rem3A_163, %dma_start3A_169, %dma_start3A_170] : memref<2x128x128xf32, #tpu.memory_space<vmem>> -> memref<1x128x128xf32, #tpu.memory_space<vmem>>
        %dma_start3A_172 = tpu.memref_squeeze %dma_start3A_171 : memref<1x128x128xf32, #tpu.memory_space<vmem>> -> memref<128x128xf32, #tpu.memory_space<vmem>>
        %dma_start3A_173 = arith.constant 0 : i32
        %dma_start3A_174 = tpu.memref_slice %arg4[%mul3A_168, %dma_start3A_173] : memref<280064x128xf32, #tpu.memory_space<hbm>> -> memref<128x128xf32, #tpu.memory_space<hbm>>
        %dma_start3A_175 = tpu.memref_slice %arg9[%rem3A_163] : memref<2x!tpu.dma_semaphore, #tpu.memory_space<semaphore_mem>> -> memref<1x!tpu.dma_semaphore, #tpu.memory_space<semaphore_mem>>
        %dma_start3A_176 = tpu.memref_squeeze %dma_start3A_175 : memref<1x!tpu.dma_semaphore, #tpu.memory_space<semaphore_mem>> -> memref<!tpu.dma_semaphore, #tpu.memory_space<semaphore_mem>>
        %dma_start3A_177 = arith.constant 0 : i32
        %dma_start3A_178 = tpu.memref_slice %arg4[%mul3A_168, %dma_start3A_177] : memref<280064x128xf32, #tpu.memory_space<hbm>> -> memref<128x128xf32, #tpu.memory_space<hbm>>
        %dma_start3A_179 = arith.constant 0 : i32
        %dma_start3A_180 = arith.constant 0 : i32
        %dma_start3A_181 = tpu.memref_slice %arg6[%rem3A_163, %dma_start3A_179, %dma_start3A_180] : memref<2x128x128xf32, #tpu.memory_space<vmem>> -> memref<1x128x128xf32, #tpu.memory_space<vmem>>
        %dma_start3A_182 = tpu.memref_squeeze %dma_start3A_181 : memref<1x128x128xf32, #tpu.memory_space<vmem>> -> memref<128x128xf32, #tpu.memory_space<vmem>>
        tpu.enqueue_dma source(%dma_start3A_182 : memref<128x128xf32, #tpu.memory_space<vmem>>) target(%dma_start3A_178 : memref<128x128xf32, #tpu.memory_space<hbm>>) target_semaphore(%dma_start3A_176 : memref<!tpu.dma_semaphore, #tpu.memory_space<semaphore_mem>>)
      } else {
      }
      %rem3A_129 = arith.constant 2 : i32
      %rem3A_130 = arith.remsi %while3A_110, %rem3A_129 : i32
      %mul3A_131 = arith.constant 32 : i32
      %mul3A_132 = arith.muli %mul3A_131, %while3A_110 : i32
      %add3A_133 = arith.addi %add3A, %mul3A_132 : i32
      %mul3A_134 = arith.constant 128 : i32
      %mul3A_135 = arith.muli %add3A_133, %mul3A_134 : i32
      %dma_wait3A_136 = arith.constant 0 : i32
      %dma_wait3A_137 = tpu.memref_slice %arg5[%rem3A_130, %dma_wait3A_136] : memref<2x128xi32, #tpu.memory_space<vmem>> -> memref<1x128xi32, #tpu.memory_space<vmem>>
      %dma_wait3A_138 = tpu.memref_squeeze %dma_wait3A_137 : memref<1x128xi32, #tpu.memory_space<vmem>> -> memref<128xi32, #tpu.memory_space<vmem>>
      %dma_wait3A_139 = tpu.memref_slice %arg3[%mul3A_135] : memref<280064xi32, #tpu.memory_space<hbm>> -> memref<128xi32, #tpu.memory_space<hbm>>
      %dma_wait3A_140 = tpu.memref_slice %arg7[%rem3A_130] : memref<2x!tpu.dma_semaphore, #tpu.memory_space<semaphore_mem>> -> memref<1x!tpu.dma_semaphore, #tpu.memory_space<semaphore_mem>>
      %dma_wait3A_141 = tpu.memref_squeeze %dma_wait3A_140 : memref<1x!tpu.dma_semaphore, #tpu.memory_space<semaphore_mem>> -> memref<!tpu.dma_semaphore, #tpu.memory_space<semaphore_mem>>
      %dma_wait3A_142 = arith.constant 0 : i32
      %dma_wait3A_143 = tpu.memref_slice %arg5[%rem3A_130, %dma_wait3A_142] : memref<2x128xi32, #tpu.memory_space<vmem>> -> memref<1x128xi32, #tpu.memory_space<vmem>>
      %dma_wait3A_144 = tpu.memref_squeeze %dma_wait3A_143 : memref<1x128xi32, #tpu.memory_space<vmem>> -> memref<128xi32, #tpu.memory_space<vmem>>
      %dma_wait3A_145 = tpu.memref_slice %arg3[%mul3A_135] : memref<280064xi32, #tpu.memory_space<hbm>> -> memref<128xi32, #tpu.memory_space<hbm>>
      tpu.wait_dma2 semaphore(%dma_wait3A_141 : memref<!tpu.dma_semaphore, #tpu.memory_space<semaphore_mem>>) src(%dma_wait3A_145 : memref<128xi32, #tpu.memory_space<hbm>>) dst(%dma_wait3A_144 : memref<128xi32, #tpu.memory_space<vmem>>)
      %rem3A_146 = arith.constant 2 : i32
      %rem3A_147 = arith.remsi %while3A_110, %rem3A_146 : i32
      %dma_start3A_148 = arith.constant 0 : i32
      %dma_start3A_149 = arith.constant 0 : i32
      %dma_start3A_150 = tpu.memref_slice %arg6[%rem3A_147, %dma_start3A_148, %dma_start3A_149] : memref<2x128x128xf32, #tpu.memory_space<vmem>> -> memref<1x128x128xf32, #tpu.memory_space<vmem>>
      %dma_start3A_151 = tpu.memref_squeeze %dma_start3A_150 : memref<1x128x128xf32, #tpu.memory_space<vmem>> -> memref<128x128xf32, #tpu.memory_space<vmem>>
      %dma_start3A_152 = arith.constant 0 : i32
      %dma_start3A_153 = tpu.memref_slice %arg5[%rem3A_147, %dma_start3A_152] : memref<2x128xi32, #tpu.memory_space<vmem>> -> memref<1x128xi32, #tpu.memory_space<vmem>>
      %dma_start3A_154 = tpu.memref_squeeze %dma_start3A_153 : memref<1x128xi32, #tpu.memory_space<vmem>> -> memref<128xi32, #tpu.memory_space<vmem>>
      %dma_start3A_155 = arith.constant 0 : i32
      %dma_start3A_156 = arith.constant 0 : i32
      %dma_start3A_157 = tpu.memref_slice %arg2[%dma_start3A_155, %dma_start3A_156] : memref<100000x128xf32, #tpu.memory_space<hbm>> -> memref<100000x128xf32, #tpu.memory_space<hbm>>
      %dma_start3A_158 = tpu.memref_slice %arg8[%rem3A_147] : memref<2x!tpu.dma_semaphore, #tpu.memory_space<semaphore_mem>> -> memref<1x!tpu.dma_semaphore, #tpu.memory_space<semaphore_mem>>
      %dma_start3A_159 = tpu.memref_squeeze %dma_start3A_158 : memref<1x!tpu.dma_semaphore, #tpu.memory_space<semaphore_mem>> -> memref<!tpu.dma_semaphore, #tpu.memory_space<semaphore_mem>>
      tpu.enqueue_indirect_dma source(%dma_start3A_157 : memref<100000x128xf32, #tpu.memory_space<hbm>>) target(%dma_start3A_151 : memref<128x128xf32, #tpu.memory_space<vmem>>) offsets(%dma_start3A_154 : memref<128xi32, #tpu.memory_space<vmem>>) semaphore(%dma_start3A_159 : memref<!tpu.dma_semaphore, #tpu.memory_space<semaphore_mem>>)
    }
    %sub3A = arith.constant 1 : i32
    %sub3A_27 = arith.subi %select_n3A, %sub3A : i32
    %rem3A_28 = arith.constant 2 : i32
    %rem3A_29 = arith.remsi %sub3A_27, %rem3A_28 : i32
    %dma_wait3A = arith.constant 0 : i32
    %dma_wait3A_30 = arith.constant 0 : i32
    %dma_wait3A_31 = tpu.memref_slice %arg6[%rem3A_29, %dma_wait3A, %dma_wait3A_30] : memref<2x128x128xf32, #tpu.memory_space<vmem>> -> memref<1x128x128xf32, #tpu.memory_space<vmem>>
    %dma_wait3A_32 = tpu.memref_squeeze %dma_wait3A_31 : memref<1x128x128xf32, #tpu.memory_space<vmem>> -> memref<128x128xf32, #tpu.memory_space<vmem>>
    %dma_wait3A_33 = arith.constant 0 : i32
    %dma_wait3A_34 = tpu.memref_slice %arg5[%rem3A_29, %dma_wait3A_33] : memref<2x128xi32, #tpu.memory_space<vmem>> -> memref<1x128xi32, #tpu.memory_space<vmem>>
    %dma_wait3A_35 = tpu.memref_squeeze %dma_wait3A_34 : memref<1x128xi32, #tpu.memory_space<vmem>> -> memref<128xi32, #tpu.memory_space<vmem>>
    %dma_wait3A_36 = arith.constant 0 : i32
    %dma_wait3A_37 = arith.constant 0 : i32
    %dma_wait3A_38 = tpu.memref_slice %arg2[%dma_wait3A_36, %dma_wait3A_37] : memref<100000x128xf32, #tpu.memory_space<hbm>> -> memref<100000x128xf32, #tpu.memory_space<hbm>>
    %dma_wait3A_39 = tpu.memref_slice %arg8[%rem3A_29] : memref<2x!tpu.dma_semaphore, #tpu.memory_space<semaphore_mem>> -> memref<1x!tpu.dma_semaphore, #tpu.memory_space<semaphore_mem>>
    %dma_wait3A_40 = tpu.memref_squeeze %dma_wait3A_39 : memref<1x!tpu.dma_semaphore, #tpu.memory_space<semaphore_mem>> -> memref<!tpu.dma_semaphore, #tpu.memory_space<semaphore_mem>>
    tpu.wait_indirect_dma semaphore(%dma_wait3A_40 : memref<!tpu.dma_semaphore, #tpu.memory_space<semaphore_mem>>) src(%dma_wait3A_38 : memref<100000x128xf32, #tpu.memory_space<hbm>>) dst(%dma_wait3A_32 : memref<128x128xf32, #tpu.memory_space<vmem>>)
    %sub3A_41 = arith.constant 1 : i32
    %sub3A_42 = arith.subi %select_n3A, %sub3A_41 : i32
    %rem3A_43 = arith.constant 2 : i32
    %rem3A_44 = arith.remsi %sub3A_42, %rem3A_43 : i32
    %mul3A_45 = arith.constant 32 : i32
    %mul3A_46 = arith.muli %mul3A_45, %sub3A_42 : i32
    %add3A_47 = arith.addi %add3A, %mul3A_46 : i32
    %mul3A_48 = arith.constant 128 : i32
    %mul3A_49 = arith.muli %add3A_47, %mul3A_48 : i32
    %dma_start3A_50 = arith.constant 0 : i32
    %dma_start3A_51 = arith.constant 0 : i32
    %dma_start3A_52 = tpu.memref_slice %arg6[%rem3A_44, %dma_start3A_50, %dma_start3A_51] : memref<2x128x128xf32, #tpu.memory_space<vmem>> -> memref<1x128x128xf32, #tpu.memory_space<vmem>>
    %dma_start3A_53 = tpu.memref_squeeze %dma_start3A_52 : memref<1x128x128xf32, #tpu.memory_space<vmem>> -> memref<128x128xf32, #tpu.memory_space<vmem>>
    %dma_start3A_54 = arith.constant 0 : i32
    %dma_start3A_55 = tpu.memref_slice %arg4[%mul3A_49, %dma_start3A_54] : memref<280064x128xf32, #tpu.memory_space<hbm>> -> memref<128x128xf32, #tpu.memory_space<hbm>>
    %dma_start3A_56 = tpu.memref_slice %arg9[%rem3A_44] : memref<2x!tpu.dma_semaphore, #tpu.memory_space<semaphore_mem>> -> memref<1x!tpu.dma_semaphore, #tpu.memory_space<semaphore_mem>>
    %dma_start3A_57 = tpu.memref_squeeze %dma_start3A_56 : memref<1x!tpu.dma_semaphore, #tpu.memory_space<semaphore_mem>> -> memref<!tpu.dma_semaphore, #tpu.memory_space<semaphore_mem>>
    %dma_start3A_58 = arith.constant 0 : i32
    %dma_start3A_59 = tpu.memref_slice %arg4[%mul3A_49, %dma_start3A_58] : memref<280064x128xf32, #tpu.memory_space<hbm>> -> memref<128x128xf32, #tpu.memory_space<hbm>>
    %dma_start3A_60 = arith.constant 0 : i32
    %dma_start3A_61 = arith.constant 0 : i32
    %dma_start3A_62 = tpu.memref_slice %arg6[%rem3A_44, %dma_start3A_60, %dma_start3A_61] : memref<2x128x128xf32, #tpu.memory_space<vmem>> -> memref<1x128x128xf32, #tpu.memory_space<vmem>>
    %dma_start3A_63 = tpu.memref_squeeze %dma_start3A_62 : memref<1x128x128xf32, #tpu.memory_space<vmem>> -> memref<128x128xf32, #tpu.memory_space<vmem>>
    tpu.enqueue_dma source(%dma_start3A_63 : memref<128x128xf32, #tpu.memory_space<vmem>>) target(%dma_start3A_59 : memref<128x128xf32, #tpu.memory_space<hbm>>) target_semaphore(%dma_start3A_57 : memref<!tpu.dma_semaphore, #tpu.memory_space<semaphore_mem>>)
    %sub3A_64 = arith.constant 2 : i32
    %sub3A_65 = arith.subi %select_n3A, %sub3A_64 : i32
    %rem3A_66 = arith.constant 2 : i32
    %rem3A_67 = arith.remsi %sub3A_65, %rem3A_66 : i32
    %mul3A_68 = arith.constant 32 : i32
    %mul3A_69 = arith.muli %mul3A_68, %sub3A_65 : i32
    %add3A_70 = arith.addi %add3A, %mul3A_69 : i32
    %mul3A_71 = arith.constant 128 : i32
    %mul3A_72 = arith.muli %add3A_70, %mul3A_71 : i32
    %dma_wait3A_73 = arith.constant 0 : i32
    %dma_wait3A_74 = arith.constant 0 : i32
    %dma_wait3A_75 = tpu.memref_slice %arg6[%rem3A_67, %dma_wait3A_73, %dma_wait3A_74] : memref<2x128x128xf32, #tpu.memory_space<vmem>> -> memref<1x128x128xf32, #tpu.memory_space<vmem>>
    %dma_wait3A_76 = tpu.memref_squeeze %dma_wait3A_75 : memref<1x128x128xf32, #tpu.memory_space<vmem>> -> memref<128x128xf32, #tpu.memory_space<vmem>>
    %dma_wait3A_77 = arith.constant 0 : i32
    %dma_wait3A_78 = tpu.memref_slice %arg4[%mul3A_72, %dma_wait3A_77] : memref<280064x128xf32, #tpu.memory_space<hbm>> -> memref<128x128xf32, #tpu.memory_space<hbm>>
    %dma_wait3A_79 = tpu.memref_slice %arg9[%rem3A_67] : memref<2x!tpu.dma_semaphore, #tpu.memory_space<semaphore_mem>> -> memref<1x!tpu.dma_semaphore, #tpu.memory_space<semaphore_mem>>
    %dma_wait3A_80 = tpu.memref_squeeze %dma_wait3A_79 : memref<1x!tpu.dma_semaphore, #tpu.memory_space<semaphore_mem>> -> memref<!tpu.dma_semaphore, #tpu.memory_space<semaphore_mem>>
    %dma_wait3A_81 = arith.constant 0 : i32
    %dma_wait3A_82 = tpu.memref_slice %arg4[%mul3A_72, %dma_wait3A_81] : memref<280064x128xf32, #tpu.memory_space<hbm>> -> memref<128x128xf32, #tpu.memory_space<hbm>>
    %dma_wait3A_83 = arith.constant 0 : i32
    %dma_wait3A_84 = arith.constant 0 : i32
    %dma_wait3A_85 = tpu.memref_slice %arg6[%rem3A_67, %dma_wait3A_83, %dma_wait3A_84] : memref<2x128x128xf32, #tpu.memory_space<vmem>> -> memref<1x128x128xf32, #tpu.memory_space<vmem>>
    %dma_wait3A_86 = tpu.memref_squeeze %dma_wait3A_85 : memref<1x128x128xf32, #tpu.memory_space<vmem>> -> memref<128x128xf32, #tpu.memory_space<vmem>>
    tpu.wait_dma2 semaphore(%dma_wait3A_80 : memref<!tpu.dma_semaphore, #tpu.memory_space<semaphore_mem>>) src(%dma_wait3A_86 : memref<128x128xf32, #tpu.memory_space<vmem>>) dst(%dma_wait3A_82 : memref<128x128xf32, #tpu.memory_space<hbm>>)
    %sub3A_87 = arith.constant 1 : i32
    %sub3A_88 = arith.subi %select_n3A, %sub3A_87 : i32
    %rem3A_89 = arith.constant 2 : i32
    %rem3A_90 = arith.remsi %sub3A_88, %rem3A_89 : i32
    %mul3A_91 = arith.constant 32 : i32
    %mul3A_92 = arith.muli %mul3A_91, %sub3A_88 : i32
    %add3A_93 = arith.addi %add3A, %mul3A_92 : i32
    %mul3A_94 = arith.constant 128 : i32
    %mul3A_95 = arith.muli %add3A_93, %mul3A_94 : i32
    %dma_wait3A_96 = arith.constant 0 : i32
    %dma_wait3A_97 = arith.constant 0 : i32
    %dma_wait3A_98 = tpu.memref_slice %arg6[%rem3A_90, %dma_wait3A_96, %dma_wait3A_97] : memref<2x128x128xf32, #tpu.memory_space<vmem>> -> memref<1x128x128xf32, #tpu.memory_space<vmem>>
    %dma_wait3A_99 = tpu.memref_squeeze %dma_wait3A_98 : memref<1x128x128xf32, #tpu.memory_space<vmem>> -> memref<128x128xf32, #tpu.memory_space<vmem>>
    %dma_wait3A_100 = arith.constant 0 : i32
    %dma_wait3A_101 = tpu.memref_slice %arg4[%mul3A_95, %dma_wait3A_100] : memref<280064x128xf32, #tpu.memory_space<hbm>> -> memref<128x128xf32, #tpu.memory_space<hbm>>
    %dma_wait3A_102 = tpu.memref_slice %arg9[%rem3A_90] : memref<2x!tpu.dma_semaphore, #tpu.memory_space<semaphore_mem>> -> memref<1x!tpu.dma_semaphore, #tpu.memory_space<semaphore_mem>>
    %dma_wait3A_103 = tpu.memref_squeeze %dma_wait3A_102 : memref<1x!tpu.dma_semaphore, #tpu.memory_space<semaphore_mem>> -> memref<!tpu.dma_semaphore, #tpu.memory_space<semaphore_mem>>
    %dma_wait3A_104 = arith.constant 0 : i32
    %dma_wait3A_105 = tpu.memref_slice %arg4[%mul3A_95, %dma_wait3A_104] : memref<280064x128xf32, #tpu.memory_space<hbm>> -> memref<128x128xf32, #tpu.memory_space<hbm>>
    %dma_wait3A_106 = arith.constant 0 : i32
    %dma_wait3A_107 = arith.constant 0 : i32
    %dma_wait3A_108 = tpu.memref_slice %arg6[%rem3A_90, %dma_wait3A_106, %dma_wait3A_107] : memref<2x128x128xf32, #tpu.memory_space<vmem>> -> memref<1x128x128xf32, #tpu.memory_space<vmem>>
    %dma_wait3A_109 = tpu.memref_squeeze %dma_wait3A_108 : memref<1x128x128xf32, #tpu.memory_space<vmem>> -> memref<128x128xf32, #tpu.memory_space<vmem>>
    tpu.wait_dma2 semaphore(%dma_wait3A_103 : memref<!tpu.dma_semaphore, #tpu.memory_space<semaphore_mem>>) src(%dma_wait3A_109 : memref<128x128xf32, #tpu.memory_space<vmem>>) dst(%dma_wait3A_105 : memref<128x128xf32, #tpu.memory_space<hbm>>)
    return
  }
}

module attributes {stable_mosaic.version = 14 : i64} {
  func.func @mm(%arg0: i32, %arg1: i32, %arg2: memref<2000x128xf32, #tpu.memory_space<vmem>>, %arg3: memref<1x128x128xf32, #tpu.memory_space<vmem>>, %arg4: memref<2000x128xf32, #tpu.memory_space<vmem>>) attributes {dimension_semantics = [#tpu.dimension_semantics<arbitrary>, #tpu.dimension_semantics<arbitrary>], iteration_bounds = array<i64: 14, 10>, scalar_prefetch = 0 : i64, scratch_operands = 0 : i64, tpu.core_type = #tpu.core_type<tc>, window_params = [{transform_indices = @transform_0, window_bounds = array<i64: 2000, 128>}, {transform_indices = @transform_1, window_bounds = array<i64: 1, 128, 128>}, {transform_indices = @transform_2, window_bounds = array<i64: 2000, 128>}]} {
    %get3A = arith.constant 0 : index
    %get3A_0 = arith.constant 0 : index
    %get3A_1 = vector.load %arg2[%get3A, %get3A_0] : memref<2000x128xf32, #tpu.memory_space<vmem>>, vector<2000x128xf32>
    %get3A_2 = arith.constant 0 : index
    %get3A_3 = arith.constant 0 : index
    %get3A_4 = arith.constant 0 : index
    %get3A_5 = vector.load %arg3[%get3A_2, %get3A_3, %get3A_4] : memref<1x128x128xf32, #tpu.memory_space<vmem>>, vector<1x128x128xf32>
    %get3A_6 = vector.shape_cast %get3A_5 : vector<1x128x128xf32> to vector<128x128xf32>
    %dot_general3A = arith.constant dense<0.000000e+00> : vector<2000x128xf32>
    %dot_general3A_7 = tpu.matmul %get3A_1, %get3A_6, %dot_general3A {dimension_numbers = #tpu.dot_dimension_numbers<[1], [0], [0], [1], [0, 0, 1, 1], [], []>, transpose_lhs_hint = false} : vector<2000x128xf32>, vector<128x128xf32>, vector<2000x128xf32> -> vector<2000x128xf32>
    %swap3A = arith.constant 0 : index
    %swap3A_8 = arith.constant 0 : index
    %swap3A_9 = vector.load %arg4[%swap3A, %swap3A_8] : memref<2000x128xf32, #tpu.memory_space<vmem>>, vector<2000x128xf32>
    tpu.vector_store %arg4[%swap3A, %swap3A_8], %dot_general3A_7 {strides = array<i32>} : memref<2000x128xf32, #tpu.memory_space<vmem>>, vector<2000x128xf32>,
    return
  }
  func.func @transform_0(%arg0: i32, %arg1: i32) -> (i32, i32) {
    %mul3A = arith.constant 10 : i32
    %mul3A_0 = arith.muli %arg0, %mul3A : i32
    %add3A = arith.addi %mul3A_0, %arg1 : i32
    %c0_i32 = arith.constant 0 : i32
    %c0_i32_1 = arith.constant 0 : i32
    return %add3A, %c0_i32 : i32, i32
  }
  func.func @transform_1(%arg0: i32, %arg1: i32) -> (i32, i32, i32) {
    %c0_i32 = arith.constant 0 : i32
    %c0_i32_0 = arith.constant 0 : i32
    %c0_i32_1 = arith.constant 0 : i32
    return %arg0, %c0_i32, %c0_i32_0 : i32, i32, i32
  }
  func.func @transform_2(%arg0: i32, %arg1: i32) -> (i32, i32) {
    %mul3A = arith.constant 10 : i32
    %mul3A_0 = arith.muli %arg0, %mul3A : i32
    %add3A = arith.addi %mul3A_0, %arg1 : i32
    %c0_i32 = arith.constant 0 : i32
    %c0_i32_1 = arith.constant 0 : i32
    return %add3A, %c0_i32 : i32, i32
  }
}

module attributes {stable_mosaic.version = 14 : i64} {
  func.func @mm(%arg0: i32, %arg1: i32, %arg2: memref<2000x128xf32, #tpu.memory_space<vmem>>, %arg3: memref<1x128x128xf32, #tpu.memory_space<vmem>>, %arg4: memref<540000x128xf32, #tpu.memory_space<any>>, %arg5: memref<2000x128xf32, #tpu.memory_space<vmem>>) attributes {dimension_semantics = [#tpu.dimension_semantics<arbitrary>, #tpu.dimension_semantics<arbitrary>], iteration_bounds = array<i64: 13, 10>, scalar_prefetch = 0 : i64, scratch_operands = 0 : i64, tpu.core_type = #tpu.core_type<tc>, window_params = [{transform_indices = @transform_0, window_bounds = array<i64: 2000, 128>}, {transform_indices = @transform_1, window_bounds = array<i64: 1, 128, 128>}, {}, {transform_indices = @transform_3, window_bounds = array<i64: 2000, 128>}]} {
    %get3A = arith.constant 0 : index
    %get3A_0 = arith.constant 0 : index
    %get3A_1 = vector.load %arg2[%get3A, %get3A_0] : memref<2000x128xf32, #tpu.memory_space<vmem>>, vector<2000x128xf32>
    %get3A_2 = arith.constant 0 : index
    %get3A_3 = arith.constant 0 : index
    %get3A_4 = arith.constant 0 : index
    %get3A_5 = vector.load %arg3[%get3A_2, %get3A_3, %get3A_4] : memref<1x128x128xf32, #tpu.memory_space<vmem>>, vector<1x128x128xf32>
    %get3A_6 = vector.shape_cast %get3A_5 : vector<1x128x128xf32> to vector<128x128xf32>
    %dot_general3A = arith.constant dense<0.000000e+00> : vector<2000x128xf32>
    %dot_general3A_7 = tpu.matmul %get3A_1, %get3A_6, %dot_general3A {dimension_numbers = #tpu.dot_dimension_numbers<[1], [0], [0], [1], [0, 0, 1, 1], [], []>, transpose_lhs_hint = false} : vector<2000x128xf32>, vector<128x128xf32>, vector<2000x128xf32> -> vector<2000x128xf32>
    %swap3A = arith.constant 0 : index
    %swap3A_8 = arith.constant 0 : index
    %swap3A_9 = vector.load %arg5[%swap3A, %swap3A_8] : memref<2000x128xf32, #tpu.memory_space<vmem>>, vector<2000x128xf32>
    tpu.vector_store %arg5[%swap3A, %swap3A_8], %dot_general3A_7 {strides = array<i32>} : memref<2000x128xf32, #tpu.memory_space<vmem>>, vector<2000x128xf32>,
    return
  }
  func.func @transform_0(%arg0: i32, %arg1: i32) -> (i32, i32) {
    %mul3A = arith.constant 10 : i32
    %mul3A_0 = arith.muli %arg0, %mul3A : i32
    %add3A = arith.addi %mul3A_0, %arg1 : i32
    %c0_i32 = arith.constant 0 : i32
    %c0_i32_1 = arith.constant 0 : i32
    return %add3A, %c0_i32 : i32, i32
  }
  func.func @transform_1(%arg0: i32, %arg1: i32) -> (i32, i32, i32) {
    %add3A = arith.constant 14 : i32
    %add3A_0 = arith.addi %arg0, %add3A : i32
    %c0_i32 = arith.constant 0 : i32
    %c0_i32_1 = arith.constant 0 : i32
    %c0_i32_2 = arith.constant 0 : i32
    return %add3A_0, %c0_i32, %c0_i32_1 : i32, i32, i32
  }
  func.func @transform_3(%arg0: i32, %arg1: i32) -> (i32, i32) {
    %mul3A = arith.constant 10 : i32
    %mul3A_0 = arith.muli %arg0, %mul3A : i32
    %add3A = arith.constant 140 : i32
    %add3A_1 = arith.addi %add3A, %mul3A_0 : i32
    %add3A_2 = arith.addi %add3A_1, %arg1 : i32
    %c0_i32 = arith.constant 0 : i32
    %c0_i32_3 = arith.constant 0 : i32
    return %add3A_2, %c0_i32 : i32, i32
  }
}

</mosaic_0001>

<sc_bundles>
// kernel: kernel.11.cloned.1.call-start
scs
__scs_entry_jumppad:
0x0: {  	(pc) =	sbr.rel $0x88, $3  }
0x1: {  	(tag) =	ssettag $0x0;
	lr =	simm.s32 $0x1  }
0x2: {  	[smem:$0x3F9D] =	sst lr;
	_ =	strace $0xD0000000  }
0x3: {  	_ = 	snop  }
0x4: {  	_ = 	snop  }
0x5: {  	_ = 	snop  }
0x6: {  	_ = 	snop  }
0x7: {  	_ = 	snop  }
__scs_overlays_trampoline_lowered:
0x8: {  	[smem:$0x3FAC] =	sst s0  }
0x9: {  	[smem:$0x3FAD] =	sst s1  }
0xa: {  	[smem:$0x3FAE] =	sst s2  }
0xb: {  	[smem:$0x3FAF] =	sst s3  }
0xc: {  	[smem:$0x3FB0] =	sst s4  }
0xd: {  	[smem:$0x3FB1] =	sst s5  }
0xe: {  	[smem:$0x3FB2] =	sst s6  }
0xf: {  	[smem:$0x3FB3] =	sst s7  }
0x10: {  	[smem:$0x3FB4] =	sst s8  }
0x11: {  	[smem:$0x3FB5] =	sst s9;
	s0 =	simm.s32 @!p0 $0x0  }
0x12: {  	s1 =	sld [smem:$0x3F9B];
	s0 =	simm.s32 @p0 $0x1  }
0x13: {  	[smem:$0x3FB6] =	sst s0;
	s0 =	simm.s32 @!p1 $0x0  }
0x14: {  	s2 =	sld [smem:$0x3F9A];
	s0 =	simm.s32 @p1 $0x1  }
0x15: {  	[smem:$0x3FB7] =	sst s0;
	s0 =	simm.s32 @!p2 $0x0  }
0x16: {  	s3 =	sld [smem:$0x3FDB];
	s0 =	simm.s32 @p2 $0x1  }
0x17: {  	s4 =	simm.s32 $0x1BF5;
	[smem:$0x3FB9] =	sst s0  }
0x18: {  	s0 =	sld [smem:$0x3F9C];
	_ =	swait.ge [sflag:s4], $0x0  }
0x19: {  	s7 =	sld [smem:$0x3F9D]  }
0x1a: {  	s8 =	sadd.s32 $0xFFFFE003, lr  }
0x1b: {  	s9 =	sadd.s32 $0xFFFFFEF7, lr;
	s5 =	simm.s32 $0xFFFFFFFF;
	p2 =	slt.u32 s8, $0xFFFFF086  }
0x1c: {  	p1 =	slt.u32 s9, $0xF7A;
	s5 =	simm.s32 @!p2 $0x0  }
0x1d: {  	s5 =	simm.s32 @p1 $0x1;
	p0 =	seq.s32 s7, s2  }
0x1e: {  	s7 =	smul.u32 @!p0 $0xF7A, s2;
	p2 =	seq.s32 @!p0 s5, $0x0  }
0x1f: {  	s9 =	smul.u32 $0xF7A, s1;
	s8 =	simm.s32 @!p0 $0x1BF5;
	p2 =	por !p2, p0  }
0x20: {  	[sflag:s8] =	ssyncset.s32 @!p0 $0xFFFFF086;
	s6 =	sadd.s32 @!p0 s3, s7;
	s7 =	simm.s32 @!p0 $0x108  }
0x21: {  	s3 =	sadd.s32 s3, s9;
	s6 =	sadd.s32 @!p0 $0x88, s6;
	s7 =	simm.s32 @p2 $0x1082  }
0x22: {  	[simem:s7], [sflag:s8] =	dma.local @!p0 [hbm:s6], $0xF7A  }
0x23: {  	s9 =	sor.u32 $0xD0000000, s2;
	s6 =	simm.s32 $0x108;
	_ =	swait.ge @!p0 [sflag:s8], $0x0  }
0x24: {  	s3 =	sadd.s32 $0x88, s3;
	s6 =	simm.s32 @!p1 $0x1082;
	[sflag:s4] =	ssyncset.s32 $0xFFFFF086  }
0x25: {  	[simem:s6], [sflag:s4] =	dma.local [hbm:s3], $0xF7A  }
0x26: {  	[smem:$0x3F9D] =	sst s1;
	(tag) =	ssettag s2;
	_ =	strace s9  }
0x27: {  	s1 =	sld [smem:$0x3FAD]  }
0x28: {  	s2 =	sld [smem:$0x3FAE]  }
0x29: {  	s4 =	sld [smem:$0x3FB0]  }
0x2a: {  	p0 =	seq.s32 s5, $0x0;
	s5 =	sld [smem:$0x3FB1]  }
0x2b: {  	s6 =	sld [smem:$0x3FB2]  }
0x2c: {  	s7 =	sld [smem:$0x3FB3]  }
0x2d: {  	s3 =	simm.s32 $0x108;
	s8 =	sld [smem:$0x3FB4]  }
0x2e: {  	s3 =	simm.s32 @!p0 $0x1082;
	s9 =	sld [smem:$0x3FB5]  }
0x2f: {  	lr =	sadd.s32 s0, s3;
	s0 =	sld [smem:$0x3FAC]  }
0x30: {  	s3 =	sld [smem:$0x3FAF]  }
0x31: {  	[smem:$0x3FB8] =	sst s10  }
0x32: {  	s10 =	sld [smem:$0x3FB6];
	_ =	sdelay $0x3  }
0x33: {  	p0 =	seq.s32 s10, $0x1;
	s10 =	sld [smem:$0x3FB8];
	_ =	sdelay $0x3  }
0x34: {  	[smem:$0x3FB8] =	sst s10  }
0x35: {  	s10 =	sld [smem:$0x3FB7];
	_ =	sdelay $0x3  }
0x36: {  	p1 =	seq.s32 s10, $0x1;
	s10 =	sld [smem:$0x3FB8];
	_ =	sdelay $0x3  }
0x37: {  	[smem:$0x3FB8] =	sst s10  }
0x38: {  	s10 =	sld [smem:$0x3FB9]  }
0x39: {  	_ = 	snop;
	(pc) =	sbr.ind lr, $3  }
0x3a: {  	_ = 	snop  }
0x3b: {  	_ = 	snop  }
0x3c: {  	p2 =	seq.s32 s10, $0x1;
	s10 =	sld [smem:$0x3FB8]  }
0x3d: {  	_ =	shalt  }
0x3e: {  	_ =	shalt  }
0x3f: {  	_ =	shalt  }
0x40: {  	_ =	shalt  }
0x41: {  	_ =	shalt  }
0x42: {  	_ =	shalt  }
0x43: {  	_ =	shalt  }
0x44: {  	_ =	shalt  }
0x45: {  	_ =	shalt  }
0x46: {  	_ =	shalt  }
0x47: {  	_ =	shalt  }
0x48: {  	_ =	shalt  }
0x49: {  	_ =	shalt  }
0x4a: {  	_ =	shalt  }
0x4b: {  	_ =	shalt  }
0x4c: {  	_ =	shalt  }
0x4d: {  	_ =	shalt  }
0x4e: {  	_ =	shalt  }
0x4f: {  	_ =	shalt  }
0x50: {  	_ =	shalt  }
0x51: {  	_ =	shalt  }
0x52: {  	_ =	shalt  }
0x53: {  	_ =	shalt  }
0x54: {  	_ =	shalt  }
0x55: {  	_ =	shalt  }
0x56: {  	_ =	shalt  }
0x57: {  	_ =	shalt  }
0x58: {  	_ =	shalt  }
0x59: {  	_ =	shalt  }
0x5a: {  	_ =	shalt  }
0x5b: {  	_ =	shalt  }
0x5c: {  	_ =	shalt  }
0x5d: {  	_ =	shalt  }
0x5e: {  	_ =	shalt  }
0x5f: {  	_ =	shalt  }
0x60: {  	_ =	shalt  }
0x61: {  	_ =	shalt  }
0x62: {  	_ =	shalt  }
0x63: {  	_ =	shalt  }
0x64: {  	_ =	shalt  }
0x65: {  	_ =	shalt  }
0x66: {  	_ =	shalt  }
0x67: {  	_ =	shalt  }
0x68: {  	_ =	shalt  }
0x69: {  	_ =	shalt  }
0x6a: {  	_ =	shalt  }
0x6b: {  	_ =	shalt  }
0x6c: {  	_ =	shalt  }
0x6d: {  	_ =	shalt  }
0x6e: {  	_ =	shalt  }
0x6f: {  	_ =	shalt  }
0x70: {  	_ =	shalt  }
0x71: {  	_ =	shalt  }
0x72: {  	_ =	shalt  }
0x73: {  	_ =	shalt  }
0x74: {  	_ =	shalt  }
0x75: {  	_ =	shalt  }
0x76: {  	_ =	shalt  }
0x77: {  	_ =	shalt  }
0x78: {  	_ =	shalt  }
0x79: {  	_ =	shalt  }
0x7a: {  	_ =	shalt  }
0x7b: {  	_ =	shalt  }
0x7c: {  	_ =	shalt  }
0x7d: {  	_ =	shalt  }
0x7e: {  	_ =	shalt  }
0x7f: {  	_ =	shalt  }
0x80: {  	_ =	shalt  }
0x81: {  	_ =	shalt  }
0x82: {  	_ =	shalt  }
0x83: {  	_ =	shalt  }
0x84: {  	_ =	shalt  }
0x85: {  	_ =	shalt  }
0x86: {  	_ =	shalt  }
0x87: {  	_ =	shalt  }
.Lfunc_end0:
.L_simem_size_0:
called_computation.1_lowered:
.L_overlay_start_0:
0x88: {  	s2 =	sld [smem:$0x3FD9]  }
0x89: {  	s3 =	sld [smem:$0x3FFE];
	_ =	sdelay $0x1  }
0x8a: {  	s1 =	srdreg.scid  }
0x8b: {  	s0 =	sand.u32 $0x1, s1  }
0x8c: {  	s17 =	sshll.u32 s0, $0xA;
	s2 =	sadd.s32 s3, s2  }
0x8d: {  	s2 =	sadd.s32 s2, s17  }
0x8e: {  	[smem:$0x3FC4] =	sst s2  }
0x8f: {  	_ = 	snop  }
0x90: {  	s18 =	sld [smem:$0x3FC9];
	(tm) =	ssettm $0x1  }
0x91: {  	s19 =	sld [smem:$0x3FFB];
	_ =	sdelay $0x3  }
0x92: {  	_ =	strace s19  }
0x93: {  	s2 =	sld [smem:$0x3FFC];
	_ =	sdelay $0x3  }
0x94: {  	_ =	strace s2  }
0x95: {  	s2 =	sld [smem:$0x3FFD];
	_ =	sdelay $0x3  }
0x96: {  	_ =	strace s2  }
0x97: {  	_ =	strace $0x8FFFFFFF  }
0x98: {  	s20 =	sld [smem:$0x3FDB];
	_ =	sdelay $0x1  }
0x99: {  	s4 =	simm.s32 $_scs_section_size  }
0x9a: {  	s5 =	simm.s32 $_size__tile_overlayer_lowered;
	s6 =	simm.s32 $_tile_overlayer_lowered  }
0x9b: {  	s7 =	simm.s32 $0x1BFF;
	s21 =	sshll.u32 s6, $0x1;
	s4 =	sadd.s32 s4, s20  }
0x9c: {  	s22 =	simm.s32 $0x0;
	s5 =	sshll.u32 s5, $0x1;
	s6 =	sadd.s32 s21, s4  }
0x9d: {  	[timem:s22], [sflag:s7] =	dma.local [hbm:s6], s5  }
0x9e: {  	_ =	swait.ge [sflag:s7], s5  }
0x9f: {  	s5 =	ssub.s32 $0x0, s5;
	[sflag:s7] =	ssyncset.done $0x0  }
0xa0: {  	[sflag:s7] =	ssyncadd.s32 s5;
	_ =	sdelay $0x1  }
0xa1: {  	s23 =	simm.s32 $0x1B8B  }
0xa2: {  	_ =	swait.ge [sflag:s23], $0x1  }
0xa3: {  	[sflag:s23] =	ssyncset.done $0x0  }
0xa4: {  	[sflag:s23] =	ssyncadd.s32 $0xFFFFFFFF  }
0xa5: {  	s5 =	sld [smem:$0x0]  }
0xa6: {  	s6 =	sand.u32 $0xFFFFFFFE, s1  }
0xa7: {  	p0 =	sne.s32 s1, s6  }
0xa8: {  	s6 =	sshll.u32 @p0 s6, $0xE  }
0xa9: {  	s6 =	sadd.s32 @p0 $0x11B8D, s6;
	s7 =	sshll.u32 @p0 s5, $0x11  }
0xaa: {  	s6 =	sor.u32 @p0 s7, s6  }
0xab: {  	[sflag:s6] =	ssyncadd.remote.s32 @p0 $0x1;
	_ =	sdelay $0x1  }
0xac: {  	s6 =	simm.s32 @p0 $0x1B8D  }
0xad: {  	_ =	swait.eq @p0 [sflag:s6], $0x1  }
0xae: {  	[sflag:s6] =	ssyncadd.s32 @p0 $0xFFFFFFFF  }
0xaf: {  	s7 =	sshll.u32 @!p0 s1, $0xE  }
0xb0: {  	s7 =	sor.u32 @!p0 $0x4000, s7;
	s6 =	simm.s32 @!p0 $0x1B8D  }
0xb1: {  	s5 =	sshll.u32 @!p0 s5, $0x11;
	s7 =	sadd.s32 @!p0 $0x11B8D, s7;
	_ =	swait.eq @!p0 [sflag:s6], $0x1  }
0xb2: {  	s5 =	sor.u32 @!p0 s5, s7;
	[sflag:s6] =	ssyncadd.s32 @!p0 $0xFFFFFFFF  }
0xb3: {  	s25 =	simm.s32 $0x1B8E;
	s24 =	sld [smem:$0x3FFE];
	[sflag:s5] =	ssyncadd.remote.s32 @!p0 $0x1  }
0xb4: {  	s26 =	simm.s32 $execute0_lowered;
	[smem:$0x3FD2] =	sst s25  }
0xb5: {  	s6 =	sshll.u32 s26, $0x1;
	_ =	strace $0x80000049;
	[dreg:$0x1] =	wrdreg $0xFFFFFFFF  }
0xb6: {  	s28 =	simm.s32 $_size_execute0_lowered;
	s4 =	sadd.s32 s4, s6;
	[dreg:$0x0] =	wrdreg $0x0  }
0xb7: {  	s6 =	sshll.u32 s28, $0x1;
	[dreg:$0x2] =	wrdreg s4  }
0xb8: {  	[dreg:$0x3] =	wrdreg s6  }
0xb9: {  	[dreg:$0x4] =	wrdreg $0xC0  }
0xba: {  	_ =	task [dreg:s22], $0x5FFFF  }
0xbb: {  	[dreg:$0x1] =	wrdreg $0xFFFFFFFF  }
0xbc: {  	[dreg:$0x0] =	wrdreg $0x60  }
0xbd: {  	[dreg:$0x2] =	wrdreg s18  }
0xbe: {  	[dreg:$0x3] =	wrdreg s24  }
0xbf: {  	[dreg:$0x4] =	wrdreg $0xA  }
0xc0: {  	_ =	task.clear_ibuf [dreg:s22], $0x5FFFF;
	_ =	strace $0x90000049  }
0xc1: {  	s29 =	simm.s32 $0xA;
	_ =	strace $0x8000004B  }
0xc2: {  	_ =	swait.ge [sflag:s29], $0x1  }
0xc3: {  	[sflag:s29] =	ssyncadd.s32 $0xFFFFFFFF  }
0xc4: {  	_ =	strace $0x9000004B  }
0xc5: {  	_ =	sfence  }
0xc6: {  	s30 =	sld [smem:$0x0];
	_ =	sdelay $0x2  }
0xc7: {  	s31 =	sshll.u32 s1, $0xD;
	s1 =	sshrl.u32 s1, $0x2  }
0xc8: {  	s4 =	sand.u32 $0x4000, s31;
	s1 =	sadd.s32 s1, s30  }
0xc9: {  	s0 =	sor.u32 s4, s0;
	s1 =	sshll.u32 s1, $0x11  }
0xca: {  	s0 =	sor.u32 s1, s0  }
0xcb: {  	s0 =	sadd.s32 $0x8F2B, s0  }
0xcc: {  	[sflag:s0] =	ssyncadd.remote.s32 $0x1  }
0xcd: {  	_ =	sfence.sel $0xFFFF  }
0xce: {  	[dreg:$0x0] =	wrdreg $0xFFFFFFFF;
	(pc) =	sbr.abs _section_cstart, $3  }
0xcf: {  	[dreg:$0x1] =	wrdreg $0xFFFFFFFF  }
0xd0: {  	_ =	task.clear_ibuf [dreg:s22], $0x2FFFF;
	_ =	strace $0x9FFFFFFF  }
0xd1: {  	(tm) =	ssettm $0x7FFFFFFF  }
tec
execute0_lowered:
.L_overlay_start_1:
0x0: {  	(tag) =	ssettag $0x1  }
0x1: {  	s1 =	rddreg [dreg:$0x0]  }
0x2: {  	s3 =	rddreg [dreg:$0x1];
	s2 =	simm.s32 $0x0  }
0x3: {  	s6 =	srdreg.scid;
	s0 =	stileid.u32;
	s21 =	simm.s32 $0x100  }
0x4: {  	s22 =	simm.s32 $0x3;
	s23 =	simm.s32 $0x2;
	[smem:$0x7FF] =	sst s2  }
0x5: {  	s4 =	sadd.s32 $0x447600, s3;
	s5 =	sadd.s32 $0x44F600, s3;
	s17 =	sand.u32 $0x1, s6  }
0x6: {  	s7 =	sshll.u32 s0, $0x1;
	p0 =	slt.u32 s0, $0x8;
	s6 =	simm.s32 $0x40  }
0x7: {  	s18 =	sshll.u32 s0, $0x8;
	s30 =	sshll.u32 s0, $0xF;
	_ =	strace $0x8000004A  }
0x8: {  	s8 =	ssub.s32 $0x2, s17;
	s16 =	sor.u32 s17, s7;
	s6 =	simm.s32 @!p0 $0x3F  }
0x9: {  	s19 =	sshll.u32 s17, $0x7;
	s20 =	sshll.u32 s17, $0xE;
	s25 =	sshrl.u32 s8, $0x1  }
0xa: {  	s9 =	sshll.u32 s16, $0x4;
	s10 =	sadd.s32 $0xFFFFFFFF, s6;
	s12 =	sshll.u32 s16, $0xE  }
0xb: {  	s29 =	sand.u32 $0x1, s6;
	s16 =	sshll.u32 s16, $0xB;
	s18 =	sor.u32 s19, s18  }
0xc: {  	s31 =	sadd.s32 $0xFFFFFFFE, s6;
	s19 =	sor.u32 s20, s30;
	s20 =	simm.s32 $0x1  }
0xd: {  	s13 =	ssub.s32 s8, s25;
	s7 =	sadd.s32 s4, s9;
	s11 =	sand.u32 $0x1, s10  }
0xe: {  	s10 =	sshll.u32 s10, $0x13;
	s16 =	sadd.s32 s5, s16;
	s17 =	sor.u32 $0x3000, s18  }
0xf: {  	[dreg:$0x3] =	wrdreg s31;
	s18 =	sor.u32 $0x80000, s19;
	s19 =	simm.s32 $0x80  }
0x10: {  	s25 =	simm.s32 $0x0;
	s26 =	sshll.u32 s11, $0xE;
	s8 =	sadd.s32 $0x3, s11  }
0x11: {  	s12 =	sor.u32 s12, s10;
	s10 =	sadd.s32 $0x5, s11;
	s13 =	smax.u32 s13, $0x1  }
0x12: {  	s14 =	sadd.s32 $0x200, s7;
	s15 =	sadd.s32 $0x400, s7;
	s28 =	sshrl.u32 s12, $0x3  }
0x13: {  	s9 =	sor.u32 $0x100, s26;
	s12 =	sadd.s32 $0x5, s29;
	s11 =	sadd.s32 s5, s28  }
.LBB2_1:
0x14: {  	[tilespmem:s2], [sflag:$0x1] =	stream.linear.gather [hbm4b:s7+s2], $0x80, $0x38;
	[tilespmem:$0x8100] =	vst v63  }
0x15: {  	_ = 	snop  }
0x16: {  	[tilespmem:s19], [sflag:$0x2] =	stream.linear.gather [hbm4b:s14+s2], $0x80, $0x38;
	[tilespmem:$0x8100] =	vst v63  }
0x17: {  	_ =	swait.ge [sflag:s20], $0x80  }
0x18: {  	[sflag:s20] =	ssyncset.done $0x0  }
0x19: {  	[sflag:s20] =	ssyncadd.s32 $0xFFFFFF80  }
0x1a: {  	[tilespmem:s21], [sflag:$0x3] =	stream.indirect.gather [hbm4b:s1+s19], $0x80, s2, s19, $0xb8;
	[tilespmem:$0x8100] =	vst v63  }
0x1b: {  	_ =	swait.ge [sflag:s22], $0x4000  }
0x1c: {  	[sflag:s22] =	ssyncset.done $0x0  }
0x1d: {  	[sflag:s22] =	ssyncadd.s32 $0xFFFFC000  }
0x1e: {  	[tilespmem:s2], [sflag:$0x1] =	stream.linear.gather [hbm4b:s15+s2], $0x80, $0x38;
	[tilespmem:$0x8100] =	vst v63  }
0x1f: {  	_ = 	snop  }
0x20: {  	[hbm4b:s16+s2] =	stream.linear.scatter [tilespmem:s21], [sflag:$0x5], $0x4000, $0x38;
	[tilespmem:$0x8100] =	vst v63  }
0x21: {  	_ =	swait.ge [sflag:s23], $0x80  }
0x22: {  	s0 =	simm.s32 $0x4100;
	s26 =	smov.u32 s18;
	[sflag:s23] =	ssyncset.done $0x0  }
0x23: {  	s28 =	smov.u32 s17;
	s29 =	simm.s32 $0x0;
	[sflag:s23] =	ssyncadd.s32 $0xFFFFFF80  }
0x24: {  	[tilespmem:s0], [sflag:$0x4] =	stream.indirect.gather [hbm4b:s1+s19], $0x80, s19, s19, $0xb8;
	[tilespmem:$0x8100] =	vst v63  }
.LBB2_2:
0x25: {  	s30 =	sadd.s32 $0x2, s29  }
0x26: {  	s30 =	sand.u32 $0x1, s30  }
0x27: {  	s31 =	sadd.s32 $0x5, s30  }
0x28: {  	_ =	swait.ge [sflag:s31], $0x4000  }
0x29: {  	s0 =	sxor.u32 $0x1, s30;
	[sflag:s31] =	ssyncset.done $0x0  }
0x2a: {  	s0 =	sadd.s32 $0x3, s0;
	[sflag:s31] =	ssyncadd.s32 $0xFFFFC000;
	s31 =	sadd.s32 $0x3, s29  }
0x2b: {  	_ =	swait.ge [sflag:s0], $0x4000;
	p0 =	sge.u32 s31, s6  }
0x2c: {  	s29 =	sadd.s32 $0x1, s29;
	[sflag:s0] =	ssyncset.done $0x0;
	s31 =	sand.u32 @!p0 $0x1, s31  }
0x2d: {  	s3 =	sshrl.u32 @!p0 s28, $0x3;
	s24 =	simm.s32 @!p0 $0x0;
	[sflag:s0] =	ssyncadd.s32 $0xFFFFC000  }
0x2e: {  	s0 =	sshll.u32 @!p0 s31, $0x7;
	s31 =	sadd.s32 @!p0 $0x1, s31;
	s3 =	sadd.s32 @!p0 s4, s3  }
0x2f: {  	[tilespmem:s0], [sflag:s31] =	stream.linear.gather @!p0 [hbm4b:s3+s24], $0x80, $0x38;
	[tilespmem:$0x8100] =	vst v63  }
0x30: {  	s0 =	sand.u32 $0x1, s29  }
0x31: {  	s31 =	sshrl.u32 s26, $0x3;
	s24 =	sshll.u32 s0, $0xE  }
0x32: {  	s0 =	sadd.s32 $0x5, s0;
	s3 =	sor.u32 $0x100, s24;
	s24 =	sadd.s32 s5, s31  }
0x33: {  	[hbm4b:s24+s2] =	stream.linear.scatter [tilespmem:s3], [sflag:s0], $0x4000, $0x38;
	[tilespmem:$0x8100] =	vst v63  }
0x34: {  	s0 =	sadd.s32 $0x1, s30  }
0x35: {  	_ =	swait.ge [sflag:s0], $0x80  }
0x36: {  	s31 =	rddreg [dreg:$0x3]  }
0x37: {  	p0 =	sne.s32 s31, s29  }
.Ltmp0:
0x38: {  	_ = 	snop;
	(pc) =	sbr.rel @p0 .LBB2_2-.Ltmp0, $4  }
0x39: {  	s28 =	sadd.s32 $0x1000, s28;
	s26 =	sadd.s32 $0x80000, s26  }
0x3a: {  	s3 =	sshll.u32 s30, $0x7;
	s24 =	sshll.u32 s30, $0xE;
	[sflag:s0] =	ssyncset.done $0x0  }
0x3b: {  	s30 =	sadd.s32 $0x3, s30;
	s24 =	sor.u32 $0x100, s24;
	[sflag:s0] =	ssyncadd.s32 $0xFFFFFF80  }
0x3c: {  	[tilespmem:s24], [sflag:s30] =	stream.indirect.gather [hbm4b:s1+s19], $0x80, s3, s19, $0xb8;
	[tilespmem:$0x8100] =	vst v63  }
0x3d: {  	_ =	swait.ge [sflag:s8], $0x4000  }
0x3e: {  	[sflag:s8] =	ssyncset.done $0x0  }
0x3f: {  	s25 =	sadd.s32 $0x1, s25;
	[sflag:s8] =	ssyncadd.s32 $0xFFFFC000  }
0x40: {  	[hbm4b:s11+s2] =	stream.linear.scatter [tilespmem:s9], [sflag:s10], $0x4000, $0x38;
	[tilespmem:$0x8100] =	vst v63  }
0x41: {  	p0 =	sne.s32 s25, s13;
	_ =	swait.ge [sflag:s12], $0x4000  }
.Ltmp1:
0x42: {  	[sflag:s12] =	ssyncset.done $0x0;
	(pc) =	sbr.rel @p0 .LBB2_1-.Ltmp1, $4  }
0x43: {  	[sflag:s12] =	ssyncadd.s32 $0xFFFFC000  }
0x44: {  	_ =	swait.ge [sflag:s10], $0x4000  }
0x45: {  	[sflag:s10] =	ssyncset.done $0x0  }
0x46: {  	[sflag:s10] =	ssyncadd.s32 $0xFFFFC000  }
0x47: {  	_ =	sfence.sel $0x180000  }
0x48: {  	[bflag:$0x0] =	sbarrier.arrive $0xFFFF  }
0x49: {  	_ =	strace $0x9000004A  }
0x4a: {  	s0 =	stileid.u32;
	[bflag:$0x2] =	sbarrier.arrive $0xFFFF  }
0x4b: {  	p0 =	sne.s32 s0, $0x0;
	s0 =	rddreg [dreg:$0x2]  }
0x4c: {  	s0 =	sadd.s32 @!p0 $0x100000, s0  }
0x4d: {  	[sflag:s0] =	ssyncadd.tile.s32 @!p0 $0x1;
	_ =	shalt  }
.Lfunc_end2:
_tile_overlayer_lowered:
.L_overlay_start_2:
0x4e: {  	(tag) =	ssettag $0x2  }
0x4f: {  	s0 =	rddreg [dreg:$0x0];
	s2 =	stileid.u32  }
0x50: {  	s1 =	rddreg [dreg:$0x1];
	p0 =	sne.s32 s2, $0x0  }
0x51: {  	s3 =	rddreg [dreg:$0x2];
	[bflag:$0x3] =	sbarrier.arrive $0xFFFF;
	s2 =	simm.s32 @!p0 $0x1C07  }
0x52: {  	[timem:s3], [sflag:s2] =	dma.local @!p0 [hbm:s0], s1  }
0x53: {  	s0 =	simm.s32 @!p0 $0x7  }
0x54: {  	_ =	swait.ge @!p0 [sflag:s0], s1  }
0x55: {  	s1 =	ssub.s32 @!p0 $0x0, s1;
	[sflag:s0] =	ssyncset.done @!p0 $0x0  }
0x56: {  	[sflag:s0] =	ssyncadd.s32 @!p0 s1  }
0x57: {  	[bflag:$0x3] =	sbarrier.arrive $0xFFFF  }
0x58: {  	_ =	shalt  }

// kernel: kernel.14.cloned.1.call-start
scs
__scs_entry_jumppad:
0x0: {  	(pc) =	sbr.rel $0x88, $3  }
0x1: {  	(tag) =	ssettag $0x0;
	lr =	simm.s32 $0x1  }
0x2: {  	[smem:$0x3F9D] =	sst lr;
	_ =	strace $0xD0000000  }
0x3: {  	_ = 	snop  }
0x4: {  	_ = 	snop  }
0x5: {  	_ = 	snop  }
0x6: {  	_ = 	snop  }
0x7: {  	_ = 	snop  }
__scs_overlays_trampoline_lowered:
0x8: {  	[smem:$0x3FAC] =	sst s0  }
0x9: {  	[smem:$0x3FAD] =	sst s1  }
0xa: {  	[smem:$0x3FAE] =	sst s2  }
0xb: {  	[smem:$0x3FAF] =	sst s3  }
0xc: {  	[smem:$0x3FB0] =	sst s4  }
0xd: {  	[smem:$0x3FB1] =	sst s5  }
0xe: {  	[smem:$0x3FB2] =	sst s6  }
0xf: {  	[smem:$0x3FB3] =	sst s7  }
0x10: {  	[smem:$0x3FB4] =	sst s8  }
0x11: {  	[smem:$0x3FB5] =	sst s9;
	s0 =	simm.s32 @!p0 $0x0  }
0x12: {  	s1 =	sld [smem:$0x3F9B];
	s0 =	simm.s32 @p0 $0x1  }
0x13: {  	[smem:$0x3FB6] =	sst s0;
	s0 =	simm.s32 @!p1 $0x0  }
0x14: {  	s2 =	sld [smem:$0x3F9A];
	s0 =	simm.s32 @p1 $0x1  }
0x15: {  	[smem:$0x3FB7] =	sst s0;
	s0 =	simm.s32 @!p2 $0x0  }
0x16: {  	s3 =	sld [smem:$0x3FDB];
	s0 =	simm.s32 @p2 $0x1  }
0x17: {  	s4 =	simm.s32 $0x1BF5;
	[smem:$0x3FB9] =	sst s0  }
0x18: {  	s0 =	sld [smem:$0x3F9C];
	_ =	swait.ge [sflag:s4], $0x0  }
0x19: {  	s7 =	sld [smem:$0x3F9D]  }
0x1a: {  	s8 =	sadd.s32 $0xFFFFE003, lr  }
0x1b: {  	s9 =	sadd.s32 $0xFFFFFEF7, lr;
	s5 =	simm.s32 $0xFFFFFFFF;
	p2 =	slt.u32 s8, $0xFFFFF086  }
0x1c: {  	p1 =	slt.u32 s9, $0xF7A;
	s5 =	simm.s32 @!p2 $0x0  }
0x1d: {  	s5 =	simm.s32 @p1 $0x1;
	p0 =	seq.s32 s7, s2  }
0x1e: {  	s7 =	smul.u32 @!p0 $0xF7A, s2;
	p2 =	seq.s32 @!p0 s5, $0x0  }
0x1f: {  	s9 =	smul.u32 $0xF7A, s1;
	s8 =	simm.s32 @!p0 $0x1BF5;
	p2 =	por !p2, p0  }
0x20: {  	[sflag:s8] =	ssyncset.s32 @!p0 $0xFFFFF086;
	s6 =	sadd.s32 @!p0 s3, s7;
	s7 =	simm.s32 @!p0 $0x108  }
0x21: {  	s3 =	sadd.s32 s3, s9;
	s6 =	sadd.s32 @!p0 $0x88, s6;
	s7 =	simm.s32 @p2 $0x1082  }
0x22: {  	[simem:s7], [sflag:s8] =	dma.local @!p0 [hbm:s6], $0xF7A  }
0x23: {  	s9 =	sor.u32 $0xD0000000, s2;
	s6 =	simm.s32 $0x108;
	_ =	swait.ge @!p0 [sflag:s8], $0x0  }
0x24: {  	s3 =	sadd.s32 $0x88, s3;
	s6 =	simm.s32 @!p1 $0x1082;
	[sflag:s4] =	ssyncset.s32 $0xFFFFF086  }
0x25: {  	[simem:s6], [sflag:s4] =	dma.local [hbm:s3], $0xF7A  }
0x26: {  	[smem:$0x3F9D] =	sst s1;
	(tag) =	ssettag s2;
	_ =	strace s9  }
0x27: {  	s1 =	sld [smem:$0x3FAD]  }
0x28: {  	s2 =	sld [smem:$0x3FAE]  }
0x29: {  	s4 =	sld [smem:$0x3FB0]  }
0x2a: {  	p0 =	seq.s32 s5, $0x0;
	s5 =	sld [smem:$0x3FB1]  }
0x2b: {  	s6 =	sld [smem:$0x3FB2]  }
0x2c: {  	s7 =	sld [smem:$0x3FB3]  }
0x2d: {  	s3 =	simm.s32 $0x108;
	s8 =	sld [smem:$0x3FB4]  }
0x2e: {  	s3 =	simm.s32 @!p0 $0x1082;
	s9 =	sld [smem:$0x3FB5]  }
0x2f: {  	lr =	sadd.s32 s0, s3;
	s0 =	sld [smem:$0x3FAC]  }
0x30: {  	s3 =	sld [smem:$0x3FAF]  }
0x31: {  	[smem:$0x3FB8] =	sst s10  }
0x32: {  	s10 =	sld [smem:$0x3FB6];
	_ =	sdelay $0x3  }
0x33: {  	p0 =	seq.s32 s10, $0x1;
	s10 =	sld [smem:$0x3FB8];
	_ =	sdelay $0x3  }
0x34: {  	[smem:$0x3FB8] =	sst s10  }
0x35: {  	s10 =	sld [smem:$0x3FB7];
	_ =	sdelay $0x3  }
0x36: {  	p1 =	seq.s32 s10, $0x1;
	s10 =	sld [smem:$0x3FB8];
	_ =	sdelay $0x3  }
0x37: {  	[smem:$0x3FB8] =	sst s10  }
0x38: {  	s10 =	sld [smem:$0x3FB9]  }
0x39: {  	_ = 	snop;
	(pc) =	sbr.ind lr, $3  }
0x3a: {  	_ = 	snop  }
0x3b: {  	_ = 	snop  }
0x3c: {  	p2 =	seq.s32 s10, $0x1;
	s10 =	sld [smem:$0x3FB8]  }
0x3d: {  	_ =	shalt  }
0x3e: {  	_ =	shalt  }
0x3f: {  	_ =	shalt  }
0x40: {  	_ =	shalt  }
0x41: {  	_ =	shalt  }
0x42: {  	_ =	shalt  }
0x43: {  	_ =	shalt  }
0x44: {  	_ =	shalt  }
0x45: {  	_ =	shalt  }
0x46: {  	_ =	shalt  }
0x47: {  	_ =	shalt  }
0x48: {  	_ =	shalt  }
0x49: {  	_ =	shalt  }
0x4a: {  	_ =	shalt  }
0x4b: {  	_ =	shalt  }
0x4c: {  	_ =	shalt  }
0x4d: {  	_ =	shalt  }
0x4e: {  	_ =	shalt  }
0x4f: {  	_ =	shalt  }
0x50: {  	_ =	shalt  }
0x51: {  	_ =	shalt  }
0x52: {  	_ =	shalt  }
0x53: {  	_ =	shalt  }
0x54: {  	_ =	shalt  }
0x55: {  	_ =	shalt  }
0x56: {  	_ =	shalt  }
0x57: {  	_ =	shalt  }
0x58: {  	_ =	shalt  }
0x59: {  	_ =	shalt  }
0x5a: {  	_ =	shalt  }
0x5b: {  	_ =	shalt  }
0x5c: {  	_ =	shalt  }
0x5d: {  	_ =	shalt  }
0x5e: {  	_ =	shalt  }
0x5f: {  	_ =	shalt  }
0x60: {  	_ =	shalt  }
0x61: {  	_ =	shalt  }
0x62: {  	_ =	shalt  }
0x63: {  	_ =	shalt  }
0x64: {  	_ =	shalt  }
0x65: {  	_ =	shalt  }
0x66: {  	_ =	shalt  }
0x67: {  	_ =	shalt  }
0x68: {  	_ =	shalt  }
0x69: {  	_ =	shalt  }
0x6a: {  	_ =	shalt  }
0x6b: {  	_ =	shalt  }
0x6c: {  	_ =	shalt  }
0x6d: {  	_ =	shalt  }
0x6e: {  	_ =	shalt  }
0x6f: {  	_ =	shalt  }
0x70: {  	_ =	shalt  }
0x71: {  	_ =	shalt  }
0x72: {  	_ =	shalt  }
0x73: {  	_ =	shalt  }
0x74: {  	_ =	shalt  }
0x75: {  	_ =	shalt  }
0x76: {  	_ =	shalt  }
0x77: {  	_ =	shalt  }
0x78: {  	_ =	shalt  }
0x79: {  	_ =	shalt  }
0x7a: {  	_ =	shalt  }
0x7b: {  	_ =	shalt  }
0x7c: {  	_ =	shalt  }
0x7d: {  	_ =	shalt  }
0x7e: {  	_ =	shalt  }
0x7f: {  	_ =	shalt  }
0x80: {  	_ =	shalt  }
0x81: {  	_ =	shalt  }
0x82: {  	_ =	shalt  }
0x83: {  	_ =	shalt  }
0x84: {  	_ =	shalt  }
0x85: {  	_ =	shalt  }
0x86: {  	_ =	shalt  }
0x87: {  	_ =	shalt  }
.Lfunc_end0:
.L_simem_size_0:
called_computation.2_lowered:
.L_overlay_start_0:
0x88: {  	s2 =	sld [smem:$0x3FD9]  }
0x89: {  	s3 =	sld [smem:$0x3FFE];
	_ =	sdelay $0x1  }
0x8a: {  	s1 =	srdreg.scid  }
0x8b: {  	s0 =	sand.u32 $0x1, s1  }
0x8c: {  	s17 =	sshll.u32 s0, $0xA;
	s2 =	sadd.s32 s3, s2  }
0x8d: {  	s2 =	sadd.s32 s2, s17  }
0x8e: {  	[smem:$0x3FC4] =	sst s2  }
0x8f: {  	_ = 	snop  }
0x90: {  	s2 =	sld [smem:$0x3FD0];
	(tm) =	ssettm $0x1  }
0x91: {  	s18 =	sld [smem:$0x3FFB];
	_ =	sdelay $0x3  }
0x92: {  	_ =	strace s18  }
0x93: {  	s3 =	sld [smem:$0x3FFC];
	_ =	sdelay $0x3  }
0x94: {  	_ =	strace s3  }
0x95: {  	s3 =	sld [smem:$0x3FFD];
	_ =	sdelay $0x3  }
0x96: {  	_ =	strace s3  }
0x97: {  	_ =	strace $0x8FFFFFFF  }
0x98: {  	s19 =	sld [smem:$0x3FDB];
	_ =	sdelay $0x1  }
0x99: {  	s4 =	simm.s32 $_scs_section_size  }
0x9a: {  	s5 =	simm.s32 $_size__tile_overlayer_lowered;
	s6 =	simm.s32 $_tile_overlayer_lowered  }
0x9b: {  	s22 =	simm.s32 $0x1BFF;
	s21 =	sshll.u32 s6, $0x1;
	s3 =	sadd.s32 s4, s19  }
0x9c: {  	s7 =	simm.s32 $0x0;
	s20 =	sshll.u32 s5, $0x1;
	s5 =	sadd.s32 s21, s3  }
0x9d: {  	[timem:s7], [sflag:s22] =	dma.local [hbm:s5], s20  }
0x9e: {  	_ =	swait.ge [sflag:s22], s20  }
0x9f: {  	s4 =	ssub.s32 $0x0, s20;
	[sflag:s22] =	ssyncset.done $0x0  }
0xa0: {  	[sflag:s22] =	ssyncadd.s32 s4;
	_ =	sdelay $0x1  }
0xa1: {  	s23 =	simm.s32 $0x1B8B  }
0xa2: {  	_ =	swait.ge [sflag:s23], $0x1  }
0xa3: {  	[sflag:s23] =	ssyncset.done $0x0  }
0xa4: {  	s25 =	simm.s32 $0x1B8E;
	s24 =	sld [smem:$0x3FFE];
	[sflag:s23] =	ssyncadd.s32 $0xFFFFFFFF  }
0xa5: {  	s26 =	simm.s32 $execute0_lowered;
	[smem:$0x3FD2] =	sst s25  }
0xa6: {  	s5 =	sshll.u32 s26, $0x1;
	_ =	strace $0x8000004C;
	[dreg:$0x1] =	wrdreg $0xFFFFFFFF  }
0xa7: {  	s28 =	simm.s32 $_size_execute0_lowered;
	s3 =	sadd.s32 s3, s5;
	[dreg:$0x0] =	wrdreg $0x0  }
0xa8: {  	s5 =	sshll.u32 s28, $0x1;
	[dreg:$0x2] =	wrdreg s3  }
0xa9: {  	[dreg:$0x3] =	wrdreg s5  }
0xaa: {  	[dreg:$0x4] =	wrdreg $0xC0  }
0xab: {  	_ =	task [dreg:s7], $0x5FFFF  }
0xac: {  	[dreg:$0x1] =	wrdreg $0xFFFFFFFF  }
0xad: {  	[dreg:$0x0] =	wrdreg $0x60  }
0xae: {  	[dreg:$0x2] =	wrdreg s24  }
0xaf: {  	[dreg:$0x3] =	wrdreg s2  }
0xb0: {  	[dreg:$0x4] =	wrdreg $0x70000  }
0xb1: {  	[dreg:$0x5] =	wrdreg $0x9  }
0xb2: {  	_ =	task.clear_ibuf [dreg:s7], $0x6FFFF;
	_ =	strace $0x9000004C  }
0xb3: {  	s29 =	simm.s32 $0x9;
	_ =	strace $0x8000004E  }
0xb4: {  	_ =	swait.ge [sflag:s29], $0x1  }
0xb5: {  	[sflag:s29] =	ssyncadd.s32 $0xFFFFFFFF  }
0xb6: {  	_ =	strace $0x9000004E  }
0xb7: {  	_ =	sfence  }
0xb8: {  	s30 =	sld [smem:$0x0];
	_ =	sdelay $0x2  }
0xb9: {  	s31 =	sshll.u32 s1, $0xD;
	s1 =	sshrl.u32 s1, $0x2  }
0xba: {  	s3 =	sand.u32 $0x4000, s31;
	s1 =	sadd.s32 s1, s30  }
0xbb: {  	s0 =	sor.u32 s3, s0;
	s1 =	sshll.u32 s1, $0x11  }
0xbc: {  	s0 =	sor.u32 s1, s0  }
0xbd: {  	s0 =	sadd.s32 $0x8F2B, s0  }
0xbe: {  	[sflag:s0] =	ssyncadd.remote.s32 $0x1  }
0xbf: {  	_ =	sfence.sel $0xFFFF  }
0xc0: {  	[dreg:$0x0] =	wrdreg $0xFFFFFFFF;
	(pc) =	sbr.abs _section_cstart, $3  }
0xc1: {  	[dreg:$0x1] =	wrdreg $0xFFFFFFFF  }
0xc2: {  	_ =	task.clear_ibuf [dreg:s7], $0x2FFFF;
	_ =	strace $0x9FFFFFFF  }
0xc3: {  	(tm) =	ssettm $0x7FFFFFFF  }
tec
execute0_lowered:
.L_overlay_start_1:
0x0: {  	(tag) =	ssettag $0x1  }
0x1: {  	s0 =	rddreg [dreg:$0x0]  }
0x2: {  	s5 =	rddreg [dreg:$0x1]  }
0x3: {  	s2 =	rddreg [dreg:$0x2];
	s8 =	simm.s32 $0x0;
	s1 =	srdreg.scid  }
0x4: {  	s9 =	stileid.u32;
	s31 =	simm.s32 $0x800;
	[smem:$0x7FF] =	sst s8  }
0x5: {  	s1 =	sand.u32 $0x1, s1;
	s6 =	sadd.s32 $0x858600, s0;
	s4 =	smul.u32 $0x62000, s9  }
0x6: {  	s7 =	sadd.s32 $0x847600, s0;
	s0 =	sadd.s32 $0x1600, s0;
	s24 =	smul.u32 $0x8800, s9  }
0x7: {  	s18 =	smul.u32 $0x310, s9;
	_ =	strace $0x8000004D;
	[dreg:$0x6] =	wrdreg s1  }
0x8: {  	s20 =	sshll.u32 s9, $0x6;
	s23 =	sadd.s32 $0x184F00, s5;
	[dreg:$0x7] =	wrdreg s0  }
0x9: {  	s1 =	ssub.s32 $0x2, s1;
	s21 =	sor.u32 $0x1C09, s20;
	[dreg:$0xb] =	wrdreg s23  }
0xa: {  	s3 =	sshrl.u32 s1, $0x1;
	[dreg:$0x8] =	wrdreg s18;
	s19 =	sshrl.u32 s4, $0x2  }
0xb: {  	[dreg:$0xa] =	wrdreg s21;
	s17 =	ssub.s32 s1, s3;
	s4 =	sadd.s32 s19, s2  }
0xc: {  	s22 =	sshrl.u32 s24, $0x3;
	s0 =	smax.u32 s17, $0x1;
	[dreg:$0x9] =	wrdreg s4  }
0xd: {  	s13 =	sadd.s32 s7, s22;
	s25 =	sshrl.u32 s4, $0x3;
	[dreg:$0xc] =	wrdreg s0  }
.Ltmp0:
0xe: {  	s26 =	sadd.s32 $0x10, s13;
	[dreg:$0xd] =	wrdreg s25;
	(pc) =	sbr.rel .LBB2_1-.Ltmp0, $4  }
0xf: {  	s14 =	sadd.s32 $0x16F800, s2;
	s28 =	sadd.s32 $0x20, s13;
	[dreg:$0xe] =	wrdreg s26  }
0x10: {  	p0 =	seq.s32 s9, $0xF;
	s29 =	sadd.s32 $0x30, s13;
	[dreg:$0xf] =	wrdreg s28  }
0x11: {  	s18 =	simm.s32 $0x9;
	s30 =	sadd.s32 $0x40, s13;
	[dreg:$0x10] =	wrdreg s29  }
0x12: {  	v0 =	vlaneseq.u32;
	v1 =	vimm.s32 $0x0;
	v2 =	vimm.s32 $0x3100;
	s22 =	simm.s32 $0x0;
	[dreg:$0x11] =	wrdreg s30;
	s0 =	simm.s32 $0xA00  }
.LBB2_14:
0x13: {  	s8 =	rddreg [dreg:$0x5]  }
0x14: {  	s1 =	rddreg [dreg:$0xc];
	s8 =	sadd.s32 $0x1, s8  }
0x15: {  	p1 =	sne.s32 s8, s1  }
.Ltmp1:
0x16: {  	_ = 	snop;
	(pc) =	sbr.rel @!p1 .LBB2_15-.Ltmp1, $1  }
0x17: {  	_ =	sdelay $0x3  }
.LBB2_1:
.Ltmp2:
0x18: {  	(pc) =	sbr.rel .LBB2_2-.Ltmp2, $2  }
0x19: {  	_ =	sdelay $0x2  }
0x1a: {  	[dreg:$0x5] =	wrdreg s8;
	s3 =	simm.s32 $0x0  }
.LBB2_10:
0x1b: {  	s5 =	sadd.s32 $0xFFFFFFFF, s1  }
0x1c: {  	s8 =	smulhi.u32 $0xAAAAAAAB, s5;
	_ =	sdelay $0x1  }
0x1d: {  	s8 =	sshrl.u32 s8, $0x1  }
0x1e: {  	s8 =	smul.u32 $0x3, s8;
	_ =	sdelay $0x1  }
0x1f: {  	s5 =	ssub.s32 s5, s8  }
0x20: {  	s8 =	sadd.s32 $0x3, s5  }
0x21: {  	s11 =	simm.s32 $0x40;
	s30 =	sshll.u32 s5, $0xD;
	_ =	swait.ge [sflag:s8], $0x2000  }
0x22: {  	s9 =	sshll.u32 s5, $0x7;
	s10 =	sadd.s32 $0x6, s5;
	[sflag:s8] =	ssyncset.done $0x0  }
0x23: {  	s9 =	sor.u32 $0xE00, s9;
	[sflag:s8] =	ssyncadd.s32 $0xFFFFE000;
	s8 =	sor.u32 $0x1000, s30  }
0x24: {  	[spmem:s2] =	stream.indirect.scatter.add.f32 [tilespmem:s8], [sflag:s10], $0x80, s9, s11, $0xb8;
	[tilespmem:$0x1FA00] =	vst v63  }
.LBB2_12:
0x25: {  	s5 =	sadd.s32 $0x6, s5  }
0x26: {  	_ =	swait.ge [sflag:s5], $0x2000  }
0x27: {  	[sflag:s5] =	ssyncset.done $0x0  }
0x28: {  	[sflag:s5] =	ssyncadd.s32 $0xFFFFE000  }
.LBB2_13:
0x29: {  	s5 =	sadd.s32 $0xFFFFFFFE, s1  }
0x2a: {  	p1 =	slt.s32 s5, $0x0  }
0x2b: {  	s1 =	sadd.s32 $0xFFFFFFFD, s1;
	s8 =	smulhi.u32 @!p1 $0xAAAAAAAB, s5  }
0x2c: {  	p2 =	slt.s32 s1, $0x0  }
0x2d: {  	s9 =	smulhi.u32 @!p2 $0xAAAAAAAB, s1;
	s8 =	sshrl.u32 @!p1 s8, $0x1  }
0x2e: {  	s8 =	smul.u32 @!p1 $0x3, s8;
	_ =	sdelay $0x1  }
0x2f: {  	s5 =	ssub.s32 @!p1 s5, s8;
	s8 =	sshrl.u32 @!p2 s9, $0x1  }
0x30: {  	s5 =	sadd.s32 @!p1 $0x6, s5;
	s8 =	smul.u32 @!p2 $0x3, s8  }
0x31: {  	_ =	swait.ge @!p1 [sflag:s5], $0x2000  }
0x32: {  	[sflag:s5] =	ssyncset.done @!p1 $0x0;
	s1 =	ssub.s32 @!p2 s1, s8  }
0x33: {  	[sflag:s5] =	ssyncadd.s32 @!p1 $0xFFFFE000;
	s1 =	sadd.s32 @!p2 $0x6, s1  }
0x34: {  	_ =	swait.ge @!p2 [sflag:s1], $0x2000  }
0x35: {  	[sflag:s1] =	ssyncset.done @!p2 $0x0  }
0x36: {  	p1 =	seq.s32 @p0 s20, $0x7;
	[sflag:s1] =	ssyncadd.s32 @!p2 $0xFFFFE000  }
0x37: {  	p2 =	por !p1, !p0;
	[bflag:$0x0] =	sbarrier.arrive $0xFFFF  }
0x38: {  	s1 =	sshrl.u32 @!p2 s14, $0x3;
	s5 =	simm.s32 @!p2 $0x1FCA;
	s8 =	rddreg [dreg:$0xb]  }
0x39: {  	[hbm:s8], [sflag:s5] =	dma.local @!p2 [spmem:s1], $0x1B00  }
0x3a: {  	s1 =	simm.s32 @!p2 $0xA  }
0x3b: {  	p1 =	por p1, !p0;
	_ =	swait.ge @!p2 [sflag:s1], $0x1B00  }
0x3c: {  	s5 =	smul.u32 @!p1 $0x188000, s20;
	[sflag:s1] =	ssyncset.done @!p2 $0x0  }
0x3d: {  	[sflag:s1] =	ssyncadd.s32 @!p2 $0xFFFFE500  }
0x3e: {  	s5 =	sshrl.u32 @!p1 s5, $0x3;
	s9 =	rddreg [dreg:$0x1]  }
0x3f: {  	s1 =	sadd.s32 @!p1 s9, s5  }
0x40: {  	s8 =	simm.s32 @!p1 $0x1FCA;
	s5 =	sshrl.u32 @!p1 s14, $0x3;
	s1 =	sadd.s32 @!p1 $0x2DF00, s1  }
0x41: {  	[hbm:s1], [sflag:s8] =	dma.local @!p1 [spmem:s5], $0x3100  }
0x42: {  	s1 =	simm.s32 @!p1 $0xA  }
0x43: {  	_ =	swait.ge @!p1 [sflag:s1], $0x3100  }
0x44: {  	s5 =	rddreg [dreg:$0x8]  }
0x45: {  	[sflag:s1] =	ssyncset.done @!p1 $0x0;
	s4 =	sadd.s32 @!p0 s5, s4  }
0x46: {  	[sflag:s1] =	ssyncadd.s32 @!p1 $0xFFFFCF00;
	s1 =	sshll.u32 @!p0 s4, $0x4;
	s4 =	stileid.u32  }
0x47: {  	s3 =	sadd.s32 $0x1, s3;
	s5 =	rddreg [dreg:$0x9];
	s4 =	sshll.u32 @!p0 s4, $0x6  }
0x48: {  	s5 =	sshrl.u32 @!p0 s5, $0x3;
	s1 =	sadd.s32 @!p0 s9, s1;
	s4 =	sor.u32 @!p0 $0x1C0A, s4  }
0x49: {  	[hbm:s1], [sflag:s4] =	dma.local @!p0 [spmem:s5], $0x3100  }
0x4a: {  	p1 =	sne.s32 s3, $0x4;
	s1 =	simm.s32 @!p0 $0xA  }
.Ltmp3:
0x4b: {  	_ =	swait.ge @!p0 [sflag:s1], $0x3100;
	(pc) =	sbr.rel @!p1 .LBB2_14-.Ltmp3, $3  }
0x4c: {  	[sflag:s1] =	ssyncset.done @!p0 $0x0  }
0x4d: {  	[sflag:s1] =	ssyncadd.s32 @!p0 $0xFFFFCF00  }
0x4e: {  	[bflag:$0x0] =	sbarrier.arrive $0xFFFF;
	_ =	sdelay $0x1  }
.LBB2_2:
0x4f: {  	s1 =	rddreg [dreg:$0x7]  }
0x50: {  	s4 =	rddreg [dreg:$0xa]  }
0x51: {  	s5 =	rddreg [dreg:$0xd]  }
0x52: {  	[spmem:s5], [sflag:s4] =	dma.local [hbm:s1], $0x3100  }
0x53: {  	_ =	swait.ge [sflag:s18], $0x3100  }
0x54: {  	[sflag:s18] =	ssyncset.done $0x0  }
0x55: {  	[sflag:s18] =	ssyncadd.s32 $0xFFFFCF00  }
0x56: {  	[bflag:$0x0] =	sbarrier.arrive $0xFFFF  }
0x57: {  	[tilespmem:s22], [sflag:$0x1] =	stream.linear.gather [hbm4b:s13+s22], $0x80, $0x38;
	[tilespmem:$0x1FA00] =	vst v63  }
0x58: {  	s9 =	simm.s32 $0x100;
	s8 =	rddreg [dreg:$0xe]  }
0x59: {  	[tilespmem:s9], [sflag:$0x1] =	stream.linear.gather [hbm4b:s8+s22], $0x80, $0x38;
	[tilespmem:$0x1FA00] =	vst v63  }
0x5a: {  	s11 =	simm.s32 $0x200;
	s15 =	simm.s32 $0x300;
	s10 =	rddreg [dreg:$0xf]  }
0x5b: {  	[tilespmem:s11], [sflag:$0x1] =	stream.linear.gather [hbm4b:s10+s22], $0x80, $0x38;
	[tilespmem:$0x1FA00] =	vst v63  }
0x5c: {  	s17 =	simm.s32 $0x400;
	s19 =	sadd.s32 $0x50, s13;
	s12 =	rddreg [dreg:$0x10]  }
0x5d: {  	[tilespmem:s15], [sflag:$0x1] =	stream.linear.gather [hbm4b:s12+s22], $0x80, $0x38;
	[tilespmem:$0x1FA00] =	vst v63  }
0x5e: {  	s20 =	simm.s32 $0x500;
	s21 =	sadd.s32 $0x60, s13;
	s16 =	rddreg [dreg:$0x11]  }
0x5f: {  	[tilespmem:s17], [sflag:$0x1] =	stream.linear.gather [hbm4b:s16+s22], $0x80, $0x38;
	[tilespmem:$0x1FA00] =	vst v63  }
0x60: {  	s23 =	simm.s32 $0x600;
	s25 =	sshll.u32 s3, $0x1;
	s26 =	rddreg [dreg:$0x6]  }
0x61: {  	[tilespmem:s20], [sflag:$0x1] =	stream.linear.gather [hbm4b:s19+s22], $0x80, $0x38;
	[tilespmem:$0x1FA00] =	vst v63  }
0x62: {  	s28 =	sadd.s32 $0x70, s13;
	s29 =	simm.s32 $0x700;
	s20 =	sor.u32 s26, s25  }
0x63: {  	s5 =	simm.s32 $0x0;
	s1 =	simm.s32 $0x0;
	s4 =	smul.u32 $0x3100, s20  }
0x64: {  	[tilespmem:s23], [sflag:$0x1] =	stream.linear.gather [hbm4b:s21+s22], $0x80, $0x38;
	[tilespmem:$0x1FA00] =	vst v63  }
0x65: {  	s9 =	smov.u32 s24;
	s26 =	simm.s32 $0x0;
	s30 =	sadd.s32 $0x3100, s4  }
0x66: {  	v3 =	vmov s4;
	[tilespmem:s29], [sflag:$0x1] =	stream.linear.gather [hbm4b:s28+s22], $0x80, $0x38;
	v4 =	vmov s30;
	[tilespmem:$0x1FA00] =	vst v63  }
.LBB2_4:
0x67: {  	s8 =	smov.u32 s26  }
0x68: {  	s26 =	sadd.s32 $0x1, s26;
	p1 =	seq.s32 s8, $0x21  }
0x69: {  	s10 =	sshll.u32 @!p1 s26, $0xA  }
0x6a: {  	s11 =	sand.u32 @!p1 $0x1, s26;
	s10 =	sadd.s32 @!p1 s24, s10  }
0x6b: {  	s12 =	sshll.u32 @!p1 s26, $0x7;
	s15 =	simm.s32 @!p1 $0x0;
	s10 =	sshrl.u32 @!p1 s10, $0x3  }
0x6c: {  	s11 =	sadd.s32 @!p1 $0x1, s11;
	s12 =	sand.u32 @!p1 $0x80, s12;
	s10 =	sadd.s32 @!p1 s7, s10  }
0x6d: {  	[tilespmem:s12], [sflag:s11] =	stream.linear.gather @!p1 [hbm4b:s10+s15], $0x80, $0x38;
	[tilespmem:$0x1FA00] =	vst v63  }
0x6e: {  	s17 =	sor.u32 @!p1 $0x100, s12;
	s16 =	sadd.s32 @!p1 $0x10, s10  }
0x6f: {  	[tilespmem:s17], [sflag:s11] =	stream.linear.gather @!p1 [hbm4b:s16+s15], $0x80, $0x38;
	[tilespmem:$0x1FA00] =	vst v63  }
0x70: {  	s16 =	sadd.s32 @!p1 $0x20, s10;
	s17 =	sor.u32 @!p1 $0x200, s12  }
0x71: {  	[tilespmem:s17], [sflag:s11] =	stream.linear.gather @!p1 [hbm4b:s16+s15], $0x80, $0x38;
	[tilespmem:$0x1FA00] =	vst v63  }
0x72: {  	s16 =	sadd.s32 @!p1 $0x30, s10;
	s17 =	sor.u32 @!p1 $0x300, s12  }
0x73: {  	[tilespmem:s17], [sflag:s11] =	stream.linear.gather @!p1 [hbm4b:s16+s15], $0x80, $0x38;
	[tilespmem:$0x1FA00] =	vst v63  }
0x74: {  	s16 =	sadd.s32 @!p1 $0x40, s10;
	s17 =	sor.u32 @!p1 $0x400, s12  }
0x75: {  	[tilespmem:s17], [sflag:s11] =	stream.linear.gather @!p1 [hbm4b:s16+s15], $0x80, $0x38;
	[tilespmem:$0x1FA00] =	vst v63  }
0x76: {  	s16 =	sadd.s32 @!p1 $0x50, s10;
	s17 =	sor.u32 @!p1 $0x500, s12  }
0x77: {  	[tilespmem:s17], [sflag:s11] =	stream.linear.gather @!p1 [hbm4b:s16+s15], $0x80, $0x38;
	[tilespmem:$0x1FA00] =	vst v63  }
0x78: {  	s16 =	sadd.s32 @!p1 $0x60, s10;
	s17 =	sor.u32 @!p1 $0x600, s12;
	s10 =	sadd.s32 @!p1 $0x70, s10  }
0x79: {  	[tilespmem:s17], [sflag:s11] =	stream.linear.gather @!p1 [hbm4b:s16+s15], $0x80, $0x38;
	[tilespmem:$0x1FA00] =	vst v63  }
0x7a: {  	s12 =	sor.u32 @!p1 $0x700, s12;
	s16 =	sand.u32 $0x1, s8;
	s8 =	sshll.u32 s8, $0x7  }
0x7b: {  	[tilespmem:s12], [sflag:s11] =	stream.linear.gather @!p1 [hbm4b:s10+s15], $0x80, $0x38;
	[tilespmem:$0x1FA00] =	vst v63  }
0x7c: {  	s8 =	sand.u32 $0x80, s8;
	s10 =	sadd.s32 $0x1, s16  }
0x7d: {  	_ =	swait.ge [sflag:s10], $0x400;
	[dreg:$0x4] =	wrdreg s8  }
0x7e: {  	s17 =	sand.u32 $0x700, s22;
	s8 =	rddreg [dreg:$0x4]  }
0x7f: {  	s19 =	sand.u32 $0x70, s22;
	[sflag:s10] =	ssyncset.done $0x0;
	s8 =	sor.u32 s17, s8  }
0x80: {  	[sflag:s10] =	ssyncadd.s32 $0xFFFFFC00;
	s8 =	sadd.s32 s19, s8  }
0x81: {  	v5 =	vld [tilespmem:s8+$0x0];
	_ =	sdelay $0x4  }
0x82: {  	vm0 =	vge.s32 v5, v3;
	vm1 =	vlt.s32 v5, v4  }
0x83: {  	vm0 =	vmand vm0, vm1  }
0x84: {  	v6 =	vmpcnt.ones.xlane vm0;
	_ =	sdelay $0x1  }
0x85: {  	(v2sf) =	vpush v6, $0x0;
	_ =	sdelay $0xe  }
0x86: {  	s21 =	spop (v2sf)  }
0x87: {  	p2 =	slt.s32 s21, $0x1  }
0x88: {  	v6 =	vimm.s32 @!p2 $0x0  }
0x89: {  	v6 =	vsel @!p2 vm0, $0x1, v6  }
0x8a: {  	(xrf0) =	vadd.scan.msk.s32 @!p2 $0xffff, v6;
	_ =	sdelay $0x1  }
0x8b: {  	s23 =	sshll.u32 s5, $0x6;
	s29 =	sadd.s32 s1, s21  }
0x8c: {  	s25 =	ssub.s32 s29, s23;
	v6 =	vmov @!p2 s1  }
0x8d: {  	p1 =	slt.s32 s25, $0x40;
	v6 =	vadd.s32 @!p2 $0x1FF, v6  }
0x8e: {  	s8 =	smulhi.u32 @!p1 $0x55555556, s5;
	s10 =	sshra.s32 @!p1 s5, $0x1F;
	v6 =	vbroadcast @!p2 v6, $0x0  }
0x8f: {  	s11 =	smul.u32 @!p1 $0x55555556, s10;
	v7, _, _ =	vpop @!p2 (xrf0)  }
0x90: {  	v6 =	vadd.s32 @!p2 v7, v6  }
0x91: {  	s8 =	sadd.s32 @!p1 s11, s8;
	v6 =	vand.u32 @!p2 $0x1FF, v6  }
0x92: {  	s11 =	sshrl.u32 @!p1 s8, $0x1F  }
0x93: {  	s8 =	sadd.s32 @!p1 s11, s8  }
0x94: {  	s11 =	sadd.s32 @!p2 $0x0, s9;
	s8 =	smul.u32 @!p1 $0x3, s8;
	v7 =	vlaneseq.u32 @!p2  }
0x95: {  	s12 =	simm.s32 @!p2 $0xA00;
	p3 =	slt.s32 @!p1 s5, $0x3;
	v7 =	vor.u32 @!p2 s11, v7;
	s11 =	simm.s32 @!p2 $0x800  }
0x96: {  	v5 =	vsub.s32 @!p2 v5, v3;
	s10 =	sshrl.u32 @!p1 s10, $0x1D;
	p3 =	por p3, p1;
	s8 =	ssub.s32 @!p1 s5, s8;
	[tilespmem:v6+s11+$0x0] =	vst.idx.msk @!p2 vm0, v7  }
0x97: {  	s10 =	sadd.s32 @!p1 s10, s5;
	s11 =	sadd.s32 @!p3 $0x6, s8;
	[tilespmem:v6+s12+$0x0] =	vst.idx.msk @!p2 vm0, v5  }
0x98: {  	s10 =	sand.u32 @!p1 $0x3FFFFF8, s10;
	_ =	swait.ge @!p3 [sflag:s11], $0x2000  }
0x99: {  	s10 =	ssub.s32 @!p1 s5, s10;
	[sflag:s11] =	ssyncset.done @!p3 $0x0  }
0x9a: {  	s10 =	sshll.u32 @!p1 s10, $0x6;
	[sflag:s11] =	ssyncadd.s32 @!p3 $0xFFFFE000  }
0x9b: {  	v5 =	vld @!p1 [tilespmem:s10+$0x800];
	_ =	sdelay $0x3  }
0x9c: {  	s11 =	sshll.u32 @!p1 s8, $0x7  }
0x9d: {  	[tilespmem:s11+$0xC00] =	vst @!p1 v5  }
0x9e: {  	v5 =	vld @!p1 [tilespmem:s10+$0xA00];
	_ =	sdelay $0x4  }
0x9f: {  	[tilespmem:s11+$0xE00] =	vst @!p1 v5  }
0xa0: {  	v5 =	vld @!p1 [tilespmem:s10+$0x810];
	_ =	sdelay $0x4  }
0xa1: {  	[tilespmem:s11+$0xC10] =	vst @!p1 v5  }
0xa2: {  	v5 =	vld @!p1 [tilespmem:s10+$0xA10];
	_ =	sdelay $0x4  }
0xa3: {  	[tilespmem:s11+$0xE10] =	vst @!p1 v5  }
0xa4: {  	v5 =	vld @!p1 [tilespmem:s10+$0x820];
	_ =	sdelay $0x4  }
0xa5: {  	[tilespmem:s11+$0xC20] =	vst @!p1 v5  }
0xa6: {  	v5 =	vld @!p1 [tilespmem:s10+$0xA20];
	_ =	sdelay $0x4  }
0xa7: {  	[tilespmem:s11+$0xE20] =	vst @!p1 v5  }
0xa8: {  	v5 =	vld @!p1 [tilespmem:s10+$0x830]  }
0xa9: {  	p2 =	slt.s32 @!p1 s5, $0x1  }
0xaa: {  	p3 =	por p2, p1  }
0xab: {  	s12 =	sadd.s32 @!p3 $0xFFFFFFFF, s5  }
0xac: {  	s15 =	simm.s32 $0x1;
	s17 =	smulhi.u32 @!p3 $0xAAAAAAAB, s12  }
0xad: {  	s16 =	simm.s32 $0x10;
	s1 =	simm.s32 $0x20;
	p2 =	sgt.s32 s25, $0x3F;
	[tilespmem:s11+$0xC30] =	vst @!p1 v5  }
0xae: {  	s21 =	simm.s32 @!p1 $0x40;
	s15 =	simm.s32 @!p2 $0x0;
	v5 =	vld @!p1 [tilespmem:s10+$0xA30];
	s10 =	sshrl.u32 @!p3 s17, $0x1  }
0xaf: {  	s28 =	sadd.s32 s15, s5;
	s5 =	sshll.u32 @!p1 s8, $0xF;
	s10 =	smul.u32 @!p3 $0x3, s10  }
0xb0: {  	s19 =	sadd.s32 @!p1 $0x3, s8;
	s30 =	sadd.s32 @!p1 $0xC00, s11;
	s5 =	sshra.s32 @!p1 s5, $0x2  }
0xb1: {  	s8 =	simm.s32 $0x20;
	s5 =	sor.u32 @!p1 $0x1000, s5;
	s23 =	ssub.s32 @!p3 s12, s10  }
0xb2: {  	s17 =	simm.s32 @!p3 $0x40;
	s10 =	sshll.u32 @!p3 s23, $0xD;
	s12 =	sshll.u32 @!p3 s23, $0x7  }
0xb3: {  	s15 =	sadd.s32 @!p3 $0x3, s23;
	[tilespmem:s11+$0xE30] =	vst @!p1 v5;
	s11 =	sor.u32 @!p3 $0x1000, s10;
	s12 =	sor.u32 @!p3 $0xE00, s12  }
0xb4: {  	[tilespmem:s5], [sflag:s19] =	stream.indirect.gather @!p1 [hbm4b:s6+s21], $0x80, s30, s21, $0xb8;
	[tilespmem:$0x1FA00] =	vst v63  }
0xb5: {  	s19 =	sadd.s32 @!p3 $0x6, s23;
	s5 =	smov.u32 s29;
	_ =	swait.ge @!p3 [sflag:s15], $0x2000  }
0xb6: {  	s30 =	smov.u32 s28;
	s10 =	rddreg [dreg:$0x4];
	[sflag:s15] =	ssyncset.done @!p3 $0x0  }
.LBB2_5:
0xb7: {  	s21 =	sand.u32 $0x700, s8;
	[sflag:s15] =	ssyncadd.s32 @!p3 $0xFFFFE000  }
0xb8: {  	[spmem:s2] =	stream.indirect.scatter.add.f32 @!p3 [tilespmem:s11], [sflag:s19], $0x80, s12, s17, $0xb8;
	[tilespmem:$0x1FA00] =	vst v63  }
0xb9: {  	s19 =	sand.u32 $0x70, s16;
	s10 =	sor.u32 s21, s10  }
0xba: {  	s10 =	sadd.s32 s19, s10  }
0xbb: {  	v5 =	vld [tilespmem:s10+$0x0];
	_ =	sdelay $0x4  }
0xbc: {  	vm0 =	vge.s32 v5, v3;
	vm1 =	vlt.s32 v5, v4  }
0xbd: {  	vm0 =	vmand vm0, vm1  }
0xbe: {  	v6 =	vmpcnt.ones.xlane vm0;
	_ =	sdelay $0x1  }
0xbf: {  	(v2sf) =	vpush v6, $0x0;
	_ =	sdelay $0xe  }
0xc0: {  	s23 =	spop (v2sf)  }
0xc1: {  	p4 =	slt.s32 s23, $0x1  }
0xc2: {  	v7 =	vimm.s32 @!p4 $0x0  }
0xc3: {  	v7 =	vsel @!p4 vm0, $0x1, v7  }
0xc4: {  	(xrf0) =	vadd.scan.msk.s32 @!p4 $0xffff, v7  }
0xc5: {  	s25 =	smov.u32 s1;
	s29 =	sadd.s32 s29, s23  }
0xc6: {  	s10 =	sadd.s32 @!p4 s16, s9;
	v6 =	vlaneseq.u32 @!p4;
	s16 =	smov.u32 s25;
	s25 =	sshll.u32 s28, $0x6  }
0xc7: {  	v8 =	vmov @!p4 s5;
	v6 =	vor.u32 @!p4 s10, v6;
	s10 =	ssub.s32 s29, s25  }
0xc8: {  	v8 =	vadd.s32 @!p4 $0x1FF, v8;
	p2 =	slt.s32 s10, $0x40  }
0xc9: {  	v8 =	vbroadcast @!p4 v8, $0x0;
	p6 =	sgt.s32 s10, $0x3F;
	s10 =	smulhi.u32 @!p2 $0x55555556, s28;
	s11 =	sshra.s32 @!p2 s28, $0x1F  }
0xca: {  	s12 =	smul.u32 @!p2 $0x55555556, s11;
	v7, _, _ =	vpop @!p4 (xrf0)  }
0xcb: {  	v7 =	vadd.s32 @!p4 v7, v8  }
0xcc: {  	s15 =	simm.s32 $0x1;
	s10 =	sadd.s32 @!p2 s12, s10;
	v7 =	vand.u32 @!p4 $0x1FF, v7  }
0xcd: {  	p5 =	slt.s32 @!p2 s28, $0x3;
	s11 =	sshrl.u32 @!p2 s11, $0x1D;
	s12 =	sshrl.u32 @!p2 s10, $0x1F  }
0xce: {  	p3 =	slt.s32 @!p2 s28, $0x1;
	s11 =	sadd.s32 @!p2 s11, s28;
	s10 =	sadd.s32 @!p2 s12, s10  }
0xcf: {  	s15 =	simm.s32 @!p6 $0x0;
	s11 =	sand.u32 @!p2 $0x3FFFFF8, s11;
	s10 =	smul.u32 @!p2 $0x3, s10  }
0xd0: {  	s28 =	sadd.s32 s15, s28;
	s15 =	ssub.s32 @!p2 s30, s11;
	s11 =	simm.s32 @!p4 $0x800  }
0xd1: {  	v5 =	vsub.s32 @!p4 v5, v3;
	p5 =	por p5, p2;
	s12 =	simm.s32 @!p4 $0xA00;
	s19 =	ssub.s32 @!p2 s30, s10;
	[tilespmem:v7+s11+$0x0] =	vst.idx.msk @!p4 vm0, v6  }
0xd2: {  	s21 =	sadd.s32 @!p5 $0x6, s19;
	[tilespmem:v7+s12+$0x0] =	vst.idx.msk @!p4 vm0, v5  }
0xd3: {  	_ =	swait.ge @!p5 [sflag:s21], $0x2000  }
0xd4: {  	[sflag:s21] =	ssyncset.done @!p5 $0x0  }
0xd5: {  	s17 =	sshll.u32 @!p2 s15, $0x6;
	[sflag:s21] =	ssyncadd.s32 @!p5 $0xFFFFE000  }
0xd6: {  	v5 =	vld @!p2 [tilespmem:s17+$0x800];
	_ =	sdelay $0x3  }
0xd7: {  	s15 =	sshll.u32 @!p2 s19, $0x7  }
0xd8: {  	[tilespmem:s15+$0xC00] =	vst @!p2 v5  }
0xd9: {  	v5 =	vld @!p2 [tilespmem:s17+$0xA00];
	_ =	sdelay $0x4  }
0xda: {  	[tilespmem:s15+$0xE00] =	vst @!p2 v5  }
0xdb: {  	v5 =	vld @!p2 [tilespmem:s17+$0x810];
	_ =	sdelay $0x4  }
0xdc: {  	[tilespmem:s15+$0xC10] =	vst @!p2 v5  }
0xdd: {  	v5 =	vld @!p2 [tilespmem:s17+$0xA10];
	_ =	sdelay $0x4  }
0xde: {  	[tilespmem:s15+$0xE10] =	vst @!p2 v5  }
0xdf: {  	v5 =	vld @!p2 [tilespmem:s17+$0x820];
	_ =	sdelay $0x4  }
0xe0: {  	[tilespmem:s15+$0xC20] =	vst @!p2 v5  }
0xe1: {  	v5 =	vld @!p2 [tilespmem:s17+$0xA20];
	_ =	sdelay $0x4  }
0xe2: {  	[tilespmem:s15+$0xE20] =	vst @!p2 v5  }
0xe3: {  	v5 =	vld @!p2 [tilespmem:s17+$0x830];
	_ =	sdelay $0x2  }
0xe4: {  	p3 =	por p3, p2  }
0xe5: {  	s10 =	sadd.s32 @!p2 $0x3, s19;
	s11 =	sshll.u32 @!p2 s19, $0xF;
	s19 =	sadd.s32 @!p3 $0xFFFFFFFF, s30  }
0xe6: {  	s21 =	smulhi.u32 @!p3 $0xAAAAAAAB, s19;
	[tilespmem:s15+$0xC30] =	vst @!p2 v5  }
0xe7: {  	s1 =	sadd.s32 $0x10, s1;
	s8 =	sadd.s32 $0x20, s8;
	v5 =	vld @!p2 [tilespmem:s17+$0xA30]  }
0xe8: {  	p1 =	seq.s32 s1, $0x400;
	s5 =	smov.u32 s29;
	s17 =	sshrl.u32 @!p3 s21, $0x1  }
0xe9: {  	s30 =	smov.u32 s28;
	s11 =	sshra.s32 @!p2 s11, $0x2;
	s17 =	smul.u32 @!p3 $0x3, s17  }
0xea: {  	s12 =	sadd.s32 @!p2 $0xC00, s15;
	s11 =	sor.u32 @!p2 $0x1000, s11;
	s21 =	simm.s32 @!p2 $0x40  }
.Ltmp4:
0xeb: {  	s19 =	ssub.s32 @!p3 s19, s17;
	s17 =	simm.s32 @!p3 $0x40;
	(pc) =	sbr.rel @!p1 .LBB2_5-.Ltmp4, $4  }
0xec: {  	s23 =	sshll.u32 @!p3 s19, $0xD;
	s25 =	sshll.u32 @!p3 s19, $0x7;
	[tilespmem:s15+$0xE30] =	vst @!p2 v5;
	s15 =	sadd.s32 @!p3 $0x3, s19  }
0xed: {  	[tilespmem:s11], [sflag:s10] =	stream.indirect.gather @!p2 [hbm4b:s6+s21], $0x80, s12, s21, $0xb8;
	[tilespmem:$0x1FA00] =	vst v63  }
0xee: {  	s19 =	sadd.s32 @!p3 $0x6, s19;
	s11 =	sor.u32 @!p3 $0x1000, s23;
	_ =	swait.ge @!p3 [sflag:s15], $0x2000  }
0xef: {  	s12 =	sor.u32 @!p3 $0xE00, s25;
	s10 =	rddreg [dreg:$0x4];
	[sflag:s15] =	ssyncset.done @!p3 $0x0  }
0xf0: {  	s1 =	sand.u32 $0x700, s8;
	[sflag:s15] =	ssyncadd.s32 @!p3 $0xFFFFE000  }
0xf1: {  	[spmem:s2] =	stream.indirect.scatter.add.f32 @!p3 [tilespmem:s11], [sflag:s19], $0x80, s12, s17, $0xb8;
	[tilespmem:$0x1FA00] =	vst v63  }
0xf2: {  	s21 =	sand.u32 $0x70, s16;
	s1 =	sor.u32 s1, s10  }
0xf3: {  	s1 =	sadd.s32 s21, s1  }
0xf4: {  	v5 =	vld [tilespmem:s1+$0x0];
	_ =	sdelay $0x4  }
0xf5: {  	vm0 =	vge.s32 v5, v3;
	vm1 =	vlt.s32 v5, v4  }
0xf6: {  	vm0 =	vmand vm0, vm1  }
0xf7: {  	v6 =	vmpcnt.ones.xlane vm0;
	_ =	sdelay $0x1  }
0xf8: {  	(v2sf) =	vpush v6, $0x0;
	_ =	sdelay $0xe  }
0xf9: {  	s23 =	spop (v2sf)  }
0xfa: {  	p2 =	slt.s32 s23, $0x1  }
0xfb: {  	v6 =	vimm.s32 @!p2 $0x0  }
0xfc: {  	v6 =	vsel @!p2 vm0, $0x1, v6  }
0xfd: {  	(xrf0) =	vadd.scan.msk.s32 @!p2 $0xffff, v6;
	_ =	sdelay $0x1  }
0xfe: {  	s25 =	sshll.u32 s28, $0x6;
	s1 =	sadd.s32 s29, s23  }
0xff: {  	s29 =	ssub.s32 s1, s25;
	v6 =	vmov @!p2 s5  }
0x100: {  	p1 =	slt.s32 s29, $0x40;
	v6 =	vadd.s32 @!p2 $0x1FF, v6  }
0x101: {  	s8 =	smulhi.u32 @!p1 $0x55555556, s28;
	s10 =	sshra.s32 @!p1 s28, $0x1F;
	v6 =	vbroadcast @!p2 v6, $0x0  }
0x102: {  	s11 =	smul.u32 @!p1 $0x55555556, s10;
	v7, _, _ =	vpop @!p2 (xrf0)  }
0x103: {  	v6 =	vadd.s32 @!p2 v7, v6  }
0x104: {  	s8 =	sadd.s32 @!p1 s11, s8;
	v6 =	vand.u32 @!p2 $0x1FF, v6  }
0x105: {  	s11 =	sshrl.u32 @!p1 s8, $0x1F  }
0x106: {  	s8 =	sadd.s32 @!p1 s11, s8  }
0x107: {  	s11 =	sadd.s32 @!p2 s16, s9;
	s8 =	smul.u32 @!p1 $0x3, s8;
	v7 =	vlaneseq.u32 @!p2  }
0x108: {  	s12 =	simm.s32 @!p2 $0xA00;
	p3 =	slt.s32 @!p1 s28, $0x3;
	v7 =	vor.u32 @!p2 s11, v7;
	s11 =	simm.s32 @!p2 $0x800  }
0x109: {  	v5 =	vsub.s32 @!p2 v5, v3;
	s10 =	sshrl.u32 @!p1 s10, $0x1D;
	p3 =	por p3, p1;
	s8 =	ssub.s32 @!p1 s30, s8;
	[tilespmem:v6+s11+$0x0] =	vst.idx.msk @!p2 vm0, v7  }
0x10a: {  	s10 =	sadd.s32 @!p1 s10, s28;
	s11 =	sadd.s32 @!p3 $0x6, s8;
	[tilespmem:v6+s12+$0x0] =	vst.idx.msk @!p2 vm0, v5  }
0x10b: {  	s10 =	sand.u32 @!p1 $0x3FFFFF8, s10;
	_ =	swait.ge @!p3 [sflag:s11], $0x2000  }
0x10c: {  	s10 =	ssub.s32 @!p1 s30, s10;
	[sflag:s11] =	ssyncset.done @!p3 $0x0  }
0x10d: {  	s10 =	sshll.u32 @!p1 s10, $0x6;
	[sflag:s11] =	ssyncadd.s32 @!p3 $0xFFFFE000  }
0x10e: {  	v5 =	vld @!p1 [tilespmem:s10+$0x800];
	_ =	sdelay $0x3  }
0x10f: {  	s11 =	sshll.u32 @!p1 s8, $0x7  }
0x110: {  	[tilespmem:s11+$0xC00] =	vst @!p1 v5  }
0x111: {  	v5 =	vld @!p1 [tilespmem:s10+$0xA00];
	_ =	sdelay $0x4  }
0x112: {  	[tilespmem:s11+$0xE00] =	vst @!p1 v5  }
0x113: {  	v5 =	vld @!p1 [tilespmem:s10+$0x810];
	_ =	sdelay $0x4  }
0x114: {  	[tilespmem:s11+$0xC10] =	vst @!p1 v5  }
0x115: {  	v5 =	vld @!p1 [tilespmem:s10+$0xA10];
	_ =	sdelay $0x4  }
0x116: {  	[tilespmem:s11+$0xE10] =	vst @!p1 v5  }
0x117: {  	v5 =	vld @!p1 [tilespmem:s10+$0x820];
	_ =	sdelay $0x4  }
0x118: {  	[tilespmem:s11+$0xC20] =	vst @!p1 v5  }
0x119: {  	v5 =	vld @!p1 [tilespmem:s10+$0xA20];
	_ =	sdelay $0x4  }
0x11a: {  	[tilespmem:s11+$0xE20] =	vst @!p1 v5  }
0x11b: {  	v5 =	vld @!p1 [tilespmem:s10+$0x830];
	_ =	sdelay $0x1  }
0x11c: {  	p2 =	slt.s32 @!p1 s28, $0x1  }
0x11d: {  	p2 =	por p2, p1  }
0x11e: {  	s12 =	sadd.s32 @!p2 $0xFFFFFFFF, s30  }
0x11f: {  	s15 =	smulhi.u32 @!p2 $0xAAAAAAAB, s12;
	[tilespmem:s11+$0xC30] =	vst @!p1 v5  }
0x120: {  	v5 =	vld @!p1 [tilespmem:s10+$0xA30]  }
0x121: {  	s5 =	simm.s32 $0x1;
	p3 =	sgt.s32 s29, $0x3F;
	s10 =	sshrl.u32 @!p2 s15, $0x1  }
0x122: {  	s5 =	simm.s32 @!p3 $0x0;
	s10 =	smul.u32 @!p2 $0x3, s10  }
0x123: {  	s16 =	simm.s32 @!p1 $0x40;
	s5 =	sadd.s32 s5, s28;
	s15 =	sshll.u32 @!p1 s8, $0xF  }
0x124: {  	s8 =	sadd.s32 @!p1 $0x3, s8;
	s15 =	sshra.s32 @!p1 s15, $0x2;
	s10 =	ssub.s32 @!p2 s12, s10  }
0x125: {  	s15 =	sor.u32 @!p1 $0x1000, s15;
	s12 =	sadd.s32 @!p1 $0xC00, s11;
	[tilespmem:s11+$0xE30] =	vst @!p1 v5;
	s11 =	sadd.s32 @!p2 $0x3, s10  }
0x126: {  	[tilespmem:s15], [sflag:s8] =	stream.indirect.gather @!p1 [hbm4b:s6+s16], $0x80, s12, s16, $0xb8;
	[tilespmem:$0x1FA00] =	vst v63  }
0x127: {  	s8 =	simm.s32 @!p2 $0x40;
	s12 =	sshll.u32 @!p2 s10, $0xD;
	_ =	swait.ge @!p2 [sflag:s11], $0x2000  }
0x128: {  	s15 =	sshll.u32 @!p2 s10, $0x7;
	s10 =	sadd.s32 @!p2 $0x6, s10;
	[sflag:s11] =	ssyncset.done @!p2 $0x0  }
0x129: {  	s12 =	sor.u32 @!p2 $0x1000, s12;
	s15 =	sor.u32 @!p2 $0xE00, s15;
	[sflag:s11] =	ssyncadd.s32 @!p2 $0xFFFFE000  }
0x12a: {  	[spmem:s2] =	stream.indirect.scatter.add.f32 @!p2 [tilespmem:s12], [sflag:s10], $0x80, s15, s8, $0xb8;
	[tilespmem:$0x1FA00] =	vst v63  }
0x12b: {  	p1 =	seq.s32 s26, $0x22  }
.Ltmp5:
0x12c: {  	_ = 	snop;
	(pc) =	sbr.rel @!p1 .LBB2_4-.Ltmp5, $2  }
0x12d: {  	_ =	sdelay $0x2  }
0x12e: {  	s9 =	sadd.s32 $0x400, s9  }
0x12f: {  	s8 =	sshll.u32 s5, $0x6  }
0x130: {  	s8 =	ssub.s32 s1, s8  }
0x131: {  	p1 =	slt.s32 s8, $0x1  }
.Ltmp6:
0x132: {  	_ = 	snop;
	(pc) =	sbr.rel @p1 .LBB2_9-.Ltmp6, $1  }
0x133: {  	_ =	sdelay $0x3  }
0x134: {  	v3 =	vadd.s32 s1, v0  }
0x135: {  	s9 =	sadd.s32 $0x10, s1;
	v3 =	vand.u32 $0x1FF, v3  }
0x136: {  	v4 =	vadd.s32 s9, v0  }
0x137: {  	s19 =	sadd.s32 $0x20, s1;
	v4 =	vand.u32 $0x1FF, v4  }
0x138: {  	s21 =	smulhi.u32 $0x55555556, s5;
	s10 =	sshra.s32 s5, $0x1F;
	v5 =	vadd.s32 s19, v0  }
0x139: {  	s23 =	sadd.s32 $0x30, s1;
	s11 =	smul.u32 $0x55555556, s10;
	v5 =	vand.u32 $0x1FF, v5  }
0x13a: {  	v6 =	vadd.s32 s23, v0;
	[tilespmem:v3+s31+$0x0] =	vst.idx.msk $0xffff, v1  }
0x13b: {  	s25 =	sadd.s32 s11, s21;
	[tilespmem:v3+s0+$0x0] =	vst.idx.msk $0xffff, v2;
	v3 =	vand.u32 $0x1FF, v6  }
0x13c: {  	s9 =	sshrl.u32 s25, $0x1F;
	[tilespmem:v4+s31+$0x0] =	vst.idx.msk $0xffff, v1  }
0x13d: {  	s1 =	sadd.s32 s9, s25;
	[tilespmem:v4+s0+$0x0] =	vst.idx.msk $0xffff, v2  }
0x13e: {  	s1 =	smul.u32 $0x3, s1;
	[tilespmem:v5+s31+$0x0] =	vst.idx.msk $0xffff, v1  }
0x13f: {  	[tilespmem:v5+s0+$0x0] =	vst.idx.msk $0xffff, v2  }
0x140: {  	p1 =	slt.s32 s5, $0x3;
	s26 =	sshrl.u32 s10, $0x1D;
	s1 =	ssub.s32 s5, s1;
	[tilespmem:v3+s31+$0x0] =	vst.idx.msk $0xffff, v1  }
0x141: {  	s9 =	sadd.s32 s26, s5;
	s10 =	sadd.s32 @!p1 $0x6, s1;
	[tilespmem:v3+s0+$0x0] =	vst.idx.msk $0xffff, v2  }
0x142: {  	s9 =	sand.u32 $0x3FFFFF8, s9;
	_ =	swait.ge @!p1 [sflag:s10], $0x2000  }
0x143: {  	s9 =	ssub.s32 s5, s9;
	[sflag:s10] =	ssyncset.done @!p1 $0x0  }
0x144: {  	s9 =	sshll.u32 s9, $0x6;
	[sflag:s10] =	ssyncadd.s32 @!p1 $0xFFFFE000  }
0x145: {  	v3 =	vld [tilespmem:s9+$0x800];
	_ =	sdelay $0x3  }
0x146: {  	s28 =	sshll.u32 s1, $0x7  }
0x147: {  	[tilespmem:s28+$0xC00] =	vst v3  }
0x148: {  	v3 =	vld [tilespmem:s9+$0xA00];
	_ =	sdelay $0x4  }
0x149: {  	[tilespmem:s28+$0xE00] =	vst v3  }
0x14a: {  	v3 =	vld [tilespmem:s9+$0x810];
	_ =	sdelay $0x4  }
0x14b: {  	[tilespmem:s28+$0xC10] =	vst v3  }
0x14c: {  	v3 =	vld [tilespmem:s9+$0xA10];
	_ =	sdelay $0x4  }
0x14d: {  	[tilespmem:s28+$0xE10] =	vst v3  }
0x14e: {  	v3 =	vld [tilespmem:s9+$0x820];
	_ =	sdelay $0x4  }
0x14f: {  	[tilespmem:s28+$0xC20] =	vst v3  }
0x150: {  	v3 =	vld [tilespmem:s9+$0xA20];
	_ =	sdelay $0x4  }
0x151: {  	[tilespmem:s28+$0xE20] =	vst v3  }
0x152: {  	v3 =	vld [tilespmem:s9+$0x830];
	_ =	sdelay $0x4  }
0x153: {  	[tilespmem:s28+$0xC30] =	vst v3  }
0x154: {  	p1 =	slt.s32 s5, $0x1;
	v3 =	vld [tilespmem:s9+$0xA30]  }
0x155: {  	s9 =	sadd.s32 @!p1 $0xFFFFFFFF, s5  }
0x156: {  	s11 =	smulhi.u32 @!p1 $0xAAAAAAAB, s9  }
0x157: {  	s30 =	simm.s32 $0x40;
	s12 =	sshll.u32 s1, $0xF  }
0x158: {  	s1 =	sadd.s32 $0x3, s1;
	s12 =	sshra.s32 s12, $0x2;
	s11 =	sshrl.u32 @!p1 s11, $0x1  }
0x159: {  	s15 =	sadd.s32 $0xC00, s28;
	s29 =	sor.u32 $0x1000, s12;
	s11 =	smul.u32 @!p1 $0x3, s11;
	[tilespmem:s28+$0xE30] =	vst v3  }
0x15a: {  	[tilespmem:s29], [sflag:s1] =	stream.indirect.gather [hbm4b:s6+s30], $0x80, s15, s30, $0xb8;
	[tilespmem:$0x1FA00] =	vst v63  }
0x15b: {  	s1 =	ssub.s32 @!p1 s9, s11  }
0x15c: {  	s9 =	sadd.s32 @!p1 $0x3, s1  }
0x15d: {  	_ =	swait.ge @!p1 [sflag:s9], $0x2000  }
0x15e: {  	s10 =	sshll.u32 @!p1 s1, $0xD;
	[sflag:s9] =	ssyncset.done @!p1 $0x0  }
0x15f: {  	[sflag:s9] =	ssyncadd.s32 @!p1 $0xFFFFE000;
	s9 =	sor.u32 @!p1 $0x1000, s10;
	s10 =	sshll.u32 @!p1 s1, $0x7  }
0x160: {  	s11 =	simm.s32 @!p1 $0x40;
	s1 =	sadd.s32 @!p1 $0x6, s1;
	s10 =	sor.u32 @!p1 $0xE00, s10  }
0x161: {  	[spmem:s2] =	stream.indirect.scatter.add.f32 @!p1 [tilespmem:s9], [sflag:s1], $0x80, s10, s11, $0xb8;
	[tilespmem:$0x1FA00] =	vst v63  }
.LBB2_9:
0x162: {  	p1 =	sgt.s32 s8, $0x0;
	s1 =	simm.s32 $0x1  }
0x163: {  	s1 =	simm.s32 @!p1 $0x0  }
0x164: {  	s1 =	sadd.s32 s1, s5  }
0x165: {  	p1 =	slt.s32 s1, $0x1  }
.Ltmp7:
0x166: {  	_ = 	snop;
	(pc) =	sbr.rel @!p1 .LBB2_10-.Ltmp7, $1  }
0x167: {  	_ =	sdelay $0x3  }
0x168: {  	p1 =	sne.s32 s1, $0x80000000  }
.Ltmp8:
0x169: {  	_ = 	snop;
	(pc) =	sbr.rel @p1 .LBB2_13-.Ltmp8, $4  }
.Ltmp9:
0x16a: {  	_ = 	snop;
	(pc) =	sbr.rel @!p1 .LBB2_12-.Ltmp9, $4  }
0x16b: {  	_ = 	snop  }
0x16c: {  	_ = 	snop  }
0x16d: {  	s5 =	simm.s32 $0x1  }
0x16e: {  	_ = 	snop  }
.LBB2_15:
0x16f: {  	_ =	sfence.sel $0x180000  }
0x170: {  	[bflag:$0x0] =	sbarrier.arrive $0xFFFF  }
0x171: {  	_ =	strace $0x9000004D  }
0x172: {  	s0 =	stileid.u32;
	[bflag:$0x2] =	sbarrier.arrive $0xFFFF  }
0x173: {  	p0 =	sne.s32 s0, $0x0;
	s0 =	rddreg [dreg:$0x3]  }
0x174: {  	s0 =	sadd.s32 @!p0 $0x100000, s0  }
0x175: {  	[sflag:s0] =	ssyncadd.tile.s32 @!p0 $0x1;
	_ =	shalt  }
.Lfunc_end2:
_tile_overlayer_lowered:
.L_overlay_start_2:
0x176: {  	(tag) =	ssettag $0x2  }
0x177: {  	s0 =	rddreg [dreg:$0x0];
	s2 =	stileid.u32  }
0x178: {  	s1 =	rddreg [dreg:$0x1];
	p0 =	sne.s32 s2, $0x0  }
0x179: {  	s3 =	rddreg [dreg:$0x2];
	[bflag:$0x3] =	sbarrier.arrive $0xFFFF;
	s2 =	simm.s32 @!p0 $0x1C0A  }
0x17a: {  	[timem:s3], [sflag:s2] =	dma.local @!p0 [hbm:s0], s1  }
0x17b: {  	s0 =	simm.s32 @!p0 $0xA  }
0x17c: {  	_ =	swait.ge @!p0 [sflag:s0], s1  }
0x17d: {  	s1 =	ssub.s32 @!p0 $0x0, s1;
	[sflag:s0] =	ssyncset.done @!p0 $0x0  }
0x17e: {  	[sflag:s0] =	ssyncadd.s32 @!p0 s1  }
0x17f: {  	[bflag:$0x3] =	sbarrier.arrive $0xFFFF  }
0x180: {  	_ =	shalt  }

// kernel: kernel.8.cloned.1.call-start
scs
__scs_entry_jumppad:
0x0: {  	(pc) =	sbr.rel $0x88, $3  }
0x1: {  	(tag) =	ssettag $0x0;
	lr =	simm.s32 $0x1  }
0x2: {  	[smem:$0x3F9D] =	sst lr;
	_ =	strace $0xD0000000  }
0x3: {  	_ = 	snop  }
0x4: {  	_ = 	snop  }
0x5: {  	_ = 	snop  }
0x6: {  	_ = 	snop  }
0x7: {  	_ = 	snop  }
__scs_overlays_trampoline_lowered:
0x8: {  	[smem:$0x3FAC] =	sst s0  }
0x9: {  	[smem:$0x3FAD] =	sst s1  }
0xa: {  	[smem:$0x3FAE] =	sst s2  }
0xb: {  	[smem:$0x3FAF] =	sst s3  }
0xc: {  	[smem:$0x3FB0] =	sst s4  }
0xd: {  	[smem:$0x3FB1] =	sst s5  }
0xe: {  	[smem:$0x3FB2] =	sst s6  }
0xf: {  	[smem:$0x3FB3] =	sst s7  }
0x10: {  	[smem:$0x3FB4] =	sst s8  }
0x11: {  	[smem:$0x3FB5] =	sst s9;
	s0 =	simm.s32 @!p0 $0x0  }
0x12: {  	s1 =	sld [smem:$0x3F9B];
	s0 =	simm.s32 @p0 $0x1  }
0x13: {  	[smem:$0x3FB6] =	sst s0;
	s0 =	simm.s32 @!p1 $0x0  }
0x14: {  	s2 =	sld [smem:$0x3F9A];
	s0 =	simm.s32 @p1 $0x1  }
0x15: {  	[smem:$0x3FB7] =	sst s0;
	s0 =	simm.s32 @!p2 $0x0  }
0x16: {  	s3 =	sld [smem:$0x3FDB];
	s0 =	simm.s32 @p2 $0x1  }
0x17: {  	s4 =	simm.s32 $0x1BF5;
	[smem:$0x3FB9] =	sst s0  }
0x18: {  	s0 =	sld [smem:$0x3F9C];
	_ =	swait.ge [sflag:s4], $0x0  }
0x19: {  	s7 =	sld [smem:$0x3F9D]  }
0x1a: {  	s8 =	sadd.s32 $0xFFFFE003, lr  }
0x1b: {  	s9 =	sadd.s32 $0xFFFFFEF7, lr;
	s5 =	simm.s32 $0xFFFFFFFF;
	p2 =	slt.u32 s8, $0xFFFFF086  }
0x1c: {  	p1 =	slt.u32 s9, $0xF7A;
	s5 =	simm.s32 @!p2 $0x0  }
0x1d: {  	s5 =	simm.s32 @p1 $0x1;
	p0 =	seq.s32 s7, s2  }
0x1e: {  	s7 =	smul.u32 @!p0 $0xF7A, s2;
	p2 =	seq.s32 @!p0 s5, $0x0  }
0x1f: {  	s9 =	smul.u32 $0xF7A, s1;
	s8 =	simm.s32 @!p0 $0x1BF5;
	p2 =	por !p2, p0  }
0x20: {  	[sflag:s8] =	ssyncset.s32 @!p0 $0xFFFFF086;
	s6 =	sadd.s32 @!p0 s3, s7;
	s7 =	simm.s32 @!p0 $0x108  }
0x21: {  	s3 =	sadd.s32 s3, s9;
	s6 =	sadd.s32 @!p0 $0x88, s6;
	s7 =	simm.s32 @p2 $0x1082  }
0x22: {  	[simem:s7], [sflag:s8] =	dma.local @!p0 [hbm:s6], $0xF7A  }
0x23: {  	s9 =	sor.u32 $0xD0000000, s2;
	s6 =	simm.s32 $0x108;
	_ =	swait.ge @!p0 [sflag:s8], $0x0  }
0x24: {  	s3 =	sadd.s32 $0x88, s3;
	s6 =	simm.s32 @!p1 $0x1082;
	[sflag:s4] =	ssyncset.s32 $0xFFFFF086  }
0x25: {  	[simem:s6], [sflag:s4] =	dma.local [hbm:s3], $0xF7A  }
0x26: {  	[smem:$0x3F9D] =	sst s1;
	(tag) =	ssettag s2;
	_ =	strace s9  }
0x27: {  	s1 =	sld [smem:$0x3FAD]  }
0x28: {  	s2 =	sld [smem:$0x3FAE]  }
0x29: {  	s4 =	sld [smem:$0x3FB0]  }
0x2a: {  	p0 =	seq.s32 s5, $0x0;
	s5 =	sld [smem:$0x3FB1]  }
0x2b: {  	s6 =	sld [smem:$0x3FB2]  }
0x2c: {  	s7 =	sld [smem:$0x3FB3]  }
0x2d: {  	s3 =	simm.s32 $0x108;
	s8 =	sld [smem:$0x3FB4]  }
0x2e: {  	s3 =	simm.s32 @!p0 $0x1082;
	s9 =	sld [smem:$0x3FB5]  }
0x2f: {  	lr =	sadd.s32 s0, s3;
	s0 =	sld [smem:$0x3FAC]  }
0x30: {  	s3 =	sld [smem:$0x3FAF]  }
0x31: {  	[smem:$0x3FB8] =	sst s10  }
0x32: {  	s10 =	sld [smem:$0x3FB6];
	_ =	sdelay $0x3  }
0x33: {  	p0 =	seq.s32 s10, $0x1;
	s10 =	sld [smem:$0x3FB8];
	_ =	sdelay $0x3  }
0x34: {  	[smem:$0x3FB8] =	sst s10  }
0x35: {  	s10 =	sld [smem:$0x3FB7];
	_ =	sdelay $0x3  }
0x36: {  	p1 =	seq.s32 s10, $0x1;
	s10 =	sld [smem:$0x3FB8];
	_ =	sdelay $0x3  }
0x37: {  	[smem:$0x3FB8] =	sst s10  }
0x38: {  	s10 =	sld [smem:$0x3FB9]  }
0x39: {  	_ = 	snop;
	(pc) =	sbr.ind lr, $3  }
0x3a: {  	_ = 	snop  }
0x3b: {  	_ = 	snop  }
0x3c: {  	p2 =	seq.s32 s10, $0x1;
	s10 =	sld [smem:$0x3FB8]  }
0x3d: {  	_ =	shalt  }
0x3e: {  	_ =	shalt  }
0x3f: {  	_ =	shalt  }
0x40: {  	_ =	shalt  }
0x41: {  	_ =	shalt  }
0x42: {  	_ =	shalt  }
0x43: {  	_ =	shalt  }
0x44: {  	_ =	shalt  }
0x45: {  	_ =	shalt  }
0x46: {  	_ =	shalt  }
0x47: {  	_ =	shalt  }
0x48: {  	_ =	shalt  }
0x49: {  	_ =	shalt  }
0x4a: {  	_ =	shalt  }
0x4b: {  	_ =	shalt  }
0x4c: {  	_ =	shalt  }
0x4d: {  	_ =	shalt  }
0x4e: {  	_ =	shalt  }
0x4f: {  	_ =	shalt  }
0x50: {  	_ =	shalt  }
0x51: {  	_ =	shalt  }
0x52: {  	_ =	shalt  }
0x53: {  	_ =	shalt  }
0x54: {  	_ =	shalt  }
0x55: {  	_ =	shalt  }
0x56: {  	_ =	shalt  }
0x57: {  	_ =	shalt  }
0x58: {  	_ =	shalt  }
0x59: {  	_ =	shalt  }
0x5a: {  	_ =	shalt  }
0x5b: {  	_ =	shalt  }
0x5c: {  	_ =	shalt  }
0x5d: {  	_ =	shalt  }
0x5e: {  	_ =	shalt  }
0x5f: {  	_ =	shalt  }
0x60: {  	_ =	shalt  }
0x61: {  	_ =	shalt  }
0x62: {  	_ =	shalt  }
0x63: {  	_ =	shalt  }
0x64: {  	_ =	shalt  }
0x65: {  	_ =	shalt  }
0x66: {  	_ =	shalt  }
0x67: {  	_ =	shalt  }
0x68: {  	_ =	shalt  }
0x69: {  	_ =	shalt  }
0x6a: {  	_ =	shalt  }
0x6b: {  	_ =	shalt  }
0x6c: {  	_ =	shalt  }
0x6d: {  	_ =	shalt  }
0x6e: {  	_ =	shalt  }
0x6f: {  	_ =	shalt  }
0x70: {  	_ =	shalt  }
0x71: {  	_ =	shalt  }
0x72: {  	_ =	shalt  }
0x73: {  	_ =	shalt  }
0x74: {  	_ =	shalt  }
0x75: {  	_ =	shalt  }
0x76: {  	_ =	shalt  }
0x77: {  	_ =	shalt  }
0x78: {  	_ =	shalt  }
0x79: {  	_ =	shalt  }
0x7a: {  	_ =	shalt  }
0x7b: {  	_ =	shalt  }
0x7c: {  	_ =	shalt  }
0x7d: {  	_ =	shalt  }
0x7e: {  	_ =	shalt  }
0x7f: {  	_ =	shalt  }
0x80: {  	_ =	shalt  }
0x81: {  	_ =	shalt  }
0x82: {  	_ =	shalt  }
0x83: {  	_ =	shalt  }
0x84: {  	_ =	shalt  }
0x85: {  	_ =	shalt  }
0x86: {  	_ =	shalt  }
0x87: {  	_ =	shalt  }
.Lfunc_end0:
.L_simem_size_0:
called_computation_lowered:
.L_overlay_start_0:
0x88: {  	s2 =	sld [smem:$0x3FD9]  }
0x89: {  	s3 =	sld [smem:$0x3FFE];
	_ =	sdelay $0x1  }
0x8a: {  	s1 =	srdreg.scid  }
0x8b: {  	s0 =	sand.u32 $0x1, s1  }
0x8c: {  	s17 =	sshll.u32 s0, $0xA;
	s2 =	sadd.s32 s3, s2  }
0x8d: {  	s2 =	sadd.s32 s2, s17  }
0x8e: {  	[smem:$0x3FC4] =	sst s2  }
0x8f: {  	_ = 	snop  }
0x90: {  	s2 =	sld [smem:$0x3FC9]  }
0x91: {  	s18 =	sld [smem:$0x3FD0];
	(tm) =	ssettm $0x1  }
0x92: {  	s4 =	sld [smem:$0x3FFB];
	_ =	sdelay $0x3  }
0x93: {  	_ =	strace s4  }
0x94: {  	s4 =	sld [smem:$0x3FFC];
	_ =	sdelay $0x3  }
0x95: {  	_ =	strace s4  }
0x96: {  	s4 =	sld [smem:$0x3FFD];
	_ =	sdelay $0x3  }
0x97: {  	_ =	strace s4  }
0x98: {  	_ =	strace $0x8FFFFFFF  }
0x99: {  	s19 =	sld [smem:$0x3FDB];
	_ =	sdelay $0x1  }
0x9a: {  	s5 =	simm.s32 $_scs_section_size  }
0x9b: {  	s6 =	simm.s32 $_size__tile_overlayer_lowered;
	s7 =	simm.s32 $_tile_overlayer_lowered  }
0x9c: {  	s22 =	simm.s32 $0x1BFF;
	s21 =	sshll.u32 s7, $0x1;
	s4 =	sadd.s32 s5, s19  }
0x9d: {  	s8 =	simm.s32 $0x0;
	s20 =	sshll.u32 s6, $0x1;
	s6 =	sadd.s32 s21, s4  }
0x9e: {  	[timem:s8], [sflag:s22] =	dma.local [hbm:s6], s20  }
0x9f: {  	_ =	swait.ge [sflag:s22], s20  }
0xa0: {  	s5 =	ssub.s32 $0x0, s20;
	[sflag:s22] =	ssyncset.done $0x0  }
0xa1: {  	[sflag:s22] =	ssyncadd.s32 s5;
	_ =	sdelay $0x1  }
0xa2: {  	s23 =	simm.s32 $0x1B8B  }
0xa3: {  	_ =	swait.ge [sflag:s23], $0x1  }
0xa4: {  	[sflag:s23] =	ssyncset.done $0x0  }
0xa5: {  	s25 =	simm.s32 $0x1B8E;
	s24 =	sld [smem:$0x3FFE];
	[sflag:s23] =	ssyncadd.s32 $0xFFFFFFFF  }
0xa6: {  	s26 =	simm.s32 $execute0_lowered;
	[smem:$0x3FD2] =	sst s25  }
0xa7: {  	s6 =	sshll.u32 s26, $0x1;
	_ =	strace $0x80000046;
	[dreg:$0x1] =	wrdreg $0xFFFFFFFF  }
0xa8: {  	s28 =	simm.s32 $_size_execute0_lowered;
	s4 =	sadd.s32 s4, s6;
	[dreg:$0x0] =	wrdreg $0x0  }
0xa9: {  	s6 =	sshll.u32 s28, $0x1;
	[dreg:$0x2] =	wrdreg s4  }
0xaa: {  	[dreg:$0x3] =	wrdreg s6  }
0xab: {  	[dreg:$0x4] =	wrdreg $0xC0  }
0xac: {  	_ =	task [dreg:s8], $0x5FFFF  }
0xad: {  	[dreg:$0x1] =	wrdreg $0xFFFFFFFF  }
0xae: {  	[dreg:$0x0] =	wrdreg $0x60  }
0xaf: {  	[dreg:$0x2] =	wrdreg s2  }
0xb0: {  	[dreg:$0x3] =	wrdreg s18  }
0xb1: {  	[dreg:$0x4] =	wrdreg s24  }
0xb2: {  	[dreg:$0x5] =	wrdreg $0x9  }
0xb3: {  	_ =	task.clear_ibuf [dreg:s8], $0x6FFFF;
	_ =	strace $0x90000046  }
0xb4: {  	s29 =	simm.s32 $0x9;
	_ =	strace $0x80000048  }
0xb5: {  	_ =	swait.ge [sflag:s29], $0x1  }
0xb6: {  	[sflag:s29] =	ssyncadd.s32 $0xFFFFFFFF  }
0xb7: {  	_ =	strace $0x90000048  }
0xb8: {  	_ =	sfence  }
0xb9: {  	s30 =	sld [smem:$0x0];
	_ =	sdelay $0x2  }
0xba: {  	s31 =	sshll.u32 s1, $0xD;
	s1 =	sshrl.u32 s1, $0x2  }
0xbb: {  	s3 =	sand.u32 $0x4000, s31;
	s1 =	sadd.s32 s1, s30  }
0xbc: {  	s0 =	sor.u32 s3, s0;
	s1 =	sshll.u32 s1, $0x11  }
0xbd: {  	s0 =	sor.u32 s1, s0  }
0xbe: {  	s0 =	sadd.s32 $0x8F2B, s0  }
0xbf: {  	[sflag:s0] =	ssyncadd.remote.s32 $0x1  }
0xc0: {  	_ =	sfence.sel $0xFFFF  }
0xc1: {  	[dreg:$0x0] =	wrdreg $0xFFFFFFFF;
	(pc) =	sbr.abs _section_cstart, $3  }
0xc2: {  	[dreg:$0x1] =	wrdreg $0xFFFFFFFF  }
0xc3: {  	_ =	task.clear_ibuf [dreg:s8], $0x2FFFF;
	_ =	strace $0x9FFFFFFF  }
0xc4: {  	(tm) =	ssettm $0x7FFFFFFF  }
0xc5: {  	_ =	shalt  }
tec
execute0_lowered:
.L_overlay_start_1:
0x0: {  	(tag) =	ssettag $0x1  }
0x1: {  	s1 =	rddreg [dreg:$0x0]  }
0x2: {  	s0 =	rddreg [dreg:$0x1]  }
0x3: {  	s2 =	rddreg [dreg:$0x2]  }
0x4: {  	s3 =	simm.s32 $0x0;
	s21 =	stileid.u32;
	s6 =	srdreg.scid  }
0x5: {  	s5 =	simm.s32 $0x45;
	s19 =	simm.s32 $0x80;
	s20 =	simm.s32 $0x1  }
0x6: {  	[smem:$0x7FF] =	sst s3;
	s4 =	sadd.s32 $0x1600, s2;
	p0 =	slt.u32 s21, $0x6  }
0x7: {  	s15 =	sand.u32 $0x1, s6;
	s22 =	sshll.u32 s21, $0x1;
	s14 =	sshll.u32 s21, $0x8  }
0x8: {  	s17 =	sshll.u32 s21, $0xF;
	s21 =	simm.s32 $0x100;
	_ =	strace $0x80000047  }
0x9: {  	s5 =	simm.s32 @!p0 $0x44;
	s7 =	ssub.s32 $0x2, s15;
	s9 =	sor.u32 s15, s22  }
0xa: {  	s16 =	sshll.u32 s15, $0x7;
	s18 =	sshll.u32 s15, $0xE;
	s22 =	simm.s32 $0x3  }
0xb: {  	s10 =	sadd.s32 $0xFFFFFFFF, s5;
	s23 =	sshrl.u32 s7, $0x1;
	s8 =	sshll.u32 s9, $0x4  }
0xc: {  	s12 =	sshll.u32 s9, $0xB;
	s29 =	sand.u32 $0x1, s5;
	s16 =	sor.u32 s16, s14  }
0xd: {  	s31 =	sor.u32 s18, s17;
	s17 =	sadd.s32 $0xFFFFFFFE, s5;
	s11 =	sand.u32 $0x1, s10  }
0xe: {  	s13 =	ssub.s32 s7, s23;
	s24 =	sadd.s32 s0, s8;
	s26 =	sshll.u32 s10, $0x10  }
0xf: {  	s28 =	sadd.s32 s4, s12;
	s12 =	sadd.s32 $0x5, s29;
	s16 =	sor.u32 $0x3000, s16  }
0x10: {  	s18 =	sor.u32 $0x80000, s31;
	s23 =	simm.s32 $0x2;
	s25 =	sshll.u32 s11, $0xE  }
0x11: {  	s7 =	sadd.s32 $0x3, s11;
	s9 =	sadd.s32 $0x5, s11;
	[dreg:$0x5] =	wrdreg s28  }
0x12: {  	s30 =	smax.u32 s13, $0x1;
	s14 =	sadd.s32 $0x200, s24;
	s16 =	sshrl.u32 s16, $0x3  }
0x13: {  	s13 =	smov.u32 s24;
	s8 =	sor.u32 $0x100, s25;
	[dreg:$0x7] =	wrdreg s30  }
0x14: {  	s15 =	sadd.s32 $0x400, s24;
	[dreg:$0x4] =	wrdreg s8;
	s8 =	sadd.s32 s26, s28  }
0x15: {  	s16 =	sadd.s32 s16, s0;
	s25 =	simm.s32 $0x0;
	[dreg:$0x6] =	wrdreg s8  }
.LBB2_1:
0x16: {  	[tilespmem:s3], [sflag:$0x1] =	stream.linear.gather [hbm4b:s13+s3], $0x80, $0x38;
	[tilespmem:$0x8100] =	vst v63  }
0x17: {  	_ = 	snop  }
0x18: {  	[tilespmem:s19], [sflag:$0x2] =	stream.linear.gather [hbm4b:s14+s3], $0x80, $0x38;
	[tilespmem:$0x8100] =	vst v63  }
0x19: {  	_ =	swait.ge [sflag:s20], $0x80  }
0x1a: {  	[sflag:s20] =	ssyncset.done $0x0  }
0x1b: {  	[sflag:s20] =	ssyncadd.s32 $0xFFFFFF80  }
0x1c: {  	[tilespmem:s21], [sflag:$0x3] =	stream.indirect.gather [hbm4b:s1+s19], $0x80, s3, s19, $0xb8;
	[tilespmem:$0x8100] =	vst v63  }
0x1d: {  	_ =	swait.ge [sflag:s22], $0x4000  }
0x1e: {  	[sflag:s22] =	ssyncset.done $0x0  }
0x1f: {  	[sflag:s22] =	ssyncadd.s32 $0xFFFFC000  }
0x20: {  	[tilespmem:s3], [sflag:$0x1] =	stream.linear.gather [hbm4b:s15+s3], $0x80, $0x38;
	[tilespmem:$0x8100] =	vst v63  }
0x21: {  	s0 =	rddreg [dreg:$0x5]  }
0x22: {  	[hbm4b:s0+s3] =	stream.linear.scatter [tilespmem:s21], [sflag:$0x5], $0x4000, $0x38;
	[tilespmem:$0x8100] =	vst v63  }
0x23: {  	s26 =	simm.s32 $0x2;
	_ =	swait.ge [sflag:s23], $0x80  }
0x24: {  	s0 =	sand.u32 $0x1, s26;
	[sflag:s23] =	ssyncset.done $0x0  }
0x25: {  	s24 =	simm.s32 $0x4100;
	s28 =	sadd.s32 $0x5, s0;
	[sflag:s23] =	ssyncadd.s32 $0xFFFFFF80  }
0x26: {  	[tilespmem:s24], [sflag:$0x4] =	stream.indirect.gather [hbm4b:s1+s19], $0x80, s19, s19, $0xb8;
	[tilespmem:$0x8100] =	vst v63  }
0x27: {  	_ =	swait.ge [sflag:s28], $0x4000  }
0x28: {  	s29 =	sxor.u32 $0x1, s0;
	[sflag:s28] =	ssyncset.done $0x0  }
0x29: {  	p0 =	sle.u32 s5, $0x3;
	[sflag:s28] =	ssyncadd.s32 $0xFFFFC000;
	s28 =	sadd.s32 $0x3, s29  }
0x2a: {  	s30 =	simm.s32 @!p0 $0x0;
	s29 =	simm.s32 $0x3;
	_ =	swait.ge [sflag:s28], $0x4000  }
0x2b: {  	s26 =	simm.s32 $0x1;
	s29 =	sand.u32 @!p0 $0x1, s29;
	[sflag:s28] =	ssyncset.done $0x0  }
0x2c: {  	[sflag:s28] =	ssyncadd.s32 $0xFFFFC000;
	s28 =	sshll.u32 @!p0 s29, $0x7;
	s29 =	sadd.s32 @!p0 $0x1, s29  }
0x2d: {  	[tilespmem:s28], [sflag:s29] =	stream.linear.gather @!p0 [hbm4b:s16+s30], $0x80, $0x38;
	[tilespmem:$0x8100] =	vst v63  }
0x2e: {  	s31 =	sadd.s32 $0x1, s0;
	s28 =	sand.u32 $0x1, s26;
	s29 =	sshrl.u32 s18, $0x3  }
0x2f: {  	p0 =	sne.s32 s17, $0x1;
	s30 =	sshll.u32 s28, $0xE;
	s29 =	sadd.s32 s4, s29  }
.Ltmp0:
0x30: {  	s28 =	sadd.s32 $0x5, s28;
	s30 =	sor.u32 $0x100, s30;
	(pc) =	sbr.rel @!p0 .LBB2_3-.Ltmp0, $4  }
0x31: {  	[hbm4b:s29+s3] =	stream.linear.scatter [tilespmem:s30], [sflag:s28], $0x4000, $0x38;
	[tilespmem:$0x8100] =	vst v63  }
0x32: {  	s2 =	sshll.u32 s0, $0xE;
	s28 =	sadd.s32 $0x80000, s18;
	_ =	swait.ge [sflag:s31], $0x80  }
0x33: {  	s30 =	sadd.s32 $0x3, s0;
	s29 =	sadd.s32 $0x200, s16;
	[sflag:s31] =	ssyncset.done $0x0  }
0x34: {  	[sflag:s31] =	ssyncadd.s32 $0xFFFFFF80;
	s31 =	sshll.u32 s0, $0x7;
	s0 =	sor.u32 $0x100, s2  }
.LBB2_2:
0x35: {  	[tilespmem:s0], [sflag:s30] =	stream.indirect.gather [hbm4b:s1+s19], $0x80, s31, s19, $0xb8;
	[tilespmem:$0x8100] =	vst v63  }
0x36: {  	s0 =	sadd.s32 $0x2, s26;
	s2 =	smov.u32 s26;
	s26 =	sadd.s32 $0x1, s26  }
0x37: {  	s0 =	sand.u32 $0x1, s0;
	s30 =	sand.u32 $0x1, s26;
	p0 =	sne.s32 s17, s26  }
0x38: {  	s31 =	sadd.s32 $0x5, s0;
	s24 =	sxor.u32 $0x1, s0;
	s8 =	sshll.u32 s30, $0xE  }
0x39: {  	s6 =	sshll.u32 s0, $0xE;
	_ =	swait.ge [sflag:s31], $0x4000  }
0x3a: {  	s11 =	sshrl.u32 s28, $0x3;
	s2 =	sadd.s32 $0x3, s2;
	[sflag:s31] =	ssyncset.done $0x0  }
0x3b: {  	s11 =	sadd.s32 s4, s11;
	s24 =	sadd.s32 $0x3, s24;
	[sflag:s31] =	ssyncadd.s32 $0xFFFFC000  }
0x3c: {  	p1 =	sge.u32 s2, s5;
	s10 =	sadd.s32 $0x1, s0;
	_ =	swait.ge [sflag:s24], $0x4000  }
0x3d: {  	s2 =	sand.u32 @!p1 $0x1, s2;
	s31 =	simm.s32 @!p1 $0x0;
	[sflag:s24] =	ssyncset.done $0x0  }
0x3e: {  	[sflag:s24] =	ssyncadd.s32 $0xFFFFC000;
	s24 =	sshll.u32 @!p1 s2, $0x7;
	s2 =	sadd.s32 @!p1 $0x1, s2  }
0x3f: {  	[tilespmem:s24], [sflag:s2] =	stream.linear.gather @!p1 [hbm4b:s29+s31], $0x80, $0x38;
	[tilespmem:$0x8100] =	vst v63  }
.Ltmp1:
0x40: {  	s2 =	sor.u32 $0x100, s8;
	s8 =	sadd.s32 $0x5, s30;
	(pc) =	sbr.rel @p0 .LBB2_2-.Ltmp1, $4  }
0x41: {  	[hbm4b:s11+s3] =	stream.linear.scatter [tilespmem:s2], [sflag:s8], $0x4000, $0x38;
	[tilespmem:$0x8100] =	vst v63  }
0x42: {  	s28 =	sadd.s32 $0x80000, s28;
	_ =	swait.ge [sflag:s10], $0x80  }
0x43: {  	s30 =	sadd.s32 $0x3, s0;
	s29 =	sadd.s32 $0x200, s29;
	[sflag:s10] =	ssyncset.done $0x0  }
0x44: {  	s31 =	sshll.u32 s0, $0x7;
	s0 =	sor.u32 $0x100, s6;
	[sflag:s10] =	ssyncadd.s32 $0xFFFFFF80  }
.LBB2_3:
0x45: {  	[tilespmem:s0], [sflag:s30] =	stream.indirect.gather [hbm4b:s1+s19], $0x80, s31, s19, $0xb8;
	[tilespmem:$0x8100] =	vst v63  }
0x46: {  	_ =	swait.ge [sflag:s7], $0x4000  }
0x47: {  	[sflag:s7] =	ssyncset.done $0x0;
	s30 =	rddreg [dreg:$0x4]  }
0x48: {  	s2 =	rddreg [dreg:$0x6];
	[sflag:s7] =	ssyncadd.s32 $0xFFFFC000  }
0x49: {  	[hbm4b:s2+s3] =	stream.linear.scatter [tilespmem:s30], [sflag:s9], $0x4000, $0x38;
	[tilespmem:$0x8100] =	vst v63  }
0x4a: {  	_ =	swait.ge [sflag:s12], $0x4000  }
0x4b: {  	[sflag:s12] =	ssyncset.done $0x0  }
0x4c: {  	[sflag:s12] =	ssyncadd.s32 $0xFFFFC000  }
0x4d: {  	_ =	swait.ge [sflag:s9], $0x4000  }
0x4e: {  	s25 =	sadd.s32 $0x1, s25;
	s31 =	rddreg [dreg:$0x7]  }
0x4f: {  	p0 =	sne.s32 s25, s31  }
.Ltmp2:
0x50: {  	_ = 	snop;
	(pc) =	sbr.rel @p0 .LBB2_1-.Ltmp2, $3  }
0x51: {  	_ =	sdelay $0x1  }
0x52: {  	[sflag:s9] =	ssyncset.done $0x0  }
0x53: {  	[sflag:s9] =	ssyncadd.s32 $0xFFFFC000  }
0x54: {  	_ =	sfence.sel $0x180000  }
0x55: {  	[bflag:$0x0] =	sbarrier.arrive $0xFFFF  }
0x56: {  	_ =	strace $0x90000047  }
0x57: {  	s0 =	stileid.u32;
	[bflag:$0x2] =	sbarrier.arrive $0xFFFF  }
0x58: {  	p0 =	sne.s32 s0, $0x0;
	s0 =	rddreg [dreg:$0x3]  }
0x59: {  	s0 =	sadd.s32 @!p0 $0x100000, s0  }
0x5a: {  	[sflag:s0] =	ssyncadd.tile.s32 @!p0 $0x1;
	_ =	shalt  }
.Lfunc_end2:
_tile_overlayer_lowered:
.L_overlay_start_2:
0x5b: {  	(tag) =	ssettag $0x2  }
0x5c: {  	s0 =	rddreg [dreg:$0x0];
	s2 =	stileid.u32  }
0x5d: {  	s1 =	rddreg [dreg:$0x1];
	p0 =	sne.s32 s2, $0x0  }
0x5e: {  	s3 =	rddreg [dreg:$0x2];
	[bflag:$0x3] =	sbarrier.arrive $0xFFFF;
	s2 =	simm.s32 @!p0 $0x1C07  }
0x5f: {  	[timem:s3], [sflag:s2] =	dma.local @!p0 [hbm:s0], s1  }
0x60: {  	s0 =	simm.s32 @!p0 $0x7  }
0x61: {  	_ =	swait.ge @!p0 [sflag:s0], s1  }
0x62: {  	s1 =	ssub.s32 @!p0 $0x0, s1;
	[sflag:s0] =	ssyncset.done @!p0 $0x0  }
0x63: {  	[sflag:s0] =	ssyncadd.s32 @!p0 s1  }
0x64: {  	[bflag:$0x3] =	sbarrier.arrive $0xFFFF  }
0x65: {  	_ =	shalt  }

</sc_bundles>
